<compile_context>
chip_gen: v7x
topology: tpu7x:2x2x1
jax: 0.10.2.dev20260603
libtpu: 0.0.44.dev20260713+nightly
codegen_flags: <defaults>
</compile_context>

<pallas_src>
import functools

import numpy as np
import jax
import jax.numpy as jnp
from jax import lax
from jax.experimental import pallas as pl
from jax.experimental.pallas import tpu as pltpu
from jax.experimental.pallas import tpu_sc as plsc

_NCLS = 17
_KSUB = 6
_DIM = 64
_PIX = 150
_TEMP = np.float32(0.1)
_NS = 2000
_NP = 2048
_B, _H, _W = 8, 128, 128
_HW = _H * _W
_N = _B * _HW
_QROWS = _NCLS * _KSUB * _PIX
_QPAD = 15360
_HALF = _QPAD // 2
_QT = 1536
_RB = 256

_QS = np.array([0.95, 0.85, 0.75, 0.65, 0.55], dtype=np.float32)
_QIDX = (_QS * np.float32(_N - 1)).astype(np.float32)
_RLO = np.floor(_QIDX).astype(np.int64)
_RHI = np.ceil(_QIDX).astype(np.int64)
_WHI = (_QIDX - _RLO.astype(np.float32)).astype(np.float32)
_WLO = (np.float32(1.0) - _WHI).astype(np.float32)

_SC_MESH = plsc.VectorSubcoreMesh(core_axis_name="c", subcore_axis_name="s")


@functools.partial(
    pl.kernel,
    mesh=_SC_MESH,
    out_type=[
        jax.ShapeDtypeStruct((32, 32, 128), jnp.float32),
        jax.ShapeDtypeStruct((32, 64), jnp.float32),
        jax.ShapeDtypeStruct((32, 64), jnp.int32),
    ],
    scratch_types=[
        pltpu.VMEM((32, 128), jnp.int32),
        pltpu.VMEM((32, 128), jnp.float32),
        pltpu.VMEM((64,), jnp.int32),
        pltpu.VMEM((64,), jnp.float32),
        pltpu.VMEM((64,), jnp.int32),
        pltpu.SemaphoreType.DMA,
    ],
)
def _sc_gather(feat_hbm, idxf_hbm, idxa_hbm, curv_hbm, lab_hbm,
               outf_hbm, outc_hbm, outl_hbm,
               idxf_v, rows_v, idxa_v, c_v, l_v, sem):
    wid = lax.axis_index("s") * 2 + lax.axis_index("c")
    pltpu.sync_copy(idxf_hbm.at[wid], idxf_v)
    pltpu.sync_copy(idxa_hbm.at[wid], idxa_v)
    handles = []
    for t in range(32):
        handles.append(
            pltpu.async_copy(feat_hbm.at[idxf_v.at[t]], rows_v.at[t], sem))
    handles.append(pltpu.async_copy(curv_hbm.at[idxa_v], c_v, sem))
    handles.append(pltpu.async_copy(lab_hbm.at[idxa_v], l_v, sem))
    for h in handles:
        h.wait()
    pltpu.sync_copy(rows_v, outf_hbm.at[wid])
    pltpu.sync_copy(c_v, outc_hbm.at[wid])
    pltpu.sync_copy(l_v, outl_hbm.at[wid])


def _prep_body(curv_ref, xr_ref, ccol_ref, crow_ref, lcol_ref, lrow_ref,
               xn_ref, y_ref, pos_ref, win_ref):
    bits = lax.bitcast_convert_type(curv_ref[...], jnp.int32)

    ths = []
    for k in range(5):
        r_lo = int(_RLO[k])
        r_hi = int(_RHI[k])

        def body(_, lohi, r_lo=r_lo):
            lo, hi = lohi
            mid = lax.div(lo + hi, jnp.int32(2))
            cnt = jnp.sum((bits <= mid).astype(jnp.int32))
            gi = (cnt >= (r_lo + 1)).astype(jnp.int32)
            return (lo + (1 - gi) * (mid + 1 - lo), hi + gi * (mid - hi))

        lo, _ = lax.fori_loop(0, 31, body,
                              (jnp.int32(0), jnp.int32(1 << 30)))
        cle = jnp.sum((bits <= lo).astype(jnp.int32))
        nxt = jnp.min(jnp.where(bits > lo, bits, jnp.int32(0x7FFFFFFF)))
        sel = (cle >= (r_hi + 1)).astype(jnp.int32)
        hi_bits = nxt + sel * (lo - nxt)
        lo_val = lax.bitcast_convert_type(lo, jnp.float32)
        hi_val = lax.bitcast_convert_type(hi_bits, jnp.float32)
        ths.append(lo_val * jnp.float32(_WLO[k]) +
                   hi_val * jnp.float32(_WHI[k]))

    def binning(cv, lv, n, valid):
        sub = jnp.zeros_like(lv)
        for th in ths:
            sub = sub + (cv < th).astype(jnp.int32)
        y = jnp.where(valid, lv * _KSUB + sub, -1)
        pos = jnp.where(valid, y * _PIX + n % _PIX, jnp.int32(1 << 20))
        return y, pos

    n_col = lax.broadcasted_iota(jnp.int32, (_NP, 1), 0)
    n_row = lax.broadcasted_iota(jnp.int32, (1, _NP), 1)
    y_col, pos_col = binning(ccol_ref[...], lcol_ref[...], n_col,
                             n_col < _NS)
    _, pos_row = binning(crow_ref[...], lrow_ref[...], n_row, n_row < _NS)

    wins = []
    for cb in range(_NP // _RB):
        pc = pos_col[cb * _RB:(cb + 1) * _RB, :]
        nc = n_col[cb * _RB:(cb + 1) * _RB, :]
        coll = ((pc == pos_row) & (n_row > nc)).astype(jnp.int32)
        wins.append(1 - jnp.max(coll, axis=1, keepdims=True))
    win_col = jnp.concatenate(wins, axis=0)

    x = xr_ref[...]
    ss = jnp.sum(x * x, axis=1, keepdims=True)
    xnorm = x / (jnp.sqrt(ss) + jnp.float32(1e-12))
    xn_ref[...] = jnp.concatenate(
        [xnorm, jnp.zeros((_NP, 128 - _DIM), jnp.float32)], axis=1)
    y_ref[...] = y_col
    pos_ref[...] = pos_col
    win_ref[...] = win_col


_prep_call = pl.pallas_call(
    _prep_body,
    out_shape=[
        jax.ShapeDtypeStruct((_NP, 128), jnp.float32),
        jax.ShapeDtypeStruct((_NP, 1), jnp.int32),
        jax.ShapeDtypeStruct((_NP, 1), jnp.int32),
        jax.ShapeDtypeStruct((_NP, 1), jnp.int32),
    ],
)


@functools.partial(
    pl.kernel,
    mesh=_SC_MESH,
    out_type=jax.ShapeDtypeStruct((_QPAD, 128), jnp.float32),
    scratch_types=[
        pltpu.VMEM((480, 128), jnp.float32),
        pltpu.VMEM((128, 128), jnp.float32),
        pltpu.VMEM((128,), jnp.int32),
        pltpu.SemaphoreType.DMA,
    ],
)
def _sc_scatter(qpad_hbm, xn_hbm, sidx_hbm, out_hbm, cp_v, xr_v, idx_v, sem):
    c = lax.axis_index("c")
    s = lax.axis_index("s")
    r0 = c * _HALF + s * 480
    pltpu.sync_copy(qpad_hbm.at[pl.ds(r0, 480)], cp_v)
    pltpu.sync_copy(cp_v, out_hbm.at[pl.ds(r0, 480)])
    plsc.subcore_barrier()
    pltpu.sync_copy(xn_hbm.at[pl.ds(s * 128, 128)], xr_v)
    pltpu.sync_copy(sidx_hbm.at[c, s], idx_v)
    pltpu.async_copy(xr_v, out_hbm.at[idx_v], sem).wait()


def _main_body(xn_ref, ycol_ref, yrow_ref, newq_ref, cc_ref, out_ref, acc):
    pid = pl.program_id(0)
    i0 = pid * _RB
    xb = xn_ref[pl.ds(i0, _RB), :]
    yb = ycol_ref[pl.ds(i0, _RB), :]
    y_row = yrow_ref[...]
    rowid = i0 + lax.broadcasted_iota(jnp.int32, (_RB, 1), 0)
    valid_i = (rowid < _NS).astype(jnp.float32)

    dn = (((1,), (1,)), ((), ()))
    adc = lax.dot_general(xb, xn_ref[...], dn,
                          preferred_element_type=jnp.float32) / _TEMP
    col = lax.broadcasted_iota(jnp.int32, (1, _NP), 1)
    vj = (col < _NS)
    vjf = vj.astype(jnp.float32)
    m1 = jnp.max(jnp.where(vj, adc, jnp.float32(-1e30)), axis=1,
                 keepdims=True)
    lg = adc - m1
    el = jnp.exp(lg)
    mask_y = (yb == y_row)
    negraw = jnp.sum(el * (1.0 - mask_y.astype(jnp.float32)) * vjf,
                     axis=1, keepdims=True)

    m = jnp.full((_RB, 1), -1e30, jnp.float32)
    sacc = jnp.zeros((_RB, 1), jnp.float32)
    for t in range(_QPAD // _QT):
        qt = newq_ref[pl.ds(t * _QT, _QT), :]
        bt = lax.dot_general(xb, qt, dn,
                             preferred_element_type=jnp.float32) / _TEMP
        colq = t * _QT + lax.broadcasted_iota(jnp.int32, (1, _QT), 1)
        vq = colq < _QROWS
        btm = jnp.where(vq, bt, jnp.float32(-1e30))
        mnew = jnp.maximum(m, jnp.max(btm, axis=1, keepdims=True))
        keep = (vq & (colq // _PIX != yb)).astype(jnp.float32)
        ex = jnp.exp(btm - mnew) * keep
        sacc = sacc * jnp.exp(m - mnew) + jnp.sum(ex, axis=1, keepdims=True)
        m = mnew
    negq = sacc

    lp = lg - jnp.log(el + negq + negraw)
    jeq = (col == rowid)
    mp = (mask_y & jnp.logical_not(jeq) & vj).astype(jnp.float32) * valid_i
    dsum = jnp.sum(mp, axis=1, keepdims=True)
    mlpp = jnp.sum(mp * lp, axis=1, keepdims=True) / jnp.maximum(dsum, 1.0)
    vld = (dsum > 0).astype(jnp.float32)
    s1 = jnp.sum(mlpp * vld)
    s2 = jnp.sum(vld)

    a2 = lax.dot_general(xb, cc_ref[...], dn,
                         preferred_element_type=jnp.float32) / _TEMP
    col2 = lax.broadcasted_iota(jnp.int32, (1, 128), 1)
    v2 = col2 < (_NCLS * _KSUB)
    v2f = v2.astype(jnp.float32)
    m2 = jnp.max(jnp.where(v2, a2, jnp.float32(-1e30)), axis=1,
                 keepdims=True)
    l2 = a2 - m2
    e2 = jnp.exp(l2)
    mask2 = (yb == col2).astype(jnp.float32)
    neg2 = jnp.sum(e2 * (1.0 - mask2) * v2f, axis=1, keepdims=True)
    lp2 = l2 - jnp.log(e2 + neg2)
    d2 = jnp.sum(mask2, axis=1, keepdims=True)
    ml2 = jnp.sum(mask2 * lp2, axis=1, keepdims=True) / jnp.maximum(d2, 1.0)
    s3 = jnp.sum(ml2 * valid_i)

    @pl.when(pid == 0)
    def _():
        acc[0] = 0.0
        acc[1] = 0.0
        acc[2] = 0.0

    acc[0] = acc[0] + s1
    acc[1] = acc[1] + s2
    acc[2] = acc[2] + s3

    @pl.when(pid == pl.num_programs(0) - 1)
    def _():
        loss_ppc = -_TEMP * acc[0] / jnp.maximum(acc[1], 1.0)
        loss_pcc = -_TEMP * (acc[2] / jnp.float32(_NS))
        out_ref[...] = jnp.full((1, 1), loss_ppc + loss_pcc, jnp.float32)


_main_call = pl.pallas_call(
    _main_body,
    grid=(_NP // _RB,),
    in_specs=[
        pl.BlockSpec((_NP, 128), lambda i: (0, 0)),
        pl.BlockSpec((_NP, 1), lambda i: (0, 0)),
        pl.BlockSpec((1, _NP), lambda i: (0, 0)),
        pl.BlockSpec((_QPAD, 128), lambda i: (0, 0)),
        pl.BlockSpec((128, 128), lambda i: (0, 0)),
    ],
    out_specs=pl.BlockSpec((1, 1), lambda i: (0, 0)),
    out_shape=jax.ShapeDtypeStruct((1, 1), jnp.float32),
    scratch_shapes=[pltpu.SMEM((4,), jnp.float32)],
    compiler_params=pltpu.CompilerParams(
        dimension_semantics=("arbitrary",)),
)


def kernel(feats, labels, predict, cur, point_queue, cluster_center,
           anchor_idx):
    del labels
    feats_flat = feats.reshape(-1)
    curv = cur.reshape(-1)
    labf = predict.reshape(-1).astype(jnp.int32)
    aidx = anchor_idx.astype(jnp.int32)
    apad = jnp.concatenate(
        [aidx, jnp.zeros((_NP - _NS,), jnp.int32)])
    bidx = apad // _HW
    hw = apad % _HW
    base = bidx * (_DIM * _HW) + hw
    widx = (base[:, None] +
            (jnp.arange(_DIM, dtype=jnp.int32) * _HW)[None, :])
    idxf = widx.reshape(32, 32, 128)
    idxa = apad.reshape(32, 64)

    g_f, g_c, g_l = _sc_gather(feats_flat, idxf, idxa, curv, labf)
    xr = g_f.reshape(_NP, _DIM)
    c_all = g_c.reshape(_NP)
    l_all = g_l.reshape(_NP)

    xn, y_col, pos_col, win_col = _prep_call(
        curv.reshape(1024, 128), xr,
        c_all.reshape(_NP, 1), c_all.reshape(1, _NP),
        l_all.reshape(_NP, 1), l_all.reshape(1, _NP))

    nvec = jnp.arange(_NP, dtype=jnp.int32).reshape(_NP, 1)
    ok = (win_col == 1) & (nvec < _NS)
    s0 = jnp.where(ok & (pos_col < _HALF), pos_col, jnp.int32(15308))
    s1 = jnp.where(ok & (pos_col >= _HALF) & (pos_col < _QROWS), pos_col,
                   jnp.int32(15316))
    sidx = jnp.stack([s0.reshape(16, 128), s1.reshape(16, 128)], axis=0)

    qp = jnp.concatenate(
        [point_queue.reshape(_QROWS, _DIM),
         jnp.zeros((_QPAD - _QROWS, _DIM), jnp.float32)], axis=0)
    qpad = jnp.concatenate(
        [qp, jnp.zeros((_QPAD, 128 - _DIM), jnp.float32)], axis=1)
    newq = _sc_scatter(qpad, xn, sidx)

    cc0 = jnp.concatenate(
        [cluster_center.reshape(_NCLS * _KSUB, _DIM),
         jnp.zeros((128 - _NCLS * _KSUB, _DIM), jnp.float32)], axis=0)
    ccp = jnp.concatenate(
        [cc0, jnp.zeros((128, 128 - _DIM), jnp.float32)], axis=1)
    out = _main_call(xn, y_col, y_col.reshape(1, _NP), newq, ccp)
    return out[0, 0]

# --- scband reference (transcript-rebuilt; emitter-appended) ---
"""Pipeline reference for scband-native-contrast-loss-subclass-24876450578883 (READ-ONLY COPY).

The authoritative reference and input builder live on the scoring server;
editing this copy changes nothing except your own understanding.
"""

import jax, jax.numpy as jnp
import numpy as np

NUM_CLASSES = 17
K = 6
DIM = 64
PIXEL_SIZE = 150
TEMP = 0.1
BASE_TEMP = 1.0
SAMPLE_NUMS = 2000
B, H, W = 8, 128, 128


def _l2norm(x, axis):
    return x / (jnp.linalg.norm(x, axis=axis, keepdims=True) + 1e-12)


def setup_inputs(seed: int = 0):
    key = jax.random.key(seed)
    ks = jax.random.split(key, 7)
    feats = jax.random.normal(ks[0], (B, DIM, H, W), dtype=jnp.float32)
    labels = jax.random.randint(ks[1], (B, H, W), 0, NUM_CLASSES)
    predict = jax.random.randint(ks[2], (B, H, W), 0, NUM_CLASSES)
    cur = jax.random.uniform(ks[3], (B, H, W), dtype=jnp.float32)
    point_queue = _l2norm(jax.random.normal(ks[4], (NUM_CLASSES * K, PIXEL_SIZE, DIM), dtype=jnp.float32), 2)
    cluster_center = _l2norm(jax.random.normal(ks[5], (NUM_CLASSES, K, DIM), dtype=jnp.float32), 2)
    anchor_idx = jax.random.randint(ks[6], (SAMPLE_NUMS,), 0, B * H * W)
    return {"feats": feats, "labels": labels, "predict": predict, "cur": cur,
            "point_queue": point_queue, "cluster_center": cluster_center, "anchor_idx": anchor_idx}


def _forward(feats, cur, point_queue, cluster_center, predict, anchor_idx):
    f = _l2norm(feats, 1)
    flat = jnp.transpose(f, (0, 2, 3, 1)).reshape(-1, DIM)
    lab = predict.reshape(-1)
    curv = cur.reshape(-1)
    X_ = flat[anchor_idx]
    base_cls = lab[anchor_idx]
    c = curv[anchor_idx]
    ths = jnp.quantile(curv, jnp.array([0.95, 0.85, 0.75, 0.65, 0.55], dtype=jnp.float32))
    sub = jnp.sum((c[:, None] < ths[None, :]).astype(jnp.int32), axis=1)
    y_ = base_cls * K + sub
    qflat = point_queue.reshape(NUM_CLASSES * K * PIXEL_SIZE, DIM)
    slot = jnp.arange(SAMPLE_NUMS) % PIXEL_SIZE
    pos = y_ * PIXEL_SIZE + slot
    new_q = qflat.at[pos].set(X_)
    y_col = y_[:, None]
    mask = (y_col == y_[None, :]).astype(jnp.float32)
    adc = jnp.matmul(X_, X_.T) / TEMP
    logits = adc - jax.lax.stop_gradient(jnp.max(adc, axis=1, keepdims=True))
    logits_mask = 1.0 - jnp.eye(SAMPLE_NUMS, dtype=jnp.float32)
    neg_mask_raw = 1.0 - mask
    mask_pos = mask * logits_mask
    y_contrast = jnp.repeat(jnp.arange(NUM_CLASSES * K), PIXEL_SIZE)
    neg_mask = 1.0 - (y_col == y_contrast[None, :]).astype(jnp.float32)
    adc_neg = jnp.matmul(X_, new_q.T) / TEMP
    logits_neg = adc_neg - jax.lax.stop_gradient(jnp.max(adc_neg, axis=1, keepdims=True))
    neg_logits_raw = jnp.sum(jnp.exp(logits) * neg_mask_raw, axis=1, keepdims=True)
    neg_logits = jnp.sum(jnp.exp(logits_neg) * neg_mask, axis=1, keepdims=True)
    exp_logits = jnp.exp(logits)
    log_prob = logits - jnp.log(exp_logits + neg_logits + neg_logits_raw)
    denom = jnp.sum(mask_pos, axis=1)
    valid = (denom > 0).astype(jnp.float32)
    mlpp = jnp.sum(mask_pos * log_prob, axis=1) / jnp.maximum(denom, 1.0)
    loss_ppc = -(TEMP / BASE_TEMP) * jnp.sum(mlpp * valid) / jnp.maximum(jnp.sum(valid), 1.0)
    cc = cluster_center.reshape(NUM_CLASSES * K, DIM)
    mask2 = (y_col == jnp.arange(NUM_CLASSES * K)[None, :]).astype(jnp.float32)
    adc2 = jnp.matmul(X_, cc.T) / TEMP
    logits2 = adc2 - jax.lax.stop_gradient(jnp.max(adc2, axis=1, keepdims=True))
    neg2 = jnp.sum(jnp.exp(logits2) * (1.0 - mask2), axis=1, keepdims=True)
    log_prob2 = logits2 - jnp.log(jnp.exp(logits2) + neg2)
    denom2 = jnp.sum(mask2, axis=1)
    mlpp2 = jnp.sum(mask2 * log_prob2, axis=1) / jnp.maximum(denom2, 1.0)
    loss_pcc = -(TEMP / BASE_TEMP) * jnp.mean(mlpp2)
    return loss_ppc + loss_pcc


def reference(feats, labels, predict, cur, point_queue, cluster_center, anchor_idx):
    return _forward(feats, cur, point_queue, cluster_center, predict, anchor_idx)

if __name__ == "__main__":
    import jax
    _d = setup_inputs()
    print(jax.jit(kernel)(*tuple(_d.values())))

</pallas_src>

<mosaic_0001>
#map = affine_map<(d0, d1) -> (0, 0)>
#map1 = affine_map<(d0, d1) -> (0, 0, 0)>
module attributes {stable_mosaic.version = 14 : i64} {
  func.func @_sc_scatter(%arg0: i32, %arg1: i32, %arg2: memref<15360x128xf32, #tpu.memory_space<hbm>>, %arg3: memref<2048x128xf32, #tpu.memory_space<hbm>>, %arg4: memref<2x16x128xi32, #tpu.memory_space<hbm>>, %arg5: memref<15360x128xf32, #tpu.memory_space<hbm>>, %arg6: memref<480x128xf32, #tpu.memory_space<vmem>>, %arg7: memref<128x128xf32, #tpu.memory_space<vmem>>, %arg8: memref<128xi32, #tpu.memory_space<vmem>>, %arg9: memref<!tpu.dma_semaphore, #tpu.memory_space<semaphore_mem>>) attributes {dimension_semantics = [#tpu.dimension_semantics<core_parallel>, #tpu.dimension_semantics<subcore_parallel>], iteration_bounds = array<i64: 2, 16>, scalar_prefetch = 0 : i64, scratch_operands = 4 : i64, tpu.core_type = #tpu.core_type<sc_vector_subcore>, window_params = [{transform_indices = #map}, {transform_indices = #map}, {transform_indices = #map1}, {transform_indices = #map}]} {
    %mul3A = arith.constant 7680 : i32
    %mul3A_0 = arith.muli %arg0, %mul3A : i32
    %mul3A_1 = arith.constant 480 : i32
    %mul3A_2 = arith.muli %arg1, %mul3A_1 : i32
    %add3A = arith.addi %mul3A_0, %mul3A_2 : i32
    "tpu.region"() ({
      %run_scoped3A = tpu.sem_alloc : memref<!tpu.dma_semaphore, #tpu.memory_space<semaphore_mem>>
      %dma_start3A_9 = arith.constant 0 : i32
      %dma_start3A_10 = tpu.memref_slice %arg2[%add3A, %dma_start3A_9] : memref<15360x128xf32, #tpu.memory_space<hbm>> -> memref<480x128xf32, #tpu.memory_space<hbm>>
      %dma_start3A_11 = arith.constant 0 : i32
      %dma_start3A_12 = tpu.memref_slice %arg2[%add3A, %dma_start3A_11] : memref<15360x128xf32, #tpu.memory_space<hbm>> -> memref<480x128xf32, #tpu.memory_space<hbm>>
      tpu.enqueue_dma source(%dma_start3A_12 : memref<480x128xf32, #tpu.memory_space<hbm>>) target(%arg6 : memref<480x128xf32, #tpu.memory_space<vmem>>) target_semaphore(%run_scoped3A : memref<!tpu.dma_semaphore, #tpu.memory_space<semaphore_mem>>)
      %dma_wait3A_13 = arith.constant 0 : i32
      %dma_wait3A_14 = tpu.memref_slice %arg2[%add3A, %dma_wait3A_13] : memref<15360x128xf32, #tpu.memory_space<hbm>> -> memref<480x128xf32, #tpu.memory_space<hbm>>
      %dma_wait3A_15 = arith.constant 0 : i32
      %dma_wait3A_16 = tpu.memref_slice %arg2[%add3A, %dma_wait3A_15] : memref<15360x128xf32, #tpu.memory_space<hbm>> -> memref<480x128xf32, #tpu.memory_space<hbm>>
      tpu.wait_dma2 semaphore(%run_scoped3A : memref<!tpu.dma_semaphore, #tpu.memory_space<semaphore_mem>>) src(%dma_wait3A_16 : memref<480x128xf32, #tpu.memory_space<hbm>>) dst(%arg6 : memref<480x128xf32, #tpu.memory_space<vmem>>)
      tpu.yield
    }) : () -> ()
    "tpu.region"() ({
      %run_scoped3A = tpu.sem_alloc : memref<!tpu.dma_semaphore, #tpu.memory_space<semaphore_mem>>
      %dma_start3A_9 = arith.constant 0 : i32
      %dma_start3A_10 = tpu.memref_slice %arg5[%add3A, %dma_start3A_9] : memref<15360x128xf32, #tpu.memory_space<hbm>> -> memref<480x128xf32, #tpu.memory_space<hbm>>
      %dma_start3A_11 = arith.constant 0 : i32
      %dma_start3A_12 = tpu.memref_slice %arg5[%add3A, %dma_start3A_11] : memref<15360x128xf32, #tpu.memory_space<hbm>> -> memref<480x128xf32, #tpu.memory_space<hbm>>
      tpu.enqueue_dma source(%arg6 : memref<480x128xf32, #tpu.memory_space<vmem>>) target(%dma_start3A_12 : memref<480x128xf32, #tpu.memory_space<hbm>>) target_semaphore(%run_scoped3A : memref<!tpu.dma_semaphore, #tpu.memory_space<semaphore_mem>>)
      %dma_wait3A_13 = arith.constant 0 : i32
      %dma_wait3A_14 = tpu.memref_slice %arg5[%add3A, %dma_wait3A_13] : memref<15360x128xf32, #tpu.memory_space<hbm>> -> memref<480x128xf32, #tpu.memory_space<hbm>>
      %dma_wait3A_15 = arith.constant 0 : i32
      %dma_wait3A_16 = tpu.memref_slice %arg5[%add3A, %dma_wait3A_15] : memref<15360x128xf32, #tpu.memory_space<hbm>> -> memref<480x128xf32, #tpu.memory_space<hbm>>
      tpu.wait_dma2 semaphore(%run_scoped3A : memref<!tpu.dma_semaphore, #tpu.memory_space<semaphore_mem>>) src(%arg6 : memref<480x128xf32, #tpu.memory_space<vmem>>) dst(%dma_wait3A_16 : memref<480x128xf32, #tpu.memory_space<hbm>>)
      tpu.yield
    }) : () -> ()
    %barrier3A = arith.constant 0 : index
    tpu.barrier barrier_id(%barrier3A)
    %mul3A_3 = arith.constant 128 : i32
    %mul3A_4 = arith.muli %arg1, %mul3A_3 : i32
    "tpu.region"() ({
      %run_scoped3A = tpu.sem_alloc : memref<!tpu.dma_semaphore, #tpu.memory_space<semaphore_mem>>
      %dma_start3A_9 = arith.constant 0 : i32
      %dma_start3A_10 = tpu.memref_slice %arg3[%mul3A_4, %dma_start3A_9] : memref<2048x128xf32, #tpu.memory_space<hbm>> -> memref<128x128xf32, #tpu.memory_space<hbm>>
      %dma_start3A_11 = arith.constant 0 : i32
      %dma_start3A_12 = tpu.memref_slice %arg3[%mul3A_4, %dma_start3A_11] : memref<2048x128xf32, #tpu.memory_space<hbm>> -> memref<128x128xf32, #tpu.memory_space<hbm>>
      tpu.enqueue_dma source(%dma_start3A_12 : memref<128x128xf32, #tpu.memory_space<hbm>>) target(%arg7 : memref<128x128xf32, #tpu.memory_space<vmem>>) target_semaphore(%run_scoped3A : memref<!tpu.dma_semaphore, #tpu.memory_space<semaphore_mem>>)
      %dma_wait3A_13 = arith.constant 0 : i32
      %dma_wait3A_14 = tpu.memref_slice %arg3[%mul3A_4, %dma_wait3A_13] : memref<2048x128xf32, #tpu.memory_space<hbm>> -> memref<128x128xf32, #tpu.memory_space<hbm>>
      %dma_wait3A_15 = arith.constant 0 : i32
      %dma_wait3A_16 = tpu.memref_slice %arg3[%mul3A_4, %dma_wait3A_15] : memref<2048x128xf32, #tpu.memory_space<hbm>> -> memref<128x128xf32, #tpu.memory_space<hbm>>
      tpu.wait_dma2 semaphore(%run_scoped3A : memref<!tpu.dma_semaphore, #tpu.memory_space<semaphore_mem>>) src(%dma_wait3A_16 : memref<128x128xf32, #tpu.memory_space<hbm>>) dst(%arg7 : memref<128x128xf32, #tpu.memory_space<vmem>>)
      tpu.yield
    }) : () -> ()
    "tpu.region"() ({
      %run_scoped3A = tpu.sem_alloc : memref<!tpu.dma_semaphore, #tpu.memory_space<semaphore_mem>>
      %dma_start3A_9 = arith.constant 0 : i32
      %dma_start3A_10 = tpu.memref_slice %arg4[%arg0, %arg1, %dma_start3A_9] : memref<2x16x128xi32, #tpu.memory_space<hbm>> -> memref<1x1x128xi32, #tpu.memory_space<hbm>>
      %dma_start3A_11 = tpu.memref_squeeze %dma_start3A_10 : memref<1x1x128xi32, #tpu.memory_space<hbm>> -> memref<128xi32, #tpu.memory_space<hbm>>
      %dma_start3A_12 = arith.constant 0 : i32
      %dma_start3A_13 = tpu.memref_slice %arg4[%arg0, %arg1, %dma_start3A_12] : memref<2x16x128xi32, #tpu.memory_space<hbm>> -> memref<1x1x128xi32, #tpu.memory_space<hbm>>
      %dma_start3A_14 = tpu.memref_squeeze %dma_start3A_13 : memref<1x1x128xi32, #tpu.memory_space<hbm>> -> memref<128xi32, #tpu.memory_space<hbm>>
      tpu.enqueue_dma source(%dma_start3A_14 : memref<128xi32, #tpu.memory_space<hbm>>) target(%arg8 : memref<128xi32, #tpu.memory_space<vmem>>) target_semaphore(%run_scoped3A : memref<!tpu.dma_semaphore, #tpu.memory_space<semaphore_mem>>)
      %dma_wait3A_15 = arith.constant 0 : i32
      %dma_wait3A_16 = tpu.memref_slice %arg4[%arg0, %arg1, %dma_wait3A_15] : memref<2x16x128xi32, #tpu.memory_space<hbm>> -> memref<1x1x128xi32, #tpu.memory_space<hbm>>
      %dma_wait3A_17 = tpu.memref_squeeze %dma_wait3A_16 : memref<1x1x128xi32, #tpu.memory_space<hbm>> -> memref<128xi32, #tpu.memory_space<hbm>>
      %dma_wait3A_18 = arith.constant 0 : i32
      %dma_wait3A_19 = tpu.memref_slice %arg4[%arg0, %arg1, %dma_wait3A_18] : memref<2x16x128xi32, #tpu.memory_space<hbm>> -> memref<1x1x128xi32, #tpu.memory_space<hbm>>
      %dma_wait3A_20 = tpu.memref_squeeze %dma_wait3A_19 : memref<1x1x128xi32, #tpu.memory_space<hbm>> -> memref<128xi32, #tpu.memory_space<hbm>>
      tpu.wait_dma2 semaphore(%run_scoped3A : memref<!tpu.dma_semaphore, #tpu.memory_space<semaphore_mem>>) src(%dma_wait3A_20 : memref<128xi32, #tpu.memory_space<hbm>>) dst(%arg8 : memref<128xi32, #tpu.memory_space<vmem>>)
      tpu.yield
    }) : () -> ()
    %dma_start3A = arith.constant 0 : i32
    %dma_start3A_5 = arith.constant 0 : i32
    %dma_start3A_6 = tpu.memref_slice %arg5[%dma_start3A, %dma_start3A_5] : memref<15360x128xf32, #tpu.memory_space<hbm>> -> memref<15360x128xf32, #tpu.memory_space<hbm>>
    tpu.enqueue_indirect_dma source(%arg7 : memref<128x128xf32, #tpu.memory_space<vmem>>) target(%dma_start3A_6 : memref<15360x128xf32, #tpu.memory_space<hbm>>) offsets(%arg8 : memref<128xi32, #tpu.memory_space<vmem>>) semaphore(%arg9 : memref<!tpu.dma_semaphore, #tpu.memory_space<semaphore_mem>>)
    %dma_wait3A = arith.constant 0 : i32
    %dma_wait3A_7 = arith.constant 0 : i32
    %dma_wait3A_8 = tpu.memref_slice %arg5[%dma_wait3A, %dma_wait3A_7] : memref<15360x128xf32, #tpu.memory_space<hbm>> -> memref<15360x128xf32, #tpu.memory_space<hbm>>
    tpu.wait_indirect_dma semaphore(%arg9 : memref<!tpu.dma_semaphore, #tpu.memory_space<semaphore_mem>>) src(%arg7 : memref<128x128xf32, #tpu.memory_space<vmem>>) dst(%dma_wait3A_8 : memref<15360x128xf32, #tpu.memory_space<hbm>>)
    return
  }
}

#map = affine_map<(d0, d1) -> (0)>
#map1 = affine_map<(d0, d1) -> (0, 0, 0)>
#map2 = affine_map<(d0, d1) -> (0, 0)>
module attributes {stable_mosaic.version = 14 : i64} {
  func.func @_sc_gather(%arg0: i32, %arg1: i32, %arg2: memref<8388608xf32, #tpu.memory_space<hbm>>, %arg3: memref<32x32x128xi32, #tpu.memory_space<hbm>>, %arg4: memref<32x64xi32, #tpu.memory_space<hbm>>, %arg5: memref<131072xf32, #tpu.memory_space<hbm>>, %arg6: memref<131072xi32, #tpu.memory_space<hbm>>, %arg7: memref<32x32x128xf32, #tpu.memory_space<hbm>>, %arg8: memref<32x64xf32, #tpu.memory_space<hbm>>, %arg9: memref<32x64xi32, #tpu.memory_space<hbm>>, %arg10: memref<32x128xi32, #tpu.memory_space<vmem>>, %arg11: memref<32x128xf32, #tpu.memory_space<vmem>>, %arg12: memref<64xi32, #tpu.memory_space<vmem>>, %arg13: memref<64xf32, #tpu.memory_space<vmem>>, %arg14: memref<64xi32, #tpu.memory_space<vmem>>, %arg15: memref<!tpu.dma_semaphore, #tpu.memory_space<semaphore_mem>>) attributes {dimension_semantics = [#tpu.dimension_semantics<core_parallel>, #tpu.dimension_semantics<subcore_parallel>], iteration_bounds = array<i64: 2, 16>, scalar_prefetch = 0 : i64, scratch_operands = 6 : i64, tpu.core_type = #tpu.core_type<sc_vector_subcore>, window_params = [{transform_indices = #map}, {transform_indices = #map1}, {transform_indices = #map2}, {transform_indices = #map}, {transform_indices = #map}, {transform_indices = #map1}, {transform_indices = #map2}, {transform_indices = #map2}]} {
    %mul3A = arith.constant 2 : i32
    %mul3A_0 = arith.muli %arg1, %mul3A : i32
    %add3A = arith.addi %mul3A_0, %arg0 : i32
    "tpu.region"() ({
      %run_scoped3A = tpu.sem_alloc : memref<!tpu.dma_semaphore, #tpu.memory_space<semaphore_mem>>
      %dma_start3A_647 = arith.constant 0 : i32
      %dma_start3A_648 = arith.constant 0 : i32
      %dma_start3A_649 = tpu.memref_slice %arg3[%add3A, %dma_start3A_647, %dma_start3A_648] : memref<32x32x128xi32, #tpu.memory_space<hbm>> -> memref<1x32x128xi32, #tpu.memory_space<hbm>>
      %dma_start3A_650 = tpu.memref_squeeze %dma_start3A_649 : memref<1x32x128xi32, #tpu.memory_space<hbm>> -> memref<32x128xi32, #tpu.memory_space<hbm>>
      %dma_start3A_651 = arith.constant 0 : i32
      %dma_start3A_652 = arith.constant 0 : i32
      %dma_start3A_653 = tpu.memref_slice %arg3[%add3A, %dma_start3A_651, %dma_start3A_652] : memref<32x32x128xi32, #tpu.memory_space<hbm>> -> memref<1x32x128xi32, #tpu.memory_space<hbm>>
      %dma_start3A_654 = tpu.memref_squeeze %dma_start3A_653 : memref<1x32x128xi32, #tpu.memory_space<hbm>> -> memref<32x128xi32, #tpu.memory_space<hbm>>
      tpu.enqueue_dma source(%dma_start3A_654 : memref<32x128xi32, #tpu.memory_space<hbm>>) target(%arg10 : memref<32x128xi32, #tpu.memory_space<vmem>>) target_semaphore(%run_scoped3A : memref<!tpu.dma_semaphore, #tpu.memory_space<semaphore_mem>>)
      %dma_wait3A_655 = arith.constant 0 : i32
      %dma_wait3A_656 = arith.constant 0 : i32
      %dma_wait3A_657 = tpu.memref_slice %arg3[%add3A, %dma_wait3A_655, %dma_wait3A_656] : memref<32x32x128xi32, #tpu.memory_space<hbm>> -> memref<1x32x128xi32, #tpu.memory_space<hbm>>
      %dma_wait3A_658 = tpu.memref_squeeze %dma_wait3A_657 : memref<1x32x128xi32, #tpu.memory_space<hbm>> -> memref<32x128xi32, #tpu.memory_space<hbm>>
      %dma_wait3A_659 = arith.constant 0 : i32
      %dma_wait3A_660 = arith.constant 0 : i32
      %dma_wait3A_661 = tpu.memref_slice %arg3[%add3A, %dma_wait3A_659, %dma_wait3A_660] : memref<32x32x128xi32, #tpu.memory_space<hbm>> -> memref<1x32x128xi32, #tpu.memory_space<hbm>>
      %dma_wait3A_662 = tpu.memref_squeeze %dma_wait3A_661 : memref<1x32x128xi32, #tpu.memory_space<hbm>> -> memref<32x128xi32, #tpu.memory_space<hbm>>
      tpu.wait_dma2 semaphore(%run_scoped3A : memref<!tpu.dma_semaphore, #tpu.memory_space<semaphore_mem>>) src(%dma_wait3A_662 : memref<32x128xi32, #tpu.memory_space<hbm>>) dst(%arg10 : memref<32x128xi32, #tpu.memory_space<vmem>>)
      tpu.yield
    }) : () -> ()
    "tpu.region"() ({
      %run_scoped3A = tpu.sem_alloc : memref<!tpu.dma_semaphore, #tpu.memory_space<semaphore_mem>>
      %dma_start3A_647 = arith.constant 0 : i32
      %dma_start3A_648 = tpu.memref_slice %arg4[%add3A, %dma_start3A_647] : memref<32x64xi32, #tpu.memory_space<hbm>> -> memref<1x64xi32, #tpu.memory_space<hbm>>
      %dma_start3A_649 = tpu.memref_squeeze %dma_start3A_648 : memref<1x64xi32, #tpu.memory_space<hbm>> -> memref<64xi32, #tpu.memory_space<hbm>>
      %dma_start3A_650 = arith.constant 0 : i32
      %dma_start3A_651 = tpu.memref_slice %arg4[%add3A, %dma_start3A_650] : memref<32x64xi32, #tpu.memory_space<hbm>> -> memref<1x64xi32, #tpu.memory_space<hbm>>
      %dma_start3A_652 = tpu.memref_squeeze %dma_start3A_651 : memref<1x64xi32, #tpu.memory_space<hbm>> -> memref<64xi32, #tpu.memory_space<hbm>>
      tpu.enqueue_dma source(%dma_start3A_652 : memref<64xi32, #tpu.memory_space<hbm>>) target(%arg12 : memref<64xi32, #tpu.memory_space<vmem>>) target_semaphore(%run_scoped3A : memref<!tpu.dma_semaphore, #tpu.memory_space<semaphore_mem>>)
      %dma_wait3A_653 = arith.constant 0 : i32
      %dma_wait3A_654 = tpu.memref_slice %arg4[%add3A, %dma_wait3A_653] : memref<32x64xi32, #tpu.memory_space<hbm>> -> memref<1x64xi32, #tpu.memory_space<hbm>>
      %dma_wait3A_655 = tpu.memref_squeeze %dma_wait3A_654 : memref<1x64xi32, #tpu.memory_space<hbm>> -> memref<64xi32, #tpu.memory_space<hbm>>
      %dma_wait3A_656 = arith.constant 0 : i32
      %dma_wait3A_657 = tpu.memref_slice %arg4[%add3A, %dma_wait3A_656] : memref<32x64xi32, #tpu.memory_space<hbm>> -> memref<1x64xi32, #tpu.memory_space<hbm>>
      %dma_wait3A_658 = tpu.memref_squeeze %dma_wait3A_657 : memref<1x64xi32, #tpu.memory_space<hbm>> -> memref<64xi32, #tpu.memory_space<hbm>>
      tpu.wait_dma2 semaphore(%run_scoped3A : memref<!tpu.dma_semaphore, #tpu.memory_space<semaphore_mem>>) src(%dma_wait3A_658 : memref<64xi32, #tpu.memory_space<hbm>>) dst(%arg12 : memref<64xi32, #tpu.memory_space<vmem>>)
      tpu.yield
    }) : () -> ()
    %dma_start3A = arith.constant 0 : i32
    %dma_start3A_1 = arith.constant 0 : i32
    %dma_start3A_2 = arith.constant 0 : i32
    %dma_start3A_3 = tpu.memref_slice %arg11[%dma_start3A_1, %dma_start3A_2] : memref<32x128xf32, #tpu.memory_space<vmem>> -> memref<1x128xf32, #tpu.memory_space<vmem>>
    %dma_start3A_4 = tpu.memref_squeeze %dma_start3A_3 : memref<1x128xf32, #tpu.memory_space<vmem>> -> memref<128xf32, #tpu.memory_space<vmem>>
    %dma_start3A_5 = arith.constant 0 : i32
    %dma_start3A_6 = tpu.memref_slice %arg10[%dma_start3A, %dma_start3A_5] : memref<32x128xi32, #tpu.memory_space<vmem>> -> memref<1x128xi32, #tpu.memory_space<vmem>>
    %dma_start3A_7 = tpu.memref_squeeze %dma_start3A_6 : memref<1x128xi32, #tpu.memory_space<vmem>> -> memref<128xi32, #tpu.memory_space<vmem>>
    %dma_start3A_8 = arith.constant 0 : i32
    %dma_start3A_9 = tpu.memref_slice %arg2[%dma_start3A_8] : memref<8388608xf32, #tpu.memory_space<hbm>> -> memref<8388608xf32, #tpu.memory_space<hbm>>
    tpu.enqueue_indirect_dma source(%dma_start3A_9 : memref<8388608xf32, #tpu.memory_space<hbm>>) target(%dma_start3A_4 : memref<128xf32, #tpu.memory_space<vmem>>) offsets(%dma_start3A_7 : memref<128xi32, #tpu.memory_space<vmem>>) semaphore(%arg15 : memref<!tpu.dma_semaphore, #tpu.memory_space<semaphore_mem>>)
    %dma_start3A_10 = arith.constant 1 : i32
    %dma_start3A_11 = arith.constant 1 : i32
    %dma_start3A_12 = arith.constant 0 : i32
    %dma_start3A_13 = tpu.memref_slice %arg11[%dma_start3A_11, %dma_start3A_12] : memref<32x128xf32, #tpu.memory_space<vmem>> -> memref<1x128xf32, #tpu.memory_space<vmem>>
    %dma_start3A_14 = tpu.memref_squeeze %dma_start3A_13 : memref<1x128xf32, #tpu.memory_space<vmem>> -> memref<128xf32, #tpu.memory_space<vmem>>
    %dma_start3A_15 = arith.constant 0 : i32
    %dma_start3A_16 = tpu.memref_slice %arg10[%dma_start3A_10, %dma_start3A_15] : memref<32x128xi32, #tpu.memory_space<vmem>> -> memref<1x128xi32, #tpu.memory_space<vmem>>
    %dma_start3A_17 = tpu.memref_squeeze %dma_start3A_16 : memref<1x128xi32, #tpu.memory_space<vmem>> -> memref<128xi32, #tpu.memory_space<vmem>>
    %dma_start3A_18 = arith.constant 0 : i32
    %dma_start3A_19 = tpu.memref_slice %arg2[%dma_start3A_18] : memref<8388608xf32, #tpu.memory_space<hbm>> -> memref<8388608xf32, #tpu.memory_space<hbm>>
    tpu.enqueue_indirect_dma source(%dma_start3A_19 : memref<8388608xf32, #tpu.memory_space<hbm>>) target(%dma_start3A_14 : memref<128xf32, #tpu.memory_space<vmem>>) offsets(%dma_start3A_17 : memref<128xi32, #tpu.memory_space<vmem>>) semaphore(%arg15 : memref<!tpu.dma_semaphore, #tpu.memory_space<semaphore_mem>>)
    %dma_start3A_20 = arith.constant 2 : i32
    %dma_start3A_21 = arith.constant 2 : i32
    %dma_start3A_22 = arith.constant 0 : i32
    %dma_start3A_23 = tpu.memref_slice %arg11[%dma_start3A_21, %dma_start3A_22] : memref<32x128xf32, #tpu.memory_space<vmem>> -> memref<1x128xf32, #tpu.memory_space<vmem>>
    %dma_start3A_24 = tpu.memref_squeeze %dma_start3A_23 : memref<1x128xf32, #tpu.memory_space<vmem>> -> memref<128xf32, #tpu.memory_space<vmem>>
    %dma_start3A_25 = arith.constant 0 : i32
    %dma_start3A_26 = tpu.memref_slice %arg10[%dma_start3A_20, %dma_start3A_25] : memref<32x128xi32, #tpu.memory_space<vmem>> -> memref<1x128xi32, #tpu.memory_space<vmem>>
    %dma_start3A_27 = tpu.memref_squeeze %dma_start3A_26 : memref<1x128xi32, #tpu.memory_space<vmem>> -> memref<128xi32, #tpu.memory_space<vmem>>
    %dma_start3A_28 = arith.constant 0 : i32
    %dma_start3A_29 = tpu.memref_slice %arg2[%dma_start3A_28] : memref<8388608xf32, #tpu.memory_space<hbm>> -> memref<8388608xf32, #tpu.memory_space<hbm>>
    tpu.enqueue_indirect_dma source(%dma_start3A_29 : memref<8388608xf32, #tpu.memory_space<hbm>>) target(%dma_start3A_24 : memref<128xf32, #tpu.memory_space<vmem>>) offsets(%dma_start3A_27 : memref<128xi32, #tpu.memory_space<vmem>>) semaphore(%arg15 : memref<!tpu.dma_semaphore, #tpu.memory_space<semaphore_mem>>)
    %dma_start3A_30 = arith.constant 3 : i32
    %dma_start3A_31 = arith.constant 3 : i32
    %dma_start3A_32 = arith.constant 0 : i32
    %dma_start3A_33 = tpu.memref_slice %arg11[%dma_start3A_31, %dma_start3A_32] : memref<32x128xf32, #tpu.memory_space<vmem>> -> memref<1x128xf32, #tpu.memory_space<vmem>>
    %dma_start3A_34 = tpu.memref_squeeze %dma_start3A_33 : memref<1x128xf32, #tpu.memory_space<vmem>> -> memref<128xf32, #tpu.memory_space<vmem>>
    %dma_start3A_35 = arith.constant 0 : i32
    %dma_start3A_36 = tpu.memref_slice %arg10[%dma_start3A_30, %dma_start3A_35] : memref<32x128xi32, #tpu.memory_space<vmem>> -> memref<1x128xi32, #tpu.memory_space<vmem>>
    %dma_start3A_37 = tpu.memref_squeeze %dma_start3A_36 : memref<1x128xi32, #tpu.memory_space<vmem>> -> memref<128xi32, #tpu.memory_space<vmem>>
    %dma_start3A_38 = arith.constant 0 : i32
    %dma_start3A_39 = tpu.memref_slice %arg2[%dma_start3A_38] : memref<8388608xf32, #tpu.memory_space<hbm>> -> memref<8388608xf32, #tpu.memory_space<hbm>>
    tpu.enqueue_indirect_dma source(%dma_start3A_39 : memref<8388608xf32, #tpu.memory_space<hbm>>) target(%dma_start3A_34 : memref<128xf32, #tpu.memory_space<vmem>>) offsets(%dma_start3A_37 : memref<128xi32, #tpu.memory_space<vmem>>) semaphore(%arg15 : memref<!tpu.dma_semaphore, #tpu.memory_space<semaphore_mem>>)
    %dma_start3A_40 = arith.constant 4 : i32
    %dma_start3A_41 = arith.constant 4 : i32
    %dma_start3A_42 = arith.constant 0 : i32
    %dma_start3A_43 = tpu.memref_slice %arg11[%dma_start3A_41, %dma_start3A_42] : memref<32x128xf32, #tpu.memory_space<vmem>> -> memref<1x128xf32, #tpu.memory_space<vmem>>
    %dma_start3A_44 = tpu.memref_squeeze %dma_start3A_43 : memref<1x128xf32, #tpu.memory_space<vmem>> -> memref<128xf32, #tpu.memory_space<vmem>>
    %dma_start3A_45 = arith.constant 0 : i32
    %dma_start3A_46 = tpu.memref_slice %arg10[%dma_start3A_40, %dma_start3A_45] : memref<32x128xi32, #tpu.memory_space<vmem>> -> memref<1x128xi32, #tpu.memory_space<vmem>>
    %dma_start3A_47 = tpu.memref_squeeze %dma_start3A_46 : memref<1x128xi32, #tpu.memory_space<vmem>> -> memref<128xi32, #tpu.memory_space<vmem>>
    %dma_start3A_48 = arith.constant 0 : i32
    %dma_start3A_49 = tpu.memref_slice %arg2[%dma_start3A_48] : memref<8388608xf32, #tpu.memory_space<hbm>> -> memref<8388608xf32, #tpu.memory_space<hbm>>
    tpu.enqueue_indirect_dma source(%dma_start3A_49 : memref<8388608xf32, #tpu.memory_space<hbm>>) target(%dma_start3A_44 : memref<128xf32, #tpu.memory_space<vmem>>) offsets(%dma_start3A_47 : memref<128xi32, #tpu.memory_space<vmem>>) semaphore(%arg15 : memref<!tpu.dma_semaphore, #tpu.memory_space<semaphore_mem>>)
    %dma_start3A_50 = arith.constant 5 : i32
    %dma_start3A_51 = arith.constant 5 : i32
    %dma_start3A_52 = arith.constant 0 : i32
    %dma_start3A_53 = tpu.memref_slice %arg11[%dma_start3A_51, %dma_start3A_52] : memref<32x128xf32, #tpu.memory_space<vmem>> -> memref<1x128xf32, #tpu.memory_space<vmem>>
    %dma_start3A_54 = tpu.memref_squeeze %dma_start3A_53 : memref<1x128xf32, #tpu.memory_space<vmem>> -> memref<128xf32, #tpu.memory_space<vmem>>
    %dma_start3A_55 = arith.constant 0 : i32
    %dma_start3A_56 = tpu.memref_slice %arg10[%dma_start3A_50, %dma_start3A_55] : memref<32x128xi32, #tpu.memory_space<vmem>> -> memref<1x128xi32, #tpu.memory_space<vmem>>
    %dma_start3A_57 = tpu.memref_squeeze %dma_start3A_56 : memref<1x128xi32, #tpu.memory_space<vmem>> -> memref<128xi32, #tpu.memory_space<vmem>>
    %dma_start3A_58 = arith.constant 0 : i32
    %dma_start3A_59 = tpu.memref_slice %arg2[%dma_start3A_58] : memref<8388608xf32, #tpu.memory_space<hbm>> -> memref<8388608xf32, #tpu.memory_space<hbm>>
    tpu.enqueue_indirect_dma source(%dma_start3A_59 : memref<8388608xf32, #tpu.memory_space<hbm>>) target(%dma_start3A_54 : memref<128xf32, #tpu.memory_space<vmem>>) offsets(%dma_start3A_57 : memref<128xi32, #tpu.memory_space<vmem>>) semaphore(%arg15 : memref<!tpu.dma_semaphore, #tpu.memory_space<semaphore_mem>>)
    %dma_start3A_60 = arith.constant 6 : i32
    %dma_start3A_61 = arith.constant 6 : i32
    %dma_start3A_62 = arith.constant 0 : i32
    %dma_start3A_63 = tpu.memref_slice %arg11[%dma_start3A_61, %dma_start3A_62] : memref<32x128xf32, #tpu.memory_space<vmem>> -> memref<1x128xf32, #tpu.memory_space<vmem>>
    %dma_start3A_64 = tpu.memref_squeeze %dma_start3A_63 : memref<1x128xf32, #tpu.memory_space<vmem>> -> memref<128xf32, #tpu.memory_space<vmem>>
    %dma_start3A_65 = arith.constant 0 : i32
    %dma_start3A_66 = tpu.memref_slice %arg10[%dma_start3A_60, %dma_start3A_65] : memref<32x128xi32, #tpu.memory_space<vmem>> -> memref<1x128xi32, #tpu.memory_space<vmem>>
    %dma_start3A_67 = tpu.memref_squeeze %dma_start3A_66 : memref<1x128xi32, #tpu.memory_space<vmem>> -> memref<128xi32, #tpu.memory_space<vmem>>
    %dma_start3A_68 = arith.constant 0 : i32
    %dma_start3A_69 = tpu.memref_slice %arg2[%dma_start3A_68] : memref<8388608xf32, #tpu.memory_space<hbm>> -> memref<8388608xf32, #tpu.memory_space<hbm>>
    tpu.enqueue_indirect_dma source(%dma_start3A_69 : memref<8388608xf32, #tpu.memory_space<hbm>>) target(%dma_start3A_64 : memref<128xf32, #tpu.memory_space<vmem>>) offsets(%dma_start3A_67 : memref<128xi32, #tpu.memory_space<vmem>>) semaphore(%arg15 : memref<!tpu.dma_semaphore, #tpu.memory_space<semaphore_mem>>)
    %dma_start3A_70 = arith.constant 7 : i32
    %dma_start3A_71 = arith.constant 7 : i32
    %dma_start3A_72 = arith.constant 0 : i32
    %dma_start3A_73 = tpu.memref_slice %arg11[%dma_start3A_71, %dma_start3A_72] : memref<32x128xf32, #tpu.memory_space<vmem>> -> memref<1x128xf32, #tpu.memory_space<vmem>>
    %dma_start3A_74 = tpu.memref_squeeze %dma_start3A_73 : memref<1x128xf32, #tpu.memory_space<vmem>> -> memref<128xf32, #tpu.memory_space<vmem>>
    %dma_start3A_75 = arith.constant 0 : i32
    %dma_start3A_76 = tpu.memref_slice %arg10[%dma_start3A_70, %dma_start3A_75] : memref<32x128xi32, #tpu.memory_space<vmem>> -> memref<1x128xi32, #tpu.memory_space<vmem>>
    %dma_start3A_77 = tpu.memref_squeeze %dma_start3A_76 : memref<1x128xi32, #tpu.memory_space<vmem>> -> memref<128xi32, #tpu.memory_space<vmem>>
    %dma_start3A_78 = arith.constant 0 : i32
    %dma_start3A_79 = tpu.memref_slice %arg2[%dma_start3A_78] : memref<8388608xf32, #tpu.memory_space<hbm>> -> memref<8388608xf32, #tpu.memory_space<hbm>>
    tpu.enqueue_indirect_dma source(%dma_start3A_79 : memref<8388608xf32, #tpu.memory_space<hbm>>) target(%dma_start3A_74 : memref<128xf32, #tpu.memory_space<vmem>>) offsets(%dma_start3A_77 : memref<128xi32, #tpu.memory_space<vmem>>) semaphore(%arg15 : memref<!tpu.dma_semaphore, #tpu.memory_space<semaphore_mem>>)
    %dma_start3A_80 = arith.constant 8 : i32
    %dma_start3A_81 = arith.constant 8 : i32
    %dma_start3A_82 = arith.constant 0 : i32
    %dma_start3A_83 = tpu.memref_slice %arg11[%dma_start3A_81, %dma_start3A_82] : memref<32x128xf32, #tpu.memory_space<vmem>> -> memref<1x128xf32, #tpu.memory_space<vmem>>
    %dma_start3A_84 = tpu.memref_squeeze %dma_start3A_83 : memref<1x128xf32, #tpu.memory_space<vmem>> -> memref<128xf32, #tpu.memory_space<vmem>>
    %dma_start3A_85 = arith.constant 0 : i32
    %dma_start3A_86 = tpu.memref_slice %arg10[%dma_start3A_80, %dma_start3A_85] : memref<32x128xi32, #tpu.memory_space<vmem>> -> memref<1x128xi32, #tpu.memory_space<vmem>>
    %dma_start3A_87 = tpu.memref_squeeze %dma_start3A_86 : memref<1x128xi32, #tpu.memory_space<vmem>> -> memref<128xi32, #tpu.memory_space<vmem>>
    %dma_start3A_88 = arith.constant 0 : i32
    %dma_start3A_89 = tpu.memref_slice %arg2[%dma_start3A_88] : memref<8388608xf32, #tpu.memory_space<hbm>> -> memref<8388608xf32, #tpu.memory_space<hbm>>
    tpu.enqueue_indirect_dma source(%dma_start3A_89 : memref<8388608xf32, #tpu.memory_space<hbm>>) target(%dma_start3A_84 : memref<128xf32, #tpu.memory_space<vmem>>) offsets(%dma_start3A_87 : memref<128xi32, #tpu.memory_space<vmem>>) semaphore(%arg15 : memref<!tpu.dma_semaphore, #tpu.memory_space<semaphore_mem>>)
    %dma_start3A_90 = arith.constant 9 : i32
    %dma_start3A_91 = arith.constant 9 : i32
    %dma_start3A_92 = arith.constant 0 : i32
    %dma_start3A_93 = tpu.memref_slice %arg11[%dma_start3A_91, %dma_start3A_92] : memref<32x128xf32, #tpu.memory_space<vmem>> -> memref<1x128xf32, #tpu.memory_space<vmem>>
    %dma_start3A_94 = tpu.memref_squeeze %dma_start3A_93 : memref<1x128xf32, #tpu.memory_space<vmem>> -> memref<128xf32, #tpu.memory_space<vmem>>
    %dma_start3A_95 = arith.constant 0 : i32
    %dma_start3A_96 = tpu.memref_slice %arg10[%dma_start3A_90, %dma_start3A_95] : memref<32x128xi32, #tpu.memory_space<vmem>> -> memref<1x128xi32, #tpu.memory_space<vmem>>
    %dma_start3A_97 = tpu.memref_squeeze %dma_start3A_96 : memref<1x128xi32, #tpu.memory_space<vmem>> -> memref<128xi32, #tpu.memory_space<vmem>>
    %dma_start3A_98 = arith.constant 0 : i32
    %dma_start3A_99 = tpu.memref_slice %arg2[%dma_start3A_98] : memref<8388608xf32, #tpu.memory_space<hbm>> -> memref<8388608xf32, #tpu.memory_space<hbm>>
    tpu.enqueue_indirect_dma source(%dma_start3A_99 : memref<8388608xf32, #tpu.memory_space<hbm>>) target(%dma_start3A_94 : memref<128xf32, #tpu.memory_space<vmem>>) offsets(%dma_start3A_97 : memref<128xi32, #tpu.memory_space<vmem>>) semaphore(%arg15 : memref<!tpu.dma_semaphore, #tpu.memory_space<semaphore_mem>>)
    %dma_start3A_100 = arith.constant 10 : i32
    %dma_start3A_101 = arith.constant 10 : i32
    %dma_start3A_102 = arith.constant 0 : i32
    %dma_start3A_103 = tpu.memref_slice %arg11[%dma_start3A_101, %dma_start3A_102] : memref<32x128xf32, #tpu.memory_space<vmem>> -> memref<1x128xf32, #tpu.memory_space<vmem>>
    %dma_start3A_104 = tpu.memref_squeeze %dma_start3A_103 : memref<1x128xf32, #tpu.memory_space<vmem>> -> memref<128xf32, #tpu.memory_space<vmem>>
    %dma_start3A_105 = arith.constant 0 : i32
    %dma_start3A_106 = tpu.memref_slice %arg10[%dma_start3A_100, %dma_start3A_105] : memref<32x128xi32, #tpu.memory_space<vmem>> -> memref<1x128xi32, #tpu.memory_space<vmem>>
    %dma_start3A_107 = tpu.memref_squeeze %dma_start3A_106 : memref<1x128xi32, #tpu.memory_space<vmem>> -> memref<128xi32, #tpu.memory_space<vmem>>
    %dma_start3A_108 = arith.constant 0 : i32
    %dma_start3A_109 = tpu.memref_slice %arg2[%dma_start3A_108] : memref<8388608xf32, #tpu.memory_space<hbm>> -> memref<8388608xf32, #tpu.memory_space<hbm>>
    tpu.enqueue_indirect_dma source(%dma_start3A_109 : memref<8388608xf32, #tpu.memory_space<hbm>>) target(%dma_start3A_104 : memref<128xf32, #tpu.memory_space<vmem>>) offsets(%dma_start3A_107 : memref<128xi32, #tpu.memory_space<vmem>>) semaphore(%arg15 : memref<!tpu.dma_semaphore, #tpu.memory_space<semaphore_mem>>)
    %dma_start3A_110 = arith.constant 11 : i32
    %dma_start3A_111 = arith.constant 11 : i32
    %dma_start3A_112 = arith.constant 0 : i32
    %dma_start3A_113 = tpu.memref_slice %arg11[%dma_start3A_111, %dma_start3A_112] : memref<32x128xf32, #tpu.memory_space<vmem>> -> memref<1x128xf32, #tpu.memory_space<vmem>>
    %dma_start3A_114 = tpu.memref_squeeze %dma_start3A_113 : memref<1x128xf32, #tpu.memory_space<vmem>> -> memref<128xf32, #tpu.memory_space<vmem>>
    %dma_start3A_115 = arith.constant 0 : i32
    %dma_start3A_116 = tpu.memref_slice %arg10[%dma_start3A_110, %dma_start3A_115] : memref<32x128xi32, #tpu.memory_space<vmem>> -> memref<1x128xi32, #tpu.memory_space<vmem>>
    %dma_start3A_117 = tpu.memref_squeeze %dma_start3A_116 : memref<1x128xi32, #tpu.memory_space<vmem>> -> memref<128xi32, #tpu.memory_space<vmem>>
    %dma_start3A_118 = arith.constant 0 : i32
    %dma_start3A_119 = tpu.memref_slice %arg2[%dma_start3A_118] : memref<8388608xf32, #tpu.memory_space<hbm>> -> memref<8388608xf32, #tpu.memory_space<hbm>>
    tpu.enqueue_indirect_dma source(%dma_start3A_119 : memref<8388608xf32, #tpu.memory_space<hbm>>) target(%dma_start3A_114 : memref<128xf32, #tpu.memory_space<vmem>>) offsets(%dma_start3A_117 : memref<128xi32, #tpu.memory_space<vmem>>) semaphore(%arg15 : memref<!tpu.dma_semaphore, #tpu.memory_space<semaphore_mem>>)
    %dma_start3A_120 = arith.constant 12 : i32
    %dma_start3A_121 = arith.constant 12 : i32
    %dma_start3A_122 = arith.constant 0 : i32
    %dma_start3A_123 = tpu.memref_slice %arg11[%dma_start3A_121, %dma_start3A_122] : memref<32x128xf32, #tpu.memory_space<vmem>> -> memref<1x128xf32, #tpu.memory_space<vmem>>
    %dma_start3A_124 = tpu.memref_squeeze %dma_start3A_123 : memref<1x128xf32, #tpu.memory_space<vmem>> -> memref<128xf32, #tpu.memory_space<vmem>>
    %dma_start3A_125 = arith.constant 0 : i32
    %dma_start3A_126 = tpu.memref_slice %arg10[%dma_start3A_120, %dma_start3A_125] : memref<32x128xi32, #tpu.memory_space<vmem>> -> memref<1x128xi32, #tpu.memory_space<vmem>>
    %dma_start3A_127 = tpu.memref_squeeze %dma_start3A_126 : memref<1x128xi32, #tpu.memory_space<vmem>> -> memref<128xi32, #tpu.memory_space<vmem>>
    %dma_start3A_128 = arith.constant 0 : i32
    %dma_start3A_129 = tpu.memref_slice %arg2[%dma_start3A_128] : memref<8388608xf32, #tpu.memory_space<hbm>> -> memref<8388608xf32, #tpu.memory_space<hbm>>
    tpu.enqueue_indirect_dma source(%dma_start3A_129 : memref<8388608xf32, #tpu.memory_space<hbm>>) target(%dma_start3A_124 : memref<128xf32, #tpu.memory_space<vmem>>) offsets(%dma_start3A_127 : memref<128xi32, #tpu.memory_space<vmem>>) semaphore(%arg15 : memref<!tpu.dma_semaphore, #tpu.memory_space<semaphore_mem>>)
    %dma_start3A_130 = arith.constant 13 : i32
    %dma_start3A_131 = arith.constant 13 : i32
    %dma_start3A_132 = arith.constant 0 : i32
    %dma_start3A_133 = tpu.memref_slice %arg11[%dma_start3A_131, %dma_start3A_132] : memref<32x128xf32, #tpu.memory_space<vmem>> -> memref<1x128xf32, #tpu.memory_space<vmem>>
    %dma_start3A_134 = tpu.memref_squeeze %dma_start3A_133 : memref<1x128xf32, #tpu.memory_space<vmem>> -> memref<128xf32, #tpu.memory_space<vmem>>
    %dma_start3A_135 = arith.constant 0 : i32
    %dma_start3A_136 = tpu.memref_slice %arg10[%dma_start3A_130, %dma_start3A_135] : memref<32x128xi32, #tpu.memory_space<vmem>> -> memref<1x128xi32, #tpu.memory_space<vmem>>
    %dma_start3A_137 = tpu.memref_squeeze %dma_start3A_136 : memref<1x128xi32, #tpu.memory_space<vmem>> -> memref<128xi32, #tpu.memory_space<vmem>>
    %dma_start3A_138 = arith.constant 0 : i32
    %dma_start3A_139 = tpu.memref_slice %arg2[%dma_start3A_138] : memref<8388608xf32, #tpu.memory_space<hbm>> -> memref<8388608xf32, #tpu.memory_space<hbm>>
    tpu.enqueue_indirect_dma source(%dma_start3A_139 : memref<8388608xf32, #tpu.memory_space<hbm>>) target(%dma_start3A_134 : memref<128xf32, #tpu.memory_space<vmem>>) offsets(%dma_start3A_137 : memref<128xi32, #tpu.memory_space<vmem>>) semaphore(%arg15 : memref<!tpu.dma_semaphore, #tpu.memory_space<semaphore_mem>>)
    %dma_start3A_140 = arith.constant 14 : i32
    %dma_start3A_141 = arith.constant 14 : i32
    %dma_start3A_142 = arith.constant 0 : i32
    %dma_start3A_143 = tpu.memref_slice %arg11[%dma_start3A_141, %dma_start3A_142] : memref<32x128xf32, #tpu.memory_space<vmem>> -> memref<1x128xf32, #tpu.memory_space<vmem>>
    %dma_start3A_144 = tpu.memref_squeeze %dma_start3A_143 : memref<1x128xf32, #tpu.memory_space<vmem>> -> memref<128xf32, #tpu.memory_space<vmem>>
    %dma_start3A_145 = arith.constant 0 : i32
    %dma_start3A_146 = tpu.memref_slice %arg10[%dma_start3A_140, %dma_start3A_145] : memref<32x128xi32, #tpu.memory_space<vmem>> -> memref<1x128xi32, #tpu.memory_space<vmem>>
    %dma_start3A_147 = tpu.memref_squeeze %dma_start3A_146 : memref<1x128xi32, #tpu.memory_space<vmem>> -> memref<128xi32, #tpu.memory_space<vmem>>
    %dma_start3A_148 = arith.constant 0 : i32
    %dma_start3A_149 = tpu.memref_slice %arg2[%dma_start3A_148] : memref<8388608xf32, #tpu.memory_space<hbm>> -> memref<8388608xf32, #tpu.memory_space<hbm>>
    tpu.enqueue_indirect_dma source(%dma_start3A_149 : memref<8388608xf32, #tpu.memory_space<hbm>>) target(%dma_start3A_144 : memref<128xf32, #tpu.memory_space<vmem>>) offsets(%dma_start3A_147 : memref<128xi32, #tpu.memory_space<vmem>>) semaphore(%arg15 : memref<!tpu.dma_semaphore, #tpu.memory_space<semaphore_mem>>)
    %dma_start3A_150 = arith.constant 15 : i32
    %dma_start3A_151 = arith.constant 15 : i32
    %dma_start3A_152 = arith.constant 0 : i32
    %dma_start3A_153 = tpu.memref_slice %arg11[%dma_start3A_151, %dma_start3A_152] : memref<32x128xf32, #tpu.memory_space<vmem>> -> memref<1x128xf32, #tpu.memory_space<vmem>>
    %dma_start3A_154 = tpu.memref_squeeze %dma_start3A_153 : memref<1x128xf32, #tpu.memory_space<vmem>> -> memref<128xf32, #tpu.memory_space<vmem>>
    %dma_start3A_155 = arith.constant 0 : i32
    %dma_start3A_156 = tpu.memref_slice %arg10[%dma_start3A_150, %dma_start3A_155] : memref<32x128xi32, #tpu.memory_space<vmem>> -> memref<1x128xi32, #tpu.memory_space<vmem>>
    %dma_start3A_157 = tpu.memref_squeeze %dma_start3A_156 : memref<1x128xi32, #tpu.memory_space<vmem>> -> memref<128xi32, #tpu.memory_space<vmem>>
    %dma_start3A_158 = arith.constant 0 : i32
    %dma_start3A_159 = tpu.memref_slice %arg2[%dma_start3A_158] : memref<8388608xf32, #tpu.memory_space<hbm>> -> memref<8388608xf32, #tpu.memory_space<hbm>>
    tpu.enqueue_indirect_dma source(%dma_start3A_159 : memref<8388608xf32, #tpu.memory_space<hbm>>) target(%dma_start3A_154 : memref<128xf32, #tpu.memory_space<vmem>>) offsets(%dma_start3A_157 : memref<128xi32, #tpu.memory_space<vmem>>) semaphore(%arg15 : memref<!tpu.dma_semaphore, #tpu.memory_space<semaphore_mem>>)
    %dma_start3A_160 = arith.constant 16 : i32
    %dma_start3A_161 = arith.constant 16 : i32
    %dma_start3A_162 = arith.constant 0 : i32
    %dma_start3A_163 = tpu.memref_slice %arg11[%dma_start3A_161, %dma_start3A_162] : memref<32x128xf32, #tpu.memory_space<vmem>> -> memref<1x128xf32, #tpu.memory_space<vmem>>
    %dma_start3A_164 = tpu.memref_squeeze %dma_start3A_163 : memref<1x128xf32, #tpu.memory_space<vmem>> -> memref<128xf32, #tpu.memory_space<vmem>>
    %dma_start3A_165 = arith.constant 0 : i32
    %dma_start3A_166 = tpu.memref_slice %arg10[%dma_start3A_160, %dma_start3A_165] : memref<32x128xi32, #tpu.memory_space<vmem>> -> memref<1x128xi32, #tpu.memory_space<vmem>>
    %dma_start3A_167 = tpu.memref_squeeze %dma_start3A_166 : memref<1x128xi32, #tpu.memory_space<vmem>> -> memref<128xi32, #tpu.memory_space<vmem>>
    %dma_start3A_168 = arith.constant 0 : i32
    %dma_start3A_169 = tpu.memref_slice %arg2[%dma_start3A_168] : memref<8388608xf32, #tpu.memory_space<hbm>> -> memref<8388608xf32, #tpu.memory_space<hbm>>
    tpu.enqueue_indirect_dma source(%dma_start3A_169 : memref<8388608xf32, #tpu.memory_space<hbm>>) target(%dma_start3A_164 : memref<128xf32, #tpu.memory_space<vmem>>) offsets(%dma_start3A_167 : memref<128xi32, #tpu.memory_space<vmem>>) semaphore(%arg15 : memref<!tpu.dma_semaphore, #tpu.memory_space<semaphore_mem>>)
    %dma_start3A_170 = arith.constant 17 : i32
    %dma_start3A_171 = arith.constant 17 : i32
    %dma_start3A_172 = arith.constant 0 : i32
    %dma_start3A_173 = tpu.memref_slice %arg11[%dma_start3A_171, %dma_start3A_172] : memref<32x128xf32, #tpu.memory_space<vmem>> -> memref<1x128xf32, #tpu.memory_space<vmem>>
    %dma_start3A_174 = tpu.memref_squeeze %dma_start3A_173 : memref<1x128xf32, #tpu.memory_space<vmem>> -> memref<128xf32, #tpu.memory_space<vmem>>
    %dma_start3A_175 = arith.constant 0 : i32
    %dma_start3A_176 = tpu.memref_slice %arg10[%dma_start3A_170, %dma_start3A_175] : memref<32x128xi32, #tpu.memory_space<vmem>> -> memref<1x128xi32, #tpu.memory_space<vmem>>
    %dma_start3A_177 = tpu.memref_squeeze %dma_start3A_176 : memref<1x128xi32, #tpu.memory_space<vmem>> -> memref<128xi32, #tpu.memory_space<vmem>>
    %dma_start3A_178 = arith.constant 0 : i32
    %dma_start3A_179 = tpu.memref_slice %arg2[%dma_start3A_178] : memref<8388608xf32, #tpu.memory_space<hbm>> -> memref<8388608xf32, #tpu.memory_space<hbm>>
    tpu.enqueue_indirect_dma source(%dma_start3A_179 : memref<8388608xf32, #tpu.memory_space<hbm>>) target(%dma_start3A_174 : memref<128xf32, #tpu.memory_space<vmem>>) offsets(%dma_start3A_177 : memref<128xi32, #tpu.memory_space<vmem>>) semaphore(%arg15 : memref<!tpu.dma_semaphore, #tpu.memory_space<semaphore_mem>>)
    %dma_start3A_180 = arith.constant 18 : i32
    %dma_start3A_181 = arith.constant 18 : i32
    %dma_start3A_182 = arith.constant 0 : i32
    %dma_start3A_183 = tpu.memref_slice %arg11[%dma_start3A_181, %dma_start3A_182] : memref<32x128xf32, #tpu.memory_space<vmem>> -> memref<1x128xf32, #tpu.memory_space<vmem>>
    %dma_start3A_184 = tpu.memref_squeeze %dma_start3A_183 : memref<1x128xf32, #tpu.memory_space<vmem>> -> memref<128xf32, #tpu.memory_space<vmem>>
    %dma_start3A_185 = arith.constant 0 : i32
    %dma_start3A_186 = tpu.memref_slice %arg10[%dma_start3A_180, %dma_start3A_185] : memref<32x128xi32, #tpu.memory_space<vmem>> -> memref<1x128xi32, #tpu.memory_space<vmem>>
    %dma_start3A_187 = tpu.memref_squeeze %dma_start3A_186 : memref<1x128xi32, #tpu.memory_space<vmem>> -> memref<128xi32, #tpu.memory_space<vmem>>
    %dma_start3A_188 = arith.constant 0 : i32
    %dma_start3A_189 = tpu.memref_slice %arg2[%dma_start3A_188] : memref<8388608xf32, #tpu.memory_space<hbm>> -> memref<8388608xf32, #tpu.memory_space<hbm>>
    tpu.enqueue_indirect_dma source(%dma_start3A_189 : memref<8388608xf32, #tpu.memory_space<hbm>>) target(%dma_start3A_184 : memref<128xf32, #tpu.memory_space<vmem>>) offsets(%dma_start3A_187 : memref<128xi32, #tpu.memory_space<vmem>>) semaphore(%arg15 : memref<!tpu.dma_semaphore, #tpu.memory_space<semaphore_mem>>)
    %dma_start3A_190 = arith.constant 19 : i32
    %dma_start3A_191 = arith.constant 19 : i32
    %dma_start3A_192 = arith.constant 0 : i32
    %dma_start3A_193 = tpu.memref_slice %arg11[%dma_start3A_191, %dma_start3A_192] : memref<32x128xf32, #tpu.memory_space<vmem>> -> memref<1x128xf32, #tpu.memory_space<vmem>>
    %dma_start3A_194 = tpu.memref_squeeze %dma_start3A_193 : memref<1x128xf32, #tpu.memory_space<vmem>> -> memref<128xf32, #tpu.memory_space<vmem>>
    %dma_start3A_195 = arith.constant 0 : i32
    %dma_start3A_196 = tpu.memref_slice %arg10[%dma_start3A_190, %dma_start3A_195] : memref<32x128xi32, #tpu.memory_space<vmem>> -> memref<1x128xi32, #tpu.memory_space<vmem>>
    %dma_start3A_197 = tpu.memref_squeeze %dma_start3A_196 : memref<1x128xi32, #tpu.memory_space<vmem>> -> memref<128xi32, #tpu.memory_space<vmem>>
    %dma_start3A_198 = arith.constant 0 : i32
    %dma_start3A_199 = tpu.memref_slice %arg2[%dma_start3A_198] : memref<8388608xf32, #tpu.memory_space<hbm>> -> memref<8388608xf32, #tpu.memory_space<hbm>>
    tpu.enqueue_indirect_dma source(%dma_start3A_199 : memref<8388608xf32, #tpu.memory_space<hbm>>) target(%dma_start3A_194 : memref<128xf32, #tpu.memory_space<vmem>>) offsets(%dma_start3A_197 : memref<128xi32, #tpu.memory_space<vmem>>) semaphore(%arg15 : memref<!tpu.dma_semaphore, #tpu.memory_space<semaphore_mem>>)
    %dma_start3A_200 = arith.constant 20 : i32
    %dma_start3A_201 = arith.constant 20 : i32
    %dma_start3A_202 = arith.constant 0 : i32
    %dma_start3A_203 = tpu.memref_slice %arg11[%dma_start3A_201, %dma_start3A_202] : memref<32x128xf32, #tpu.memory_space<vmem>> -> memref<1x128xf32, #tpu.memory_space<vmem>>
    %dma_start3A_204 = tpu.memref_squeeze %dma_start3A_203 : memref<1x128xf32, #tpu.memory_space<vmem>> -> memref<128xf32, #tpu.memory_space<vmem>>
    %dma_start3A_205 = arith.constant 0 : i32
    %dma_start3A_206 = tpu.memref_slice %arg10[%dma_start3A_200, %dma_start3A_205] : memref<32x128xi32, #tpu.memory_space<vmem>> -> memref<1x128xi32, #tpu.memory_space<vmem>>
    %dma_start3A_207 = tpu.memref_squeeze %dma_start3A_206 : memref<1x128xi32, #tpu.memory_space<vmem>> -> memref<128xi32, #tpu.memory_space<vmem>>
    %dma_start3A_208 = arith.constant 0 : i32
    %dma_start3A_209 = tpu.memref_slice %arg2[%dma_start3A_208] : memref<8388608xf32, #tpu.memory_space<hbm>> -> memref<8388608xf32, #tpu.memory_space<hbm>>
    tpu.enqueue_indirect_dma source(%dma_start3A_209 : memref<8388608xf32, #tpu.memory_space<hbm>>) target(%dma_start3A_204 : memref<128xf32, #tpu.memory_space<vmem>>) offsets(%dma_start3A_207 : memref<128xi32, #tpu.memory_space<vmem>>) semaphore(%arg15 : memref<!tpu.dma_semaphore, #tpu.memory_space<semaphore_mem>>)
    %dma_start3A_210 = arith.constant 21 : i32
    %dma_start3A_211 = arith.constant 21 : i32
    %dma_start3A_212 = arith.constant 0 : i32
    %dma_start3A_213 = tpu.memref_slice %arg11[%dma_start3A_211, %dma_start3A_212] : memref<32x128xf32, #tpu.memory_space<vmem>> -> memref<1x128xf32, #tpu.memory_space<vmem>>
    %dma_start3A_214 = tpu.memref_squeeze %dma_start3A_213 : memref<1x128xf32, #tpu.memory_space<vmem>> -> memref<128xf32, #tpu.memory_space<vmem>>
    %dma_start3A_215 = arith.constant 0 : i32
    %dma_start3A_216 = tpu.memref_slice %arg10[%dma_start3A_210, %dma_start3A_215] : memref<32x128xi32, #tpu.memory_space<vmem>> -> memref<1x128xi32, #tpu.memory_space<vmem>>
    %dma_start3A_217 = tpu.memref_squeeze %dma_start3A_216 : memref<1x128xi32, #tpu.memory_space<vmem>> -> memref<128xi32, #tpu.memory_space<vmem>>
    %dma_start3A_218 = arith.constant 0 : i32
    %dma_start3A_219 = tpu.memref_slice %arg2[%dma_start3A_218] : memref<8388608xf32, #tpu.memory_space<hbm>> -> memref<8388608xf32, #tpu.memory_space<hbm>>
    tpu.enqueue_indirect_dma source(%dma_start3A_219 : memref<8388608xf32, #tpu.memory_space<hbm>>) target(%dma_start3A_214 : memref<128xf32, #tpu.memory_space<vmem>>) offsets(%dma_start3A_217 : memref<128xi32, #tpu.memory_space<vmem>>) semaphore(%arg15 : memref<!tpu.dma_semaphore, #tpu.memory_space<semaphore_mem>>)
    %dma_start3A_220 = arith.constant 22 : i32
    %dma_start3A_221 = arith.constant 22 : i32
    %dma_start3A_222 = arith.constant 0 : i32
    %dma_start3A_223 = tpu.memref_slice %arg11[%dma_start3A_221, %dma_start3A_222] : memref<32x128xf32, #tpu.memory_space<vmem>> -> memref<1x128xf32, #tpu.memory_space<vmem>>
    %dma_start3A_224 = tpu.memref_squeeze %dma_start3A_223 : memref<1x128xf32, #tpu.memory_space<vmem>> -> memref<128xf32, #tpu.memory_space<vmem>>
    %dma_start3A_225 = arith.constant 0 : i32
    %dma_start3A_226 = tpu.memref_slice %arg10[%dma_start3A_220, %dma_start3A_225] : memref<32x128xi32, #tpu.memory_space<vmem>> -> memref<1x128xi32, #tpu.memory_space<vmem>>
    %dma_start3A_227 = tpu.memref_squeeze %dma_start3A_226 : memref<1x128xi32, #tpu.memory_space<vmem>> -> memref<128xi32, #tpu.memory_space<vmem>>
    %dma_start3A_228 = arith.constant 0 : i32
    %dma_start3A_229 = tpu.memref_slice %arg2[%dma_start3A_228] : memref<8388608xf32, #tpu.memory_space<hbm>> -> memref<8388608xf32, #tpu.memory_space<hbm>>
    tpu.enqueue_indirect_dma source(%dma_start3A_229 : memref<8388608xf32, #tpu.memory_space<hbm>>) target(%dma_start3A_224 : memref<128xf32, #tpu.memory_space<vmem>>) offsets(%dma_start3A_227 : memref<128xi32, #tpu.memory_space<vmem>>) semaphore(%arg15 : memref<!tpu.dma_semaphore, #tpu.memory_space<semaphore_mem>>)
    %dma_start3A_230 = arith.constant 23 : i32
    %dma_start3A_231 = arith.constant 23 : i32
    %dma_start3A_232 = arith.constant 0 : i32
    %dma_start3A_233 = tpu.memref_slice %arg11[%dma_start3A_231, %dma_start3A_232] : memref<32x128xf32, #tpu.memory_space<vmem>> -> memref<1x128xf32, #tpu.memory_space<vmem>>
    %dma_start3A_234 = tpu.memref_squeeze %dma_start3A_233 : memref<1x128xf32, #tpu.memory_space<vmem>> -> memref<128xf32, #tpu.memory_space<vmem>>
    %dma_start3A_235 = arith.constant 0 : i32
    %dma_start3A_236 = tpu.memref_slice %arg10[%dma_start3A_230, %dma_start3A_235] : memref<32x128xi32, #tpu.memory_space<vmem>> -> memref<1x128xi32, #tpu.memory_space<vmem>>
    %dma_start3A_237 = tpu.memref_squeeze %dma_start3A_236 : memref<1x128xi32, #tpu.memory_space<vmem>> -> memref<128xi32, #tpu.memory_space<vmem>>
    %dma_start3A_238 = arith.constant 0 : i32
    %dma_start3A_239 = tpu.memref_slice %arg2[%dma_start3A_238] : memref<8388608xf32, #tpu.memory_space<hbm>> -> memref<8388608xf32, #tpu.memory_space<hbm>>
    tpu.enqueue_indirect_dma source(%dma_start3A_239 : memref<8388608xf32, #tpu.memory_space<hbm>>) target(%dma_start3A_234 : memref<128xf32, #tpu.memory_space<vmem>>) offsets(%dma_start3A_237 : memref<128xi32, #tpu.memory_space<vmem>>) semaphore(%arg15 : memref<!tpu.dma_semaphore, #tpu.memory_space<semaphore_mem>>)
    %dma_start3A_240 = arith.constant 24 : i32
    %dma_start3A_241 = arith.constant 24 : i32
    %dma_start3A_242 = arith.constant 0 : i32
    %dma_start3A_243 = tpu.memref_slice %arg11[%dma_start3A_241, %dma_start3A_242] : memref<32x128xf32, #tpu.memory_space<vmem>> -> memref<1x128xf32, #tpu.memory_space<vmem>>
    %dma_start3A_244 = tpu.memref_squeeze %dma_start3A_243 : memref<1x128xf32, #tpu.memory_space<vmem>> -> memref<128xf32, #tpu.memory_space<vmem>>
    %dma_start3A_245 = arith.constant 0 : i32
    %dma_start3A_246 = tpu.memref_slice %arg10[%dma_start3A_240, %dma_start3A_245] : memref<32x128xi32, #tpu.memory_space<vmem>> -> memref<1x128xi32, #tpu.memory_space<vmem>>
    %dma_start3A_247 = tpu.memref_squeeze %dma_start3A_246 : memref<1x128xi32, #tpu.memory_space<vmem>> -> memref<128xi32, #tpu.memory_space<vmem>>
    %dma_start3A_248 = arith.constant 0 : i32
    %dma_start3A_249 = tpu.memref_slice %arg2[%dma_start3A_248] : memref<8388608xf32, #tpu.memory_space<hbm>> -> memref<8388608xf32, #tpu.memory_space<hbm>>
    tpu.enqueue_indirect_dma source(%dma_start3A_249 : memref<8388608xf32, #tpu.memory_space<hbm>>) target(%dma_start3A_244 : memref<128xf32, #tpu.memory_space<vmem>>) offsets(%dma_start3A_247 : memref<128xi32, #tpu.memory_space<vmem>>) semaphore(%arg15 : memref<!tpu.dma_semaphore, #tpu.memory_space<semaphore_mem>>)
    %dma_start3A_250 = arith.constant 25 : i32
    %dma_start3A_251 = arith.constant 25 : i32
    %dma_start3A_252 = arith.constant 0 : i32
    %dma_start3A_253 = tpu.memref_slice %arg11[%dma_start3A_251, %dma_start3A_252] : memref<32x128xf32, #tpu.memory_space<vmem>> -> memref<1x128xf32, #tpu.memory_space<vmem>>
    %dma_start3A_254 = tpu.memref_squeeze %dma_start3A_253 : memref<1x128xf32, #tpu.memory_space<vmem>> -> memref<128xf32, #tpu.memory_space<vmem>>
    %dma_start3A_255 = arith.constant 0 : i32
    %dma_start3A_256 = tpu.memref_slice %arg10[%dma_start3A_250, %dma_start3A_255] : memref<32x128xi32, #tpu.memory_space<vmem>> -> memref<1x128xi32, #tpu.memory_space<vmem>>
    %dma_start3A_257 = tpu.memref_squeeze %dma_start3A_256 : memref<1x128xi32, #tpu.memory_space<vmem>> -> memref<128xi32, #tpu.memory_space<vmem>>
    %dma_start3A_258 = arith.constant 0 : i32
    %dma_start3A_259 = tpu.memref_slice %arg2[%dma_start3A_258] : memref<8388608xf32, #tpu.memory_space<hbm>> -> memref<8388608xf32, #tpu.memory_space<hbm>>
    tpu.enqueue_indirect_dma source(%dma_start3A_259 : memref<8388608xf32, #tpu.memory_space<hbm>>) target(%dma_start3A_254 : memref<128xf32, #tpu.memory_space<vmem>>) offsets(%dma_start3A_257 : memref<128xi32, #tpu.memory_space<vmem>>) semaphore(%arg15 : memref<!tpu.dma_semaphore, #tpu.memory_space<semaphore_mem>>)
    %dma_start3A_260 = arith.constant 26 : i32
    %dma_start3A_261 = arith.constant 26 : i32
    %dma_start3A_262 = arith.constant 0 : i32
    %dma_start3A_263 = tpu.memref_slice %arg11[%dma_start3A_261, %dma_start3A_262] : memref<32x128xf32, #tpu.memory_space<vmem>> -> memref<1x128xf32, #tpu.memory_space<vmem>>
    %dma_start3A_264 = tpu.memref_squeeze %dma_start3A_263 : memref<1x128xf32, #tpu.memory_space<vmem>> -> memref<128xf32, #tpu.memory_space<vmem>>
    %dma_start3A_265 = arith.constant 0 : i32
    %dma_start3A_266 = tpu.memref_slice %arg10[%dma_start3A_260, %dma_start3A_265] : memref<32x128xi32, #tpu.memory_space<vmem>> -> memref<1x128xi32, #tpu.memory_space<vmem>>
    %dma_start3A_267 = tpu.memref_squeeze %dma_start3A_266 : memref<1x128xi32, #tpu.memory_space<vmem>> -> memref<128xi32, #tpu.memory_space<vmem>>
    %dma_start3A_268 = arith.constant 0 : i32
    %dma_start3A_269 = tpu.memref_slice %arg2[%dma_start3A_268] : memref<8388608xf32, #tpu.memory_space<hbm>> -> memref<8388608xf32, #tpu.memory_space<hbm>>
    tpu.enqueue_indirect_dma source(%dma_start3A_269 : memref<8388608xf32, #tpu.memory_space<hbm>>) target(%dma_start3A_264 : memref<128xf32, #tpu.memory_space<vmem>>) offsets(%dma_start3A_267 : memref<128xi32, #tpu.memory_space<vmem>>) semaphore(%arg15 : memref<!tpu.dma_semaphore, #tpu.memory_space<semaphore_mem>>)
    %dma_start3A_270 = arith.constant 27 : i32
    %dma_start3A_271 = arith.constant 27 : i32
    %dma_start3A_272 = arith.constant 0 : i32
    %dma_start3A_273 = tpu.memref_slice %arg11[%dma_start3A_271, %dma_start3A_272] : memref<32x128xf32, #tpu.memory_space<vmem>> -> memref<1x128xf32, #tpu.memory_space<vmem>>
    %dma_start3A_274 = tpu.memref_squeeze %dma_start3A_273 : memref<1x128xf32, #tpu.memory_space<vmem>> -> memref<128xf32, #tpu.memory_space<vmem>>
    %dma_start3A_275 = arith.constant 0 : i32
    %dma_start3A_276 = tpu.memref_slice %arg10[%dma_start3A_270, %dma_start3A_275] : memref<32x128xi32, #tpu.memory_space<vmem>> -> memref<1x128xi32, #tpu.memory_space<vmem>>
    %dma_start3A_277 = tpu.memref_squeeze %dma_start3A_276 : memref<1x128xi32, #tpu.memory_space<vmem>> -> memref<128xi32, #tpu.memory_space<vmem>>
    %dma_start3A_278 = arith.constant 0 : i32
    %dma_start3A_279 = tpu.memref_slice %arg2[%dma_start3A_278] : memref<8388608xf32, #tpu.memory_space<hbm>> -> memref<8388608xf32, #tpu.memory_space<hbm>>
    tpu.enqueue_indirect_dma source(%dma_start3A_279 : memref<8388608xf32, #tpu.memory_space<hbm>>) target(%dma_start3A_274 : memref<128xf32, #tpu.memory_space<vmem>>) offsets(%dma_start3A_277 : memref<128xi32, #tpu.memory_space<vmem>>) semaphore(%arg15 : memref<!tpu.dma_semaphore, #tpu.memory_space<semaphore_mem>>)
    %dma_start3A_280 = arith.constant 28 : i32
    %dma_start3A_281 = arith.constant 28 : i32
    %dma_start3A_282 = arith.constant 0 : i32
    %dma_start3A_283 = tpu.memref_slice %arg11[%dma_start3A_281, %dma_start3A_282] : memref<32x128xf32, #tpu.memory_space<vmem>> -> memref<1x128xf32, #tpu.memory_space<vmem>>
    %dma_start3A_284 = tpu.memref_squeeze %dma_start3A_283 : memref<1x128xf32, #tpu.memory_space<vmem>> -> memref<128xf32, #tpu.memory_space<vmem>>
    %dma_start3A_285 = arith.constant 0 : i32
    %dma_start3A_286 = tpu.memref_slice %arg10[%dma_start3A_280, %dma_start3A_285] : memref<32x128xi32, #tpu.memory_space<vmem>> -> memref<1x128xi32, #tpu.memory_space<vmem>>
    %dma_start3A_287 = tpu.memref_squeeze %dma_start3A_286 : memref<1x128xi32, #tpu.memory_space<vmem>> -> memref<128xi32, #tpu.memory_space<vmem>>
    %dma_start3A_288 = arith.constant 0 : i32
    %dma_start3A_289 = tpu.memref_slice %arg2[%dma_start3A_288] : memref<8388608xf32, #tpu.memory_space<hbm>> -> memref<8388608xf32, #tpu.memory_space<hbm>>
    tpu.enqueue_indirect_dma source(%dma_start3A_289 : memref<8388608xf32, #tpu.memory_space<hbm>>) target(%dma_start3A_284 : memref<128xf32, #tpu.memory_space<vmem>>) offsets(%dma_start3A_287 : memref<128xi32, #tpu.memory_space<vmem>>) semaphore(%arg15 : memref<!tpu.dma_semaphore, #tpu.memory_space<semaphore_mem>>)
    %dma_start3A_290 = arith.constant 29 : i32
    %dma_start3A_291 = arith.constant 29 : i32
    %dma_start3A_292 = arith.constant 0 : i32
    %dma_start3A_293 = tpu.memref_slice %arg11[%dma_start3A_291, %dma_start3A_292] : memref<32x128xf32, #tpu.memory_space<vmem>> -> memref<1x128xf32, #tpu.memory_space<vmem>>
    %dma_start3A_294 = tpu.memref_squeeze %dma_start3A_293 : memref<1x128xf32, #tpu.memory_space<vmem>> -> memref<128xf32, #tpu.memory_space<vmem>>
    %dma_start3A_295 = arith.constant 0 : i32
    %dma_start3A_296 = tpu.memref_slice %arg10[%dma_start3A_290, %dma_start3A_295] : memref<32x128xi32, #tpu.memory_space<vmem>> -> memref<1x128xi32, #tpu.memory_space<vmem>>
    %dma_start3A_297 = tpu.memref_squeeze %dma_start3A_296 : memref<1x128xi32, #tpu.memory_space<vmem>> -> memref<128xi32, #tpu.memory_space<vmem>>
    %dma_start3A_298 = arith.constant 0 : i32
    %dma_start3A_299 = tpu.memref_slice %arg2[%dma_start3A_298] : memref<8388608xf32, #tpu.memory_space<hbm>> -> memref<8388608xf32, #tpu.memory_space<hbm>>
    tpu.enqueue_indirect_dma source(%dma_start3A_299 : memref<8388608xf32, #tpu.memory_space<hbm>>) target(%dma_start3A_294 : memref<128xf32, #tpu.memory_space<vmem>>) offsets(%dma_start3A_297 : memref<128xi32, #tpu.memory_space<vmem>>) semaphore(%arg15 : memref<!tpu.dma_semaphore, #tpu.memory_space<semaphore_mem>>)
    %dma_start3A_300 = arith.constant 30 : i32
    %dma_start3A_301 = arith.constant 30 : i32
    %dma_start3A_302 = arith.constant 0 : i32
    %dma_start3A_303 = tpu.memref_slice %arg11[%dma_start3A_301, %dma_start3A_302] : memref<32x128xf32, #tpu.memory_space<vmem>> -> memref<1x128xf32, #tpu.memory_space<vmem>>
    %dma_start3A_304 = tpu.memref_squeeze %dma_start3A_303 : memref<1x128xf32, #tpu.memory_space<vmem>> -> memref<128xf32, #tpu.memory_space<vmem>>
    %dma_start3A_305 = arith.constant 0 : i32
    %dma_start3A_306 = tpu.memref_slice %arg10[%dma_start3A_300, %dma_start3A_305] : memref<32x128xi32, #tpu.memory_space<vmem>> -> memref<1x128xi32, #tpu.memory_space<vmem>>
    %dma_start3A_307 = tpu.memref_squeeze %dma_start3A_306 : memref<1x128xi32, #tpu.memory_space<vmem>> -> memref<128xi32, #tpu.memory_space<vmem>>
    %dma_start3A_308 = arith.constant 0 : i32
    %dma_start3A_309 = tpu.memref_slice %arg2[%dma_start3A_308] : memref<8388608xf32, #tpu.memory_space<hbm>> -> memref<8388608xf32, #tpu.memory_space<hbm>>
    tpu.enqueue_indirect_dma source(%dma_start3A_309 : memref<8388608xf32, #tpu.memory_space<hbm>>) target(%dma_start3A_304 : memref<128xf32, #tpu.memory_space<vmem>>) offsets(%dma_start3A_307 : memref<128xi32, #tpu.memory_space<vmem>>) semaphore(%arg15 : memref<!tpu.dma_semaphore, #tpu.memory_space<semaphore_mem>>)
    %dma_start3A_310 = arith.constant 31 : i32
    %dma_start3A_311 = arith.constant 31 : i32
    %dma_start3A_312 = arith.constant 0 : i32
    %dma_start3A_313 = tpu.memref_slice %arg11[%dma_start3A_311, %dma_start3A_312] : memref<32x128xf32, #tpu.memory_space<vmem>> -> memref<1x128xf32, #tpu.memory_space<vmem>>
    %dma_start3A_314 = tpu.memref_squeeze %dma_start3A_313 : memref<1x128xf32, #tpu.memory_space<vmem>> -> memref<128xf32, #tpu.memory_space<vmem>>
    %dma_start3A_315 = arith.constant 0 : i32
    %dma_start3A_316 = tpu.memref_slice %arg10[%dma_start3A_310, %dma_start3A_315] : memref<32x128xi32, #tpu.memory_space<vmem>> -> memref<1x128xi32, #tpu.memory_space<vmem>>
    %dma_start3A_317 = tpu.memref_squeeze %dma_start3A_316 : memref<1x128xi32, #tpu.memory_space<vmem>> -> memref<128xi32, #tpu.memory_space<vmem>>
    %dma_start3A_318 = arith.constant 0 : i32
    %dma_start3A_319 = tpu.memref_slice %arg2[%dma_start3A_318] : memref<8388608xf32, #tpu.memory_space<hbm>> -> memref<8388608xf32, #tpu.memory_space<hbm>>
    tpu.enqueue_indirect_dma source(%dma_start3A_319 : memref<8388608xf32, #tpu.memory_space<hbm>>) target(%dma_start3A_314 : memref<128xf32, #tpu.memory_space<vmem>>) offsets(%dma_start3A_317 : memref<128xi32, #tpu.memory_space<vmem>>) semaphore(%arg15 : memref<!tpu.dma_semaphore, #tpu.memory_space<semaphore_mem>>)
    %dma_start3A_320 = arith.constant 0 : i32
    %dma_start3A_321 = tpu.memref_slice %arg5[%dma_start3A_320] : memref<131072xf32, #tpu.memory_space<hbm>> -> memref<131072xf32, #tpu.memory_space<hbm>>
    tpu.enqueue_indirect_dma source(%dma_start3A_321 : memref<131072xf32, #tpu.memory_space<hbm>>) target(%arg13 : memref<64xf32, #tpu.memory_space<vmem>>) offsets(%arg12 : memref<64xi32, #tpu.memory_space<vmem>>) semaphore(%arg15 : memref<!tpu.dma_semaphore, #tpu.memory_space<semaphore_mem>>)
    %dma_start3A_322 = arith.constant 0 : i32
    %dma_start3A_323 = tpu.memref_slice %arg6[%dma_start3A_322] : memref<131072xi32, #tpu.memory_space<hbm>> -> memref<131072xi32, #tpu.memory_space<hbm>>
    tpu.enqueue_indirect_dma source(%dma_start3A_323 : memref<131072xi32, #tpu.memory_space<hbm>>) target(%arg14 : memref<64xi32, #tpu.memory_space<vmem>>) offsets(%arg12 : memref<64xi32, #tpu.memory_space<vmem>>) semaphore(%arg15 : memref<!tpu.dma_semaphore, #tpu.memory_space<semaphore_mem>>)
    %dma_wait3A = arith.constant 0 : i32
    %dma_wait3A_324 = arith.constant 0 : i32
    %dma_wait3A_325 = arith.constant 0 : i32
    %dma_wait3A_326 = tpu.memref_slice %arg11[%dma_wait3A_324, %dma_wait3A_325] : memref<32x128xf32, #tpu.memory_space<vmem>> -> memref<1x128xf32, #tpu.memory_space<vmem>>
    %dma_wait3A_327 = tpu.memref_squeeze %dma_wait3A_326 : memref<1x128xf32, #tpu.memory_space<vmem>> -> memref<128xf32, #tpu.memory_space<vmem>>
    %dma_wait3A_328 = arith.constant 0 : i32
    %dma_wait3A_329 = tpu.memref_slice %arg10[%dma_wait3A, %dma_wait3A_328] : memref<32x128xi32, #tpu.memory_space<vmem>> -> memref<1x128xi32, #tpu.memory_space<vmem>>
    %dma_wait3A_330 = tpu.memref_squeeze %dma_wait3A_329 : memref<1x128xi32, #tpu.memory_space<vmem>> -> memref<128xi32, #tpu.memory_space<vmem>>
    %dma_wait3A_331 = arith.constant 0 : i32
    %dma_wait3A_332 = tpu.memref_slice %arg2[%dma_wait3A_331] : memref<8388608xf32, #tpu.memory_space<hbm>> -> memref<8388608xf32, #tpu.memory_space<hbm>>
    tpu.wait_indirect_dma semaphore(%arg15 : memref<!tpu.dma_semaphore, #tpu.memory_space<semaphore_mem>>) src(%dma_wait3A_332 : memref<8388608xf32, #tpu.memory_space<hbm>>) dst(%dma_wait3A_327 : memref<128xf32, #tpu.memory_space<vmem>>)
    %dma_wait3A_333 = arith.constant 1 : i32
    %dma_wait3A_334 = arith.constant 1 : i32
    %dma_wait3A_335 = arith.constant 0 : i32
    %dma_wait3A_336 = tpu.memref_slice %arg11[%dma_wait3A_334, %dma_wait3A_335] : memref<32x128xf32, #tpu.memory_space<vmem>> -> memref<1x128xf32, #tpu.memory_space<vmem>>
    %dma_wait3A_337 = tpu.memref_squeeze %dma_wait3A_336 : memref<1x128xf32, #tpu.memory_space<vmem>> -> memref<128xf32, #tpu.memory_space<vmem>>
    %dma_wait3A_338 = arith.constant 0 : i32
    %dma_wait3A_339 = tpu.memref_slice %arg10[%dma_wait3A_333, %dma_wait3A_338] : memref<32x128xi32, #tpu.memory_space<vmem>> -> memref<1x128xi32, #tpu.memory_space<vmem>>
    %dma_wait3A_340 = tpu.memref_squeeze %dma_wait3A_339 : memref<1x128xi32, #tpu.memory_space<vmem>> -> memref<128xi32, #tpu.memory_space<vmem>>
    %dma_wait3A_341 = arith.constant 0 : i32
    %dma_wait3A_342 = tpu.memref_slice %arg2[%dma_wait3A_341] : memref<8388608xf32, #tpu.memory_space<hbm>> -> memref<8388608xf32, #tpu.memory_space<hbm>>
    tpu.wait_indirect_dma semaphore(%arg15 : memref<!tpu.dma_semaphore, #tpu.memory_space<semaphore_mem>>) src(%dma_wait3A_342 : memref<8388608xf32, #tpu.memory_space<hbm>>) dst(%dma_wait3A_337 : memref<128xf32, #tpu.memory_space<vmem>>)
    %dma_wait3A_343 = arith.constant 2 : i32
    %dma_wait3A_344 = arith.constant 2 : i32
    %dma_wait3A_345 = arith.constant 0 : i32
    %dma_wait3A_346 = tpu.memref_slice %arg11[%dma_wait3A_344, %dma_wait3A_345] : memref<32x128xf32, #tpu.memory_space<vmem>> -> memref<1x128xf32, #tpu.memory_space<vmem>>
    %dma_wait3A_347 = tpu.memref_squeeze %dma_wait3A_346 : memref<1x128xf32, #tpu.memory_space<vmem>> -> memref<128xf32, #tpu.memory_space<vmem>>
    %dma_wait3A_348 = arith.constant 0 : i32
    %dma_wait3A_349 = tpu.memref_slice %arg10[%dma_wait3A_343, %dma_wait3A_348] : memref<32x128xi32, #tpu.memory_space<vmem>> -> memref<1x128xi32, #tpu.memory_space<vmem>>
    %dma_wait3A_350 = tpu.memref_squeeze %dma_wait3A_349 : memref<1x128xi32, #tpu.memory_space<vmem>> -> memref<128xi32, #tpu.memory_space<vmem>>
    %dma_wait3A_351 = arith.constant 0 : i32
    %dma_wait3A_352 = tpu.memref_slice %arg2[%dma_wait3A_351] : memref<8388608xf32, #tpu.memory_space<hbm>> -> memref<8388608xf32, #tpu.memory_space<hbm>>
    tpu.wait_indirect_dma semaphore(%arg15 : memref<!tpu.dma_semaphore, #tpu.memory_space<semaphore_mem>>) src(%dma_wait3A_352 : memref<8388608xf32, #tpu.memory_space<hbm>>) dst(%dma_wait3A_347 : memref<128xf32, #tpu.memory_space<vmem>>)
    %dma_wait3A_353 = arith.constant 3 : i32
    %dma_wait3A_354 = arith.constant 3 : i32
    %dma_wait3A_355 = arith.constant 0 : i32
    %dma_wait3A_356 = tpu.memref_slice %arg11[%dma_wait3A_354, %dma_wait3A_355] : memref<32x128xf32, #tpu.memory_space<vmem>> -> memref<1x128xf32, #tpu.memory_space<vmem>>
    %dma_wait3A_357 = tpu.memref_squeeze %dma_wait3A_356 : memref<1x128xf32, #tpu.memory_space<vmem>> -> memref<128xf32, #tpu.memory_space<vmem>>
    %dma_wait3A_358 = arith.constant 0 : i32
    %dma_wait3A_359 = tpu.memref_slice %arg10[%dma_wait3A_353, %dma_wait3A_358] : memref<32x128xi32, #tpu.memory_space<vmem>> -> memref<1x128xi32, #tpu.memory_space<vmem>>
    %dma_wait3A_360 = tpu.memref_squeeze %dma_wait3A_359 : memref<1x128xi32, #tpu.memory_space<vmem>> -> memref<128xi32, #tpu.memory_space<vmem>>
    %dma_wait3A_361 = arith.constant 0 : i32
    %dma_wait3A_362 = tpu.memref_slice %arg2[%dma_wait3A_361] : memref<8388608xf32, #tpu.memory_space<hbm>> -> memref<8388608xf32, #tpu.memory_space<hbm>>
    tpu.wait_indirect_dma semaphore(%arg15 : memref<!tpu.dma_semaphore, #tpu.memory_space<semaphore_mem>>) src(%dma_wait3A_362 : memref<8388608xf32, #tpu.memory_space<hbm>>) dst(%dma_wait3A_357 : memref<128xf32, #tpu.memory_space<vmem>>)
    %dma_wait3A_363 = arith.constant 4 : i32
    %dma_wait3A_364 = arith.constant 4 : i32
    %dma_wait3A_365 = arith.constant 0 : i32
    %dma_wait3A_366 = tpu.memref_slice %arg11[%dma_wait3A_364, %dma_wait3A_365] : memref<32x128xf32, #tpu.memory_space<vmem>> -> memref<1x128xf32, #tpu.memory_space<vmem>>
    %dma_wait3A_367 = tpu.memref_squeeze %dma_wait3A_366 : memref<1x128xf32, #tpu.memory_space<vmem>> -> memref<128xf32, #tpu.memory_space<vmem>>
    %dma_wait3A_368 = arith.constant 0 : i32
    %dma_wait3A_369 = tpu.memref_slice %arg10[%dma_wait3A_363, %dma_wait3A_368] : memref<32x128xi32, #tpu.memory_space<vmem>> -> memref<1x128xi32, #tpu.memory_space<vmem>>
    %dma_wait3A_370 = tpu.memref_squeeze %dma_wait3A_369 : memref<1x128xi32, #tpu.memory_space<vmem>> -> memref<128xi32, #tpu.memory_space<vmem>>
    %dma_wait3A_371 = arith.constant 0 : i32
    %dma_wait3A_372 = tpu.memref_slice %arg2[%dma_wait3A_371] : memref<8388608xf32, #tpu.memory_space<hbm>> -> memref<8388608xf32, #tpu.memory_space<hbm>>
    tpu.wait_indirect_dma semaphore(%arg15 : memref<!tpu.dma_semaphore, #tpu.memory_space<semaphore_mem>>) src(%dma_wait3A_372 : memref<8388608xf32, #tpu.memory_space<hbm>>) dst(%dma_wait3A_367 : memref<128xf32, #tpu.memory_space<vmem>>)
    %dma_wait3A_373 = arith.constant 5 : i32
    %dma_wait3A_374 = arith.constant 5 : i32
    %dma_wait3A_375 = arith.constant 0 : i32
    %dma_wait3A_376 = tpu.memref_slice %arg11[%dma_wait3A_374, %dma_wait3A_375] : memref<32x128xf32, #tpu.memory_space<vmem>> -> memref<1x128xf32, #tpu.memory_space<vmem>>
    %dma_wait3A_377 = tpu.memref_squeeze %dma_wait3A_376 : memref<1x128xf32, #tpu.memory_space<vmem>> -> memref<128xf32, #tpu.memory_space<vmem>>
    %dma_wait3A_378 = arith.constant 0 : i32
    %dma_wait3A_379 = tpu.memref_slice %arg10[%dma_wait3A_373, %dma_wait3A_378] : memref<32x128xi32, #tpu.memory_space<vmem>> -> memref<1x128xi32, #tpu.memory_space<vmem>>
    %dma_wait3A_380 = tpu.memref_squeeze %dma_wait3A_379 : memref<1x128xi32, #tpu.memory_space<vmem>> -> memref<128xi32, #tpu.memory_space<vmem>>
    %dma_wait3A_381 = arith.constant 0 : i32
    %dma_wait3A_382 = tpu.memref_slice %arg2[%dma_wait3A_381] : memref<8388608xf32, #tpu.memory_space<hbm>> -> memref<8388608xf32, #tpu.memory_space<hbm>>
    tpu.wait_indirect_dma semaphore(%arg15 : memref<!tpu.dma_semaphore, #tpu.memory_space<semaphore_mem>>) src(%dma_wait3A_382 : memref<8388608xf32, #tpu.memory_space<hbm>>) dst(%dma_wait3A_377 : memref<128xf32, #tpu.memory_space<vmem>>)
    %dma_wait3A_383 = arith.constant 6 : i32
    %dma_wait3A_384 = arith.constant 6 : i32
    %dma_wait3A_385 = arith.constant 0 : i32
    %dma_wait3A_386 = tpu.memref_slice %arg11[%dma_wait3A_384, %dma_wait3A_385] : memref<32x128xf32, #tpu.memory_space<vmem>> -> memref<1x128xf32, #tpu.memory_space<vmem>>
    %dma_wait3A_387 = tpu.memref_squeeze %dma_wait3A_386 : memref<1x128xf32, #tpu.memory_space<vmem>> -> memref<128xf32, #tpu.memory_space<vmem>>
    %dma_wait3A_388 = arith.constant 0 : i32
    %dma_wait3A_389 = tpu.memref_slice %arg10[%dma_wait3A_383, %dma_wait3A_388] : memref<32x128xi32, #tpu.memory_space<vmem>> -> memref<1x128xi32, #tpu.memory_space<vmem>>
    %dma_wait3A_390 = tpu.memref_squeeze %dma_wait3A_389 : memref<1x128xi32, #tpu.memory_space<vmem>> -> memref<128xi32, #tpu.memory_space<vmem>>
    %dma_wait3A_391 = arith.constant 0 : i32
    %dma_wait3A_392 = tpu.memref_slice %arg2[%dma_wait3A_391] : memref<8388608xf32, #tpu.memory_space<hbm>> -> memref<8388608xf32, #tpu.memory_space<hbm>>
    tpu.wait_indirect_dma semaphore(%arg15 : memref<!tpu.dma_semaphore, #tpu.memory_space<semaphore_mem>>) src(%dma_wait3A_392 : memref<8388608xf32, #tpu.memory_space<hbm>>) dst(%dma_wait3A_387 : memref<128xf32, #tpu.memory_space<vmem>>)
    %dma_wait3A_393 = arith.constant 7 : i32
    %dma_wait3A_394 = arith.constant 7 : i32
    %dma_wait3A_395 = arith.constant 0 : i32
    %dma_wait3A_396 = tpu.memref_slice %arg11[%dma_wait3A_394, %dma_wait3A_395] : memref<32x128xf32, #tpu.memory_space<vmem>> -> memref<1x128xf32, #tpu.memory_space<vmem>>
    %dma_wait3A_397 = tpu.memref_squeeze %dma_wait3A_396 : memref<1x128xf32, #tpu.memory_space<vmem>> -> memref<128xf32, #tpu.memory_space<vmem>>
    %dma_wait3A_398 = arith.constant 0 : i32
    %dma_wait3A_399 = tpu.memref_slice %arg10[%dma_wait3A_393, %dma_wait3A_398] : memref<32x128xi32, #tpu.memory_space<vmem>> -> memref<1x128xi32, #tpu.memory_space<vmem>>
    %dma_wait3A_400 = tpu.memref_squeeze %dma_wait3A_399 : memref<1x128xi32, #tpu.memory_space<vmem>> -> memref<128xi32, #tpu.memory_space<vmem>>
    %dma_wait3A_401 = arith.constant 0 : i32
    %dma_wait3A_402 = tpu.memref_slice %arg2[%dma_wait3A_401] : memref<8388608xf32, #tpu.memory_space<hbm>> -> memref<8388608xf32, #tpu.memory_space<hbm>>
    tpu.wait_indirect_dma semaphore(%arg15 : memref<!tpu.dma_semaphore, #tpu.memory_space<semaphore_mem>>) src(%dma_wait3A_402 : memref<8388608xf32, #tpu.memory_space<hbm>>) dst(%dma_wait3A_397 : memref<128xf32, #tpu.memory_space<vmem>>)
    %dma_wait3A_403 = arith.constant 8 : i32
    %dma_wait3A_404 = arith.constant 8 : i32
    %dma_wait3A_405 = arith.constant 0 : i32
    %dma_wait3A_406 = tpu.memref_slice %arg11[%dma_wait3A_404, %dma_wait3A_405] : memref<32x128xf32, #tpu.memory_space<vmem>> -> memref<1x128xf32, #tpu.memory_space<vmem>>
    %dma_wait3A_407 = tpu.memref_squeeze %dma_wait3A_406 : memref<1x128xf32, #tpu.memory_space<vmem>> -> memref<128xf32, #tpu.memory_space<vmem>>
    %dma_wait3A_408 = arith.constant 0 : i32
    %dma_wait3A_409 = tpu.memref_slice %arg10[%dma_wait3A_403, %dma_wait3A_408] : memref<32x128xi32, #tpu.memory_space<vmem>> -> memref<1x128xi32, #tpu.memory_space<vmem>>
    %dma_wait3A_410 = tpu.memref_squeeze %dma_wait3A_409 : memref<1x128xi32, #tpu.memory_space<vmem>> -> memref<128xi32, #tpu.memory_space<vmem>>
    %dma_wait3A_411 = arith.constant 0 : i32
    %dma_wait3A_412 = tpu.memref_slice %arg2[%dma_wait3A_411] : memref<8388608xf32, #tpu.memory_space<hbm>> -> memref<8388608xf32, #tpu.memory_space<hbm>>
    tpu.wait_indirect_dma semaphore(%arg15 : memref<!tpu.dma_semaphore, #tpu.memory_space<semaphore_mem>>) src(%dma_wait3A_412 : memref<8388608xf32, #tpu.memory_space<hbm>>) dst(%dma_wait3A_407 : memref<128xf32, #tpu.memory_space<vmem>>)
    %dma_wait3A_413 = arith.constant 9 : i32
    %dma_wait3A_414 = arith.constant 9 : i32
    %dma_wait3A_415 = arith.constant 0 : i32
    %dma_wait3A_416 = tpu.memref_slice %arg11[%dma_wait3A_414, %dma_wait3A_415] : memref<32x128xf32, #tpu.memory_space<vmem>> -> memref<1x128xf32, #tpu.memory_space<vmem>>
    %dma_wait3A_417 = tpu.memref_squeeze %dma_wait3A_416 : memref<1x128xf32, #tpu.memory_space<vmem>> -> memref<128xf32, #tpu.memory_space<vmem>>
    %dma_wait3A_418 = arith.constant 0 : i32
    %dma_wait3A_419 = tpu.memref_slice %arg10[%dma_wait3A_413, %dma_wait3A_418] : memref<32x128xi32, #tpu.memory_space<vmem>> -> memref<1x128xi32, #tpu.memory_space<vmem>>
    %dma_wait3A_420 = tpu.memref_squeeze %dma_wait3A_419 : memref<1x128xi32, #tpu.memory_space<vmem>> -> memref<128xi32, #tpu.memory_space<vmem>>
    %dma_wait3A_421 = arith.constant 0 : i32
    %dma_wait3A_422 = tpu.memref_slice %arg2[%dma_wait3A_421] : memref<8388608xf32, #tpu.memory_space<hbm>> -> memref<8388608xf32, #tpu.memory_space<hbm>>
    tpu.wait_indirect_dma semaphore(%arg15 : memref<!tpu.dma_semaphore, #tpu.memory_space<semaphore_mem>>) src(%dma_wait3A_422 : memref<8388608xf32, #tpu.memory_space<hbm>>) dst(%dma_wait3A_417 : memref<128xf32, #tpu.memory_space<vmem>>)
    %dma_wait3A_423 = arith.constant 10 : i32
    %dma_wait3A_424 = arith.constant 10 : i32
    %dma_wait3A_425 = arith.constant 0 : i32
    %dma_wait3A_426 = tpu.memref_slice %arg11[%dma_wait3A_424, %dma_wait3A_425] : memref<32x128xf32, #tpu.memory_space<vmem>> -> memref<1x128xf32, #tpu.memory_space<vmem>>
    %dma_wait3A_427 = tpu.memref_squeeze %dma_wait3A_426 : memref<1x128xf32, #tpu.memory_space<vmem>> -> memref<128xf32, #tpu.memory_space<vmem>>
    %dma_wait3A_428 = arith.constant 0 : i32
    %dma_wait3A_429 = tpu.memref_slice %arg10[%dma_wait3A_423, %dma_wait3A_428] : memref<32x128xi32, #tpu.memory_space<vmem>> -> memref<1x128xi32, #tpu.memory_space<vmem>>
    %dma_wait3A_430 = tpu.memref_squeeze %dma_wait3A_429 : memref<1x128xi32, #tpu.memory_space<vmem>> -> memref<128xi32, #tpu.memory_space<vmem>>
    %dma_wait3A_431 = arith.constant 0 : i32
    %dma_wait3A_432 = tpu.memref_slice %arg2[%dma_wait3A_431] : memref<8388608xf32, #tpu.memory_space<hbm>> -> memref<8388608xf32, #tpu.memory_space<hbm>>
    tpu.wait_indirect_dma semaphore(%arg15 : memref<!tpu.dma_semaphore, #tpu.memory_space<semaphore_mem>>) src(%dma_wait3A_432 : memref<8388608xf32, #tpu.memory_space<hbm>>) dst(%dma_wait3A_427 : memref<128xf32, #tpu.memory_space<vmem>>)
    %dma_wait3A_433 = arith.constant 11 : i32
    %dma_wait3A_434 = arith.constant 11 : i32
    %dma_wait3A_435 = arith.constant 0 : i32
    %dma_wait3A_436 = tpu.memref_slice %arg11[%dma_wait3A_434, %dma_wait3A_435] : memref<32x128xf32, #tpu.memory_space<vmem>> -> memref<1x128xf32, #tpu.memory_space<vmem>>
    %dma_wait3A_437 = tpu.memref_squeeze %dma_wait3A_436 : memref<1x128xf32, #tpu.memory_space<vmem>> -> memref<128xf32, #tpu.memory_space<vmem>>
    %dma_wait3A_438 = arith.constant 0 : i32
    %dma_wait3A_439 = tpu.memref_slice %arg10[%dma_wait3A_433, %dma_wait3A_438] : memref<32x128xi32, #tpu.memory_space<vmem>> -> memref<1x128xi32, #tpu.memory_space<vmem>>
    %dma_wait3A_440 = tpu.memref_squeeze %dma_wait3A_439 : memref<1x128xi32, #tpu.memory_space<vmem>> -> memref<128xi32, #tpu.memory_space<vmem>>
    %dma_wait3A_441 = arith.constant 0 : i32
    %dma_wait3A_442 = tpu.memref_slice %arg2[%dma_wait3A_441] : memref<8388608xf32, #tpu.memory_space<hbm>> -> memref<8388608xf32, #tpu.memory_space<hbm>>
    tpu.wait_indirect_dma semaphore(%arg15 : memref<!tpu.dma_semaphore, #tpu.memory_space<semaphore_mem>>) src(%dma_wait3A_442 : memref<8388608xf32, #tpu.memory_space<hbm>>) dst(%dma_wait3A_437 : memref<128xf32, #tpu.memory_space<vmem>>)
    %dma_wait3A_443 = arith.constant 12 : i32
    %dma_wait3A_444 = arith.constant 12 : i32
    %dma_wait3A_445 = arith.constant 0 : i32
    %dma_wait3A_446 = tpu.memref_slice %arg11[%dma_wait3A_444, %dma_wait3A_445] : memref<32x128xf32, #tpu.memory_space<vmem>> -> memref<1x128xf32, #tpu.memory_space<vmem>>
    %dma_wait3A_447 = tpu.memref_squeeze %dma_wait3A_446 : memref<1x128xf32, #tpu.memory_space<vmem>> -> memref<128xf32, #tpu.memory_space<vmem>>
    %dma_wait3A_448 = arith.constant 0 : i32
    %dma_wait3A_449 = tpu.memref_slice %arg10[%dma_wait3A_443, %dma_wait3A_448] : memref<32x128xi32, #tpu.memory_space<vmem>> -> memref<1x128xi32, #tpu.memory_space<vmem>>
    %dma_wait3A_450 = tpu.memref_squeeze %dma_wait3A_449 : memref<1x128xi32, #tpu.memory_space<vmem>> -> memref<128xi32, #tpu.memory_space<vmem>>
    %dma_wait3A_451 = arith.constant 0 : i32
    %dma_wait3A_452 = tpu.memref_slice %arg2[%dma_wait3A_451] : memref<8388608xf32, #tpu.memory_space<hbm>> -> memref<8388608xf32, #tpu.memory_space<hbm>>
    tpu.wait_indirect_dma semaphore(%arg15 : memref<!tpu.dma_semaphore, #tpu.memory_space<semaphore_mem>>) src(%dma_wait3A_452 : memref<8388608xf32, #tpu.memory_space<hbm>>) dst(%dma_wait3A_447 : memref<128xf32, #tpu.memory_space<vmem>>)
    %dma_wait3A_453 = arith.constant 13 : i32
    %dma_wait3A_454 = arith.constant 13 : i32
    %dma_wait3A_455 = arith.constant 0 : i32
    %dma_wait3A_456 = tpu.memref_slice %arg11[%dma_wait3A_454, %dma_wait3A_455] : memref<32x128xf32, #tpu.memory_space<vmem>> -> memref<1x128xf32, #tpu.memory_space<vmem>>
    %dma_wait3A_457 = tpu.memref_squeeze %dma_wait3A_456 : memref<1x128xf32, #tpu.memory_space<vmem>> -> memref<128xf32, #tpu.memory_space<vmem>>
    %dma_wait3A_458 = arith.constant 0 : i32
    %dma_wait3A_459 = tpu.memref_slice %arg10[%dma_wait3A_453, %dma_wait3A_458] : memref<32x128xi32, #tpu.memory_space<vmem>> -> memref<1x128xi32, #tpu.memory_space<vmem>>
    %dma_wait3A_460 = tpu.memref_squeeze %dma_wait3A_459 : memref<1x128xi32, #tpu.memory_space<vmem>> -> memref<128xi32, #tpu.memory_space<vmem>>
    %dma_wait3A_461 = arith.constant 0 : i32
    %dma_wait3A_462 = tpu.memref_slice %arg2[%dma_wait3A_461] : memref<8388608xf32, #tpu.memory_space<hbm>> -> memref<8388608xf32, #tpu.memory_space<hbm>>
    tpu.wait_indirect_dma semaphore(%arg15 : memref<!tpu.dma_semaphore, #tpu.memory_space<semaphore_mem>>) src(%dma_wait3A_462 : memref<8388608xf32, #tpu.memory_space<hbm>>) dst(%dma_wait3A_457 : memref<128xf32, #tpu.memory_space<vmem>>)
    %dma_wait3A_463 = arith.constant 14 : i32
    %dma_wait3A_464 = arith.constant 14 : i32
    %dma_wait3A_465 = arith.constant 0 : i32
    %dma_wait3A_466 = tpu.memref_slice %arg11[%dma_wait3A_464, %dma_wait3A_465] : memref<32x128xf32, #tpu.memory_space<vmem>> -> memref<1x128xf32, #tpu.memory_space<vmem>>
    %dma_wait3A_467 = tpu.memref_squeeze %dma_wait3A_466 : memref<1x128xf32, #tpu.memory_space<vmem>> -> memref<128xf32, #tpu.memory_space<vmem>>
    %dma_wait3A_468 = arith.constant 0 : i32
    %dma_wait3A_469 = tpu.memref_slice %arg10[%dma_wait3A_463, %dma_wait3A_468] : memref<32x128xi32, #tpu.memory_space<vmem>> -> memref<1x128xi32, #tpu.memory_space<vmem>>
    %dma_wait3A_470 = tpu.memref_squeeze %dma_wait3A_469 : memref<1x128xi32, #tpu.memory_space<vmem>> -> memref<128xi32, #tpu.memory_space<vmem>>
    %dma_wait3A_471 = arith.constant 0 : i32
    %dma_wait3A_472 = tpu.memref_slice %arg2[%dma_wait3A_471] : memref<8388608xf32, #tpu.memory_space<hbm>> -> memref<8388608xf32, #tpu.memory_space<hbm>>
    tpu.wait_indirect_dma semaphore(%arg15 : memref<!tpu.dma_semaphore, #tpu.memory_space<semaphore_mem>>) src(%dma_wait3A_472 : memref<8388608xf32, #tpu.memory_space<hbm>>) dst(%dma_wait3A_467 : memref<128xf32, #tpu.memory_space<vmem>>)
    %dma_wait3A_473 = arith.constant 15 : i32
    %dma_wait3A_474 = arith.constant 15 : i32
    %dma_wait3A_475 = arith.constant 0 : i32
    %dma_wait3A_476 = tpu.memref_slice %arg11[%dma_wait3A_474, %dma_wait3A_475] : memref<32x128xf32, #tpu.memory_space<vmem>> -> memref<1x128xf32, #tpu.memory_space<vmem>>
    %dma_wait3A_477 = tpu.memref_squeeze %dma_wait3A_476 : memref<1x128xf32, #tpu.memory_space<vmem>> -> memref<128xf32, #tpu.memory_space<vmem>>
    %dma_wait3A_478 = arith.constant 0 : i32
    %dma_wait3A_479 = tpu.memref_slice %arg10[%dma_wait3A_473, %dma_wait3A_478] : memref<32x128xi32, #tpu.memory_space<vmem>> -> memref<1x128xi32, #tpu.memory_space<vmem>>
    %dma_wait3A_480 = tpu.memref_squeeze %dma_wait3A_479 : memref<1x128xi32, #tpu.memory_space<vmem>> -> memref<128xi32, #tpu.memory_space<vmem>>
    %dma_wait3A_481 = arith.constant 0 : i32
    %dma_wait3A_482 = tpu.memref_slice %arg2[%dma_wait3A_481] : memref<8388608xf32, #tpu.memory_space<hbm>> -> memref<8388608xf32, #tpu.memory_space<hbm>>
    tpu.wait_indirect_dma semaphore(%arg15 : memref<!tpu.dma_semaphore, #tpu.memory_space<semaphore_mem>>) src(%dma_wait3A_482 : memref<8388608xf32, #tpu.memory_space<hbm>>) dst(%dma_wait3A_477 : memref<128xf32, #tpu.memory_space<vmem>>)
    %dma_wait3A_483 = arith.constant 16 : i32
    %dma_wait3A_484 = arith.constant 16 : i32
    %dma_wait3A_485 = arith.constant 0 : i32
    %dma_wait3A_486 = tpu.memref_slice %arg11[%dma_wait3A_484, %dma_wait3A_485] : memref<32x128xf32, #tpu.memory_space<vmem>> -> memref<1x128xf32, #tpu.memory_space<vmem>>
    %dma_wait3A_487 = tpu.memref_squeeze %dma_wait3A_486 : memref<1x128xf32, #tpu.memory_space<vmem>> -> memref<128xf32, #tpu.memory_space<vmem>>
    %dma_wait3A_488 = arith.constant 0 : i32
    %dma_wait3A_489 = tpu.memref_slice %arg10[%dma_wait3A_483, %dma_wait3A_488] : memref<32x128xi32, #tpu.memory_space<vmem>> -> memref<1x128xi32, #tpu.memory_space<vmem>>
    %dma_wait3A_490 = tpu.memref_squeeze %dma_wait3A_489 : memref<1x128xi32, #tpu.memory_space<vmem>> -> memref<128xi32, #tpu.memory_space<vmem>>
    %dma_wait3A_491 = arith.constant 0 : i32
    %dma_wait3A_492 = tpu.memref_slice %arg2[%dma_wait3A_491] : memref<8388608xf32, #tpu.memory_space<hbm>> -> memref<8388608xf32, #tpu.memory_space<hbm>>
    tpu.wait_indirect_dma semaphore(%arg15 : memref<!tpu.dma_semaphore, #tpu.memory_space<semaphore_mem>>) src(%dma_wait3A_492 : memref<8388608xf32, #tpu.memory_space<hbm>>) dst(%dma_wait3A_487 : memref<128xf32, #tpu.memory_space<vmem>>)
    %dma_wait3A_493 = arith.constant 17 : i32
    %dma_wait3A_494 = arith.constant 17 : i32
    %dma_wait3A_495 = arith.constant 0 : i32
    %dma_wait3A_496 = tpu.memref_slice %arg11[%dma_wait3A_494, %dma_wait3A_495] : memref<32x128xf32, #tpu.memory_space<vmem>> -> memref<1x128xf32, #tpu.memory_space<vmem>>
    %dma_wait3A_497 = tpu.memref_squeeze %dma_wait3A_496 : memref<1x128xf32, #tpu.memory_space<vmem>> -> memref<128xf32, #tpu.memory_space<vmem>>
    %dma_wait3A_498 = arith.constant 0 : i32
    %dma_wait3A_499 = tpu.memref_slice %arg10[%dma_wait3A_493, %dma_wait3A_498] : memref<32x128xi32, #tpu.memory_space<vmem>> -> memref<1x128xi32, #tpu.memory_space<vmem>>
    %dma_wait3A_500 = tpu.memref_squeeze %dma_wait3A_499 : memref<1x128xi32, #tpu.memory_space<vmem>> -> memref<128xi32, #tpu.memory_space<vmem>>
    %dma_wait3A_501 = arith.constant 0 : i32
    %dma_wait3A_502 = tpu.memref_slice %arg2[%dma_wait3A_501] : memref<8388608xf32, #tpu.memory_space<hbm>> -> memref<8388608xf32, #tpu.memory_space<hbm>>
    tpu.wait_indirect_dma semaphore(%arg15 : memref<!tpu.dma_semaphore, #tpu.memory_space<semaphore_mem>>) src(%dma_wait3A_502 : memref<8388608xf32, #tpu.memory_space<hbm>>) dst(%dma_wait3A_497 : memref<128xf32, #tpu.memory_space<vmem>>)
    %dma_wait3A_503 = arith.constant 18 : i32
    %dma_wait3A_504 = arith.constant 18 : i32
    %dma_wait3A_505 = arith.constant 0 : i32
    %dma_wait3A_506 = tpu.memref_slice %arg11[%dma_wait3A_504, %dma_wait3A_505] : memref<32x128xf32, #tpu.memory_space<vmem>> -> memref<1x128xf32, #tpu.memory_space<vmem>>
    %dma_wait3A_507 = tpu.memref_squeeze %dma_wait3A_506 : memref<1x128xf32, #tpu.memory_space<vmem>> -> memref<128xf32, #tpu.memory_space<vmem>>
    %dma_wait3A_508 = arith.constant 0 : i32
    %dma_wait3A_509 = tpu.memref_slice %arg10[%dma_wait3A_503, %dma_wait3A_508] : memref<32x128xi32, #tpu.memory_space<vmem>> -> memref<1x128xi32, #tpu.memory_space<vmem>>
    %dma_wait3A_510 = tpu.memref_squeeze %dma_wait3A_509 : memref<1x128xi32, #tpu.memory_space<vmem>> -> memref<128xi32, #tpu.memory_space<vmem>>
    %dma_wait3A_511 = arith.constant 0 : i32
    %dma_wait3A_512 = tpu.memref_slice %arg2[%dma_wait3A_511] : memref<8388608xf32, #tpu.memory_space<hbm>> -> memref<8388608xf32, #tpu.memory_space<hbm>>
    tpu.wait_indirect_dma semaphore(%arg15 : memref<!tpu.dma_semaphore, #tpu.memory_space<semaphore_mem>>) src(%dma_wait3A_512 : memref<8388608xf32, #tpu.memory_space<hbm>>) dst(%dma_wait3A_507 : memref<128xf32, #tpu.memory_space<vmem>>)
    %dma_wait3A_513 = arith.constant 19 : i32
    %dma_wait3A_514 = arith.constant 19 : i32
    %dma_wait3A_515 = arith.constant 0 : i32
    %dma_wait3A_516 = tpu.memref_slice %arg11[%dma_wait3A_514, %dma_wait3A_515] : memref<32x128xf32, #tpu.memory_space<vmem>> -> memref<1x128xf32, #tpu.memory_space<vmem>>
    %dma_wait3A_517 = tpu.memref_squeeze %dma_wait3A_516 : memref<1x128xf32, #tpu.memory_space<vmem>> -> memref<128xf32, #tpu.memory_space<vmem>>
    %dma_wait3A_518 = arith.constant 0 : i32
    %dma_wait3A_519 = tpu.memref_slice %arg10[%dma_wait3A_513, %dma_wait3A_518] : memref<32x128xi32, #tpu.memory_space<vmem>> -> memref<1x128xi32, #tpu.memory_space<vmem>>
    %dma_wait3A_520 = tpu.memref_squeeze %dma_wait3A_519 : memref<1x128xi32, #tpu.memory_space<vmem>> -> memref<128xi32, #tpu.memory_space<vmem>>
    %dma_wait3A_521 = arith.constant 0 : i32
    %dma_wait3A_522 = tpu.memref_slice %arg2[%dma_wait3A_521] : memref<8388608xf32, #tpu.memory_space<hbm>> -> memref<8388608xf32, #tpu.memory_space<hbm>>
    tpu.wait_indirect_dma semaphore(%arg15 : memref<!tpu.dma_semaphore, #tpu.memory_space<semaphore_mem>>) src(%dma_wait3A_522 : memref<8388608xf32, #tpu.memory_space<hbm>>) dst(%dma_wait3A_517 : memref<128xf32, #tpu.memory_space<vmem>>)
    %dma_wait3A_523 = arith.constant 20 : i32
    %dma_wait3A_524 = arith.constant 20 : i32
    %dma_wait3A_525 = arith.constant 0 : i32
    %dma_wait3A_526 = tpu.memref_slice %arg11[%dma_wait3A_524, %dma_wait3A_525] : memref<32x128xf32, #tpu.memory_space<vmem>> -> memref<1x128xf32, #tpu.memory_space<vmem>>
    %dma_wait3A_527 = tpu.memref_squeeze %dma_wait3A_526 : memref<1x128xf32, #tpu.memory_space<vmem>> -> memref<128xf32, #tpu.memory_space<vmem>>
    %dma_wait3A_528 = arith.constant 0 : i32
    %dma_wait3A_529 = tpu.memref_slice %arg10[%dma_wait3A_523, %dma_wait3A_528] : memref<32x128xi32, #tpu.memory_space<vmem>> -> memref<1x128xi32, #tpu.memory_space<vmem>>
    %dma_wait3A_530 = tpu.memref_squeeze %dma_wait3A_529 : memref<1x128xi32, #tpu.memory_space<vmem>> -> memref<128xi32, #tpu.memory_space<vmem>>
    %dma_wait3A_531 = arith.constant 0 : i32
    %dma_wait3A_532 = tpu.memref_slice %arg2[%dma_wait3A_531] : memref<8388608xf32, #tpu.memory_space<hbm>> -> memref<8388608xf32, #tpu.memory_space<hbm>>
    tpu.wait_indirect_dma semaphore(%arg15 : memref<!tpu.dma_semaphore, #tpu.memory_space<semaphore_mem>>) src(%dma_wait3A_532 : memref<8388608xf32, #tpu.memory_space<hbm>>) dst(%dma_wait3A_527 : memref<128xf32, #tpu.memory_space<vmem>>)
    %dma_wait3A_533 = arith.constant 21 : i32
    %dma_wait3A_534 = arith.constant 21 : i32
    %dma_wait3A_535 = arith.constant 0 : i32
    %dma_wait3A_536 = tpu.memref_slice %arg11[%dma_wait3A_534, %dma_wait3A_535] : memref<32x128xf32, #tpu.memory_space<vmem>> -> memref<1x128xf32, #tpu.memory_space<vmem>>
    %dma_wait3A_537 = tpu.memref_squeeze %dma_wait3A_536 : memref<1x128xf32, #tpu.memory_space<vmem>> -> memref<128xf32, #tpu.memory_space<vmem>>
    %dma_wait3A_538 = arith.constant 0 : i32
    %dma_wait3A_539 = tpu.memref_slice %arg10[%dma_wait3A_533, %dma_wait3A_538] : memref<32x128xi32, #tpu.memory_space<vmem>> -> memref<1x128xi32, #tpu.memory_space<vmem>>
    %dma_wait3A_540 = tpu.memref_squeeze %dma_wait3A_539 : memref<1x128xi32, #tpu.memory_space<vmem>> -> memref<128xi32, #tpu.memory_space<vmem>>
    %dma_wait3A_541 = arith.constant 0 : i32
    %dma_wait3A_542 = tpu.memref_slice %arg2[%dma_wait3A_541] : memref<8388608xf32, #tpu.memory_space<hbm>> -> memref<8388608xf32, #tpu.memory_space<hbm>>
    tpu.wait_indirect_dma semaphore(%arg15 : memref<!tpu.dma_semaphore, #tpu.memory_space<semaphore_mem>>) src(%dma_wait3A_542 : memref<8388608xf32, #tpu.memory_space<hbm>>) dst(%dma_wait3A_537 : memref<128xf32, #tpu.memory_space<vmem>>)
    %dma_wait3A_543 = arith.constant 22 : i32
    %dma_wait3A_544 = arith.constant 22 : i32
    %dma_wait3A_545 = arith.constant 0 : i32
    %dma_wait3A_546 = tpu.memref_slice %arg11[%dma_wait3A_544, %dma_wait3A_545] : memref<32x128xf32, #tpu.memory_space<vmem>> -> memref<1x128xf32, #tpu.memory_space<vmem>>
    %dma_wait3A_547 = tpu.memref_squeeze %dma_wait3A_546 : memref<1x128xf32, #tpu.memory_space<vmem>> -> memref<128xf32, #tpu.memory_space<vmem>>
    %dma_wait3A_548 = arith.constant 0 : i32
    %dma_wait3A_549 = tpu.memref_slice %arg10[%dma_wait3A_543, %dma_wait3A_548] : memref<32x128xi32, #tpu.memory_space<vmem>> -> memref<1x128xi32, #tpu.memory_space<vmem>>
    %dma_wait3A_550 = tpu.memref_squeeze %dma_wait3A_549 : memref<1x128xi32, #tpu.memory_space<vmem>> -> memref<128xi32, #tpu.memory_space<vmem>>
    %dma_wait3A_551 = arith.constant 0 : i32
    %dma_wait3A_552 = tpu.memref_slice %arg2[%dma_wait3A_551] : memref<8388608xf32, #tpu.memory_space<hbm>> -> memref<8388608xf32, #tpu.memory_space<hbm>>
    tpu.wait_indirect_dma semaphore(%arg15 : memref<!tpu.dma_semaphore, #tpu.memory_space<semaphore_mem>>) src(%dma_wait3A_552 : memref<8388608xf32, #tpu.memory_space<hbm>>) dst(%dma_wait3A_547 : memref<128xf32, #tpu.memory_space<vmem>>)
    %dma_wait3A_553 = arith.constant 23 : i32
    %dma_wait3A_554 = arith.constant 23 : i32
    %dma_wait3A_555 = arith.constant 0 : i32
    %dma_wait3A_556 = tpu.memref_slice %arg11[%dma_wait3A_554, %dma_wait3A_555] : memref<32x128xf32, #tpu.memory_space<vmem>> -> memref<1x128xf32, #tpu.memory_space<vmem>>
    %dma_wait3A_557 = tpu.memref_squeeze %dma_wait3A_556 : memref<1x128xf32, #tpu.memory_space<vmem>> -> memref<128xf32, #tpu.memory_space<vmem>>
    %dma_wait3A_558 = arith.constant 0 : i32
    %dma_wait3A_559 = tpu.memref_slice %arg10[%dma_wait3A_553, %dma_wait3A_558] : memref<32x128xi32, #tpu.memory_space<vmem>> -> memref<1x128xi32, #tpu.memory_space<vmem>>
    %dma_wait3A_560 = tpu.memref_squeeze %dma_wait3A_559 : memref<1x128xi32, #tpu.memory_space<vmem>> -> memref<128xi32, #tpu.memory_space<vmem>>
    %dma_wait3A_561 = arith.constant 0 : i32
    %dma_wait3A_562 = tpu.memref_slice %arg2[%dma_wait3A_561] : memref<8388608xf32, #tpu.memory_space<hbm>> -> memref<8388608xf32, #tpu.memory_space<hbm>>
    tpu.wait_indirect_dma semaphore(%arg15 : memref<!tpu.dma_semaphore, #tpu.memory_space<semaphore_mem>>) src(%dma_wait3A_562 : memref<8388608xf32, #tpu.memory_space<hbm>>) dst(%dma_wait3A_557 : memref<128xf32, #tpu.memory_space<vmem>>)
    %dma_wait3A_563 = arith.constant 24 : i32
    %dma_wait3A_564 = arith.constant 24 : i32
    %dma_wait3A_565 = arith.constant 0 : i32
    %dma_wait3A_566 = tpu.memref_slice %arg11[%dma_wait3A_564, %dma_wait3A_565] : memref<32x128xf32, #tpu.memory_space<vmem>> -> memref<1x128xf32, #tpu.memory_space<vmem>>
    %dma_wait3A_567 = tpu.memref_squeeze %dma_wait3A_566 : memref<1x128xf32, #tpu.memory_space<vmem>> -> memref<128xf32, #tpu.memory_space<vmem>>
    %dma_wait3A_568 = arith.constant 0 : i32
    %dma_wait3A_569 = tpu.memref_slice %arg10[%dma_wait3A_563, %dma_wait3A_568] : memref<32x128xi32, #tpu.memory_space<vmem>> -> memref<1x128xi32, #tpu.memory_space<vmem>>
    %dma_wait3A_570 = tpu.memref_squeeze %dma_wait3A_569 : memref<1x128xi32, #tpu.memory_space<vmem>> -> memref<128xi32, #tpu.memory_space<vmem>>
    %dma_wait3A_571 = arith.constant 0 : i32
    %dma_wait3A_572 = tpu.memref_slice %arg2[%dma_wait3A_571] : memref<8388608xf32, #tpu.memory_space<hbm>> -> memref<8388608xf32, #tpu.memory_space<hbm>>
    tpu.wait_indirect_dma semaphore(%arg15 : memref<!tpu.dma_semaphore, #tpu.memory_space<semaphore_mem>>) src(%dma_wait3A_572 : memref<8388608xf32, #tpu.memory_space<hbm>>) dst(%dma_wait3A_567 : memref<128xf32, #tpu.memory_space<vmem>>)
    %dma_wait3A_573 = arith.constant 25 : i32
    %dma_wait3A_574 = arith.constant 25 : i32
    %dma_wait3A_575 = arith.constant 0 : i32
    %dma_wait3A_576 = tpu.memref_slice %arg11[%dma_wait3A_574, %dma_wait3A_575] : memref<32x128xf32, #tpu.memory_space<vmem>> -> memref<1x128xf32, #tpu.memory_space<vmem>>
    %dma_wait3A_577 = tpu.memref_squeeze %dma_wait3A_576 : memref<1x128xf32, #tpu.memory_space<vmem>> -> memref<128xf32, #tpu.memory_space<vmem>>
    %dma_wait3A_578 = arith.constant 0 : i32
    %dma_wait3A_579 = tpu.memref_slice %arg10[%dma_wait3A_573, %dma_wait3A_578] : memref<32x128xi32, #tpu.memory_space<vmem>> -> memref<1x128xi32, #tpu.memory_space<vmem>>
    %dma_wait3A_580 = tpu.memref_squeeze %dma_wait3A_579 : memref<1x128xi32, #tpu.memory_space<vmem>> -> memref<128xi32, #tpu.memory_space<vmem>>
    %dma_wait3A_581 = arith.constant 0 : i32
    %dma_wait3A_582 = tpu.memref_slice %arg2[%dma_wait3A_581] : memref<8388608xf32, #tpu.memory_space<hbm>> -> memref<8388608xf32, #tpu.memory_space<hbm>>
    tpu.wait_indirect_dma semaphore(%arg15 : memref<!tpu.dma_semaphore, #tpu.memory_space<semaphore_mem>>) src(%dma_wait3A_582 : memref<8388608xf32, #tpu.memory_space<hbm>>) dst(%dma_wait3A_577 : memref<128xf32, #tpu.memory_space<vmem>>)
    %dma_wait3A_583 = arith.constant 26 : i32
    %dma_wait3A_584 = arith.constant 26 : i32
    %dma_wait3A_585 = arith.constant 0 : i32
    %dma_wait3A_586 = tpu.memref_slice %arg11[%dma_wait3A_584, %dma_wait3A_585] : memref<32x128xf32, #tpu.memory_space<vmem>> -> memref<1x128xf32, #tpu.memory_space<vmem>>
    %dma_wait3A_587 = tpu.memref_squeeze %dma_wait3A_586 : memref<1x128xf32, #tpu.memory_space<vmem>> -> memref<128xf32, #tpu.memory_space<vmem>>
    %dma_wait3A_588 = arith.constant 0 : i32
    %dma_wait3A_589 = tpu.memref_slice %arg10[%dma_wait3A_583, %dma_wait3A_588] : memref<32x128xi32, #tpu.memory_space<vmem>> -> memref<1x128xi32, #tpu.memory_space<vmem>>
    %dma_wait3A_590 = tpu.memref_squeeze %dma_wait3A_589 : memref<1x128xi32, #tpu.memory_space<vmem>> -> memref<128xi32, #tpu.memory_space<vmem>>
    %dma_wait3A_591 = arith.constant 0 : i32
    %dma_wait3A_592 = tpu.memref_slice %arg2[%dma_wait3A_591] : memref<8388608xf32, #tpu.memory_space<hbm>> -> memref<8388608xf32, #tpu.memory_space<hbm>>
    tpu.wait_indirect_dma semaphore(%arg15 : memref<!tpu.dma_semaphore, #tpu.memory_space<semaphore_mem>>) src(%dma_wait3A_592 : memref<8388608xf32, #tpu.memory_space<hbm>>) dst(%dma_wait3A_587 : memref<128xf32, #tpu.memory_space<vmem>>)
    %dma_wait3A_593 = arith.constant 27 : i32
    %dma_wait3A_594 = arith.constant 27 : i32
    %dma_wait3A_595 = arith.constant 0 : i32
    %dma_wait3A_596 = tpu.memref_slice %arg11[%dma_wait3A_594, %dma_wait3A_595] : memref<32x128xf32, #tpu.memory_space<vmem>> -> memref<1x128xf32, #tpu.memory_space<vmem>>
    %dma_wait3A_597 = tpu.memref_squeeze %dma_wait3A_596 : memref<1x128xf32, #tpu.memory_space<vmem>> -> memref<128xf32, #tpu.memory_space<vmem>>
    %dma_wait3A_598 = arith.constant 0 : i32
    %dma_wait3A_599 = tpu.memref_slice %arg10[%dma_wait3A_593, %dma_wait3A_598] : memref<32x128xi32, #tpu.memory_space<vmem>> -> memref<1x128xi32, #tpu.memory_space<vmem>>
    %dma_wait3A_600 = tpu.memref_squeeze %dma_wait3A_599 : memref<1x128xi32, #tpu.memory_space<vmem>> -> memref<128xi32, #tpu.memory_space<vmem>>
    %dma_wait3A_601 = arith.constant 0 : i32
    %dma_wait3A_602 = tpu.memref_slice %arg2[%dma_wait3A_601] : memref<8388608xf32, #tpu.memory_space<hbm>> -> memref<8388608xf32, #tpu.memory_space<hbm>>
    tpu.wait_indirect_dma semaphore(%arg15 : memref<!tpu.dma_semaphore, #tpu.memory_space<semaphore_mem>>) src(%dma_wait3A_602 : memref<8388608xf32, #tpu.memory_space<hbm>>) dst(%dma_wait3A_597 : memref<128xf32, #tpu.memory_space<vmem>>)
    %dma_wait3A_603 = arith.constant 28 : i32
    %dma_wait3A_604 = arith.constant 28 : i32
    %dma_wait3A_605 = arith.constant 0 : i32
    %dma_wait3A_606 = tpu.memref_slice %arg11[%dma_wait3A_604, %dma_wait3A_605] : memref<32x128xf32, #tpu.memory_space<vmem>> -> memref<1x128xf32, #tpu.memory_space<vmem>>
    %dma_wait3A_607 = tpu.memref_squeeze %dma_wait3A_606 : memref<1x128xf32, #tpu.memory_space<vmem>> -> memref<128xf32, #tpu.memory_space<vmem>>
    %dma_wait3A_608 = arith.constant 0 : i32
    %dma_wait3A_609 = tpu.memref_slice %arg10[%dma_wait3A_603, %dma_wait3A_608] : memref<32x128xi32, #tpu.memory_space<vmem>> -> memref<1x128xi32, #tpu.memory_space<vmem>>
    %dma_wait3A_610 = tpu.memref_squeeze %dma_wait3A_609 : memref<1x128xi32, #tpu.memory_space<vmem>> -> memref<128xi32, #tpu.memory_space<vmem>>
    %dma_wait3A_611 = arith.constant 0 : i32
    %dma_wait3A_612 = tpu.memref_slice %arg2[%dma_wait3A_611] : memref<8388608xf32, #tpu.memory_space<hbm>> -> memref<8388608xf32, #tpu.memory_space<hbm>>
    tpu.wait_indirect_dma semaphore(%arg15 : memref<!tpu.dma_semaphore, #tpu.memory_space<semaphore_mem>>) src(%dma_wait3A_612 : memref<8388608xf32, #tpu.memory_space<hbm>>) dst(%dma_wait3A_607 : memref<128xf32, #tpu.memory_space<vmem>>)
    %dma_wait3A_613 = arith.constant 29 : i32
    %dma_wait3A_614 = arith.constant 29 : i32
    %dma_wait3A_615 = arith.constant 0 : i32
    %dma_wait3A_616 = tpu.memref_slice %arg11[%dma_wait3A_614, %dma_wait3A_615] : memref<32x128xf32, #tpu.memory_space<vmem>> -> memref<1x128xf32, #tpu.memory_space<vmem>>
    %dma_wait3A_617 = tpu.memref_squeeze %dma_wait3A_616 : memref<1x128xf32, #tpu.memory_space<vmem>> -> memref<128xf32, #tpu.memory_space<vmem>>
    %dma_wait3A_618 = arith.constant 0 : i32
    %dma_wait3A_619 = tpu.memref_slice %arg10[%dma_wait3A_613, %dma_wait3A_618] : memref<32x128xi32, #tpu.memory_space<vmem>> -> memref<1x128xi32, #tpu.memory_space<vmem>>
    %dma_wait3A_620 = tpu.memref_squeeze %dma_wait3A_619 : memref<1x128xi32, #tpu.memory_space<vmem>> -> memref<128xi32, #tpu.memory_space<vmem>>
    %dma_wait3A_621 = arith.constant 0 : i32
    %dma_wait3A_622 = tpu.memref_slice %arg2[%dma_wait3A_621] : memref<8388608xf32, #tpu.memory_space<hbm>> -> memref<8388608xf32, #tpu.memory_space<hbm>>
    tpu.wait_indirect_dma semaphore(%arg15 : memref<!tpu.dma_semaphore, #tpu.memory_space<semaphore_mem>>) src(%dma_wait3A_622 : memref<8388608xf32, #tpu.memory_space<hbm>>) dst(%dma_wait3A_617 : memref<128xf32, #tpu.memory_space<vmem>>)
    %dma_wait3A_623 = arith.constant 30 : i32
    %dma_wait3A_624 = arith.constant 30 : i32
    %dma_wait3A_625 = arith.constant 0 : i32
    %dma_wait3A_626 = tpu.memref_slice %arg11[%dma_wait3A_624, %dma_wait3A_625] : memref<32x128xf32, #tpu.memory_space<vmem>> -> memref<1x128xf32, #tpu.memory_space<vmem>>
    %dma_wait3A_627 = tpu.memref_squeeze %dma_wait3A_626 : memref<1x128xf32, #tpu.memory_space<vmem>> -> memref<128xf32, #tpu.memory_space<vmem>>
    %dma_wait3A_628 = arith.constant 0 : i32
    %dma_wait3A_629 = tpu.memref_slice %arg10[%dma_wait3A_623, %dma_wait3A_628] : memref<32x128xi32, #tpu.memory_space<vmem>> -> memref<1x128xi32, #tpu.memory_space<vmem>>
    %dma_wait3A_630 = tpu.memref_squeeze %dma_wait3A_629 : memref<1x128xi32, #tpu.memory_space<vmem>> -> memref<128xi32, #tpu.memory_space<vmem>>
    %dma_wait3A_631 = arith.constant 0 : i32
    %dma_wait3A_632 = tpu.memref_slice %arg2[%dma_wait3A_631] : memref<8388608xf32, #tpu.memory_space<hbm>> -> memref<8388608xf32, #tpu.memory_space<hbm>>
    tpu.wait_indirect_dma semaphore(%arg15 : memref<!tpu.dma_semaphore, #tpu.memory_space<semaphore_mem>>) src(%dma_wait3A_632 : memref<8388608xf32, #tpu.memory_space<hbm>>) dst(%dma_wait3A_627 : memref<128xf32, #tpu.memory_space<vmem>>)
    %dma_wait3A_633 = arith.constant 31 : i32
    %dma_wait3A_634 = arith.constant 31 : i32
    %dma_wait3A_635 = arith.constant 0 : i32
    %dma_wait3A_636 = tpu.memref_slice %arg11[%dma_wait3A_634, %dma_wait3A_635] : memref<32x128xf32, #tpu.memory_space<vmem>> -> memref<1x128xf32, #tpu.memory_space<vmem>>
    %dma_wait3A_637 = tpu.memref_squeeze %dma_wait3A_636 : memref<1x128xf32, #tpu.memory_space<vmem>> -> memref<128xf32, #tpu.memory_space<vmem>>
    %dma_wait3A_638 = arith.constant 0 : i32
    %dma_wait3A_639 = tpu.memref_slice %arg10[%dma_wait3A_633, %dma_wait3A_638] : memref<32x128xi32, #tpu.memory_space<vmem>> -> memref<1x128xi32, #tpu.memory_space<vmem>>
    %dma_wait3A_640 = tpu.memref_squeeze %dma_wait3A_639 : memref<1x128xi32, #tpu.memory_space<vmem>> -> memref<128xi32, #tpu.memory_space<vmem>>
    %dma_wait3A_641 = arith.constant 0 : i32
    %dma_wait3A_642 = tpu.memref_slice %arg2[%dma_wait3A_641] : memref<8388608xf32, #tpu.memory_space<hbm>> -> memref<8388608xf32, #tpu.memory_space<hbm>>
    tpu.wait_indirect_dma semaphore(%arg15 : memref<!tpu.dma_semaphore, #tpu.memory_space<semaphore_mem>>) src(%dma_wait3A_642 : memref<8388608xf32, #tpu.memory_space<hbm>>) dst(%dma_wait3A_637 : memref<128xf32, #tpu.memory_space<vmem>>)
    %dma_wait3A_643 = arith.constant 0 : i32
    %dma_wait3A_644 = tpu.memref_slice %arg5[%dma_wait3A_643] : memref<131072xf32, #tpu.memory_space<hbm>> -> memref<131072xf32, #tpu.memory_space<hbm>>
    tpu.wait_indirect_dma semaphore(%arg15 : memref<!tpu.dma_semaphore, #tpu.memory_space<semaphore_mem>>) src(%dma_wait3A_644 : memref<131072xf32, #tpu.memory_space<hbm>>) dst(%arg13 : memref<64xf32, #tpu.memory_space<vmem>>)
    %dma_wait3A_645 = arith.constant 0 : i32
    %dma_wait3A_646 = tpu.memref_slice %arg6[%dma_wait3A_645] : memref<131072xi32, #tpu.memory_space<hbm>> -> memref<131072xi32, #tpu.memory_space<hbm>>
    tpu.wait_indirect_dma semaphore(%arg15 : memref<!tpu.dma_semaphore, #tpu.memory_space<semaphore_mem>>) src(%dma_wait3A_646 : memref<131072xi32, #tpu.memory_space<hbm>>) dst(%arg14 : memref<64xi32, #tpu.memory_space<vmem>>)
    "tpu.region"() ({
      %run_scoped3A = tpu.sem_alloc : memref<!tpu.dma_semaphore, #tpu.memory_space<semaphore_mem>>
      %dma_start3A_647 = arith.constant 0 : i32
      %dma_start3A_648 = arith.constant 0 : i32
      %dma_start3A_649 = tpu.memref_slice %arg7[%add3A, %dma_start3A_647, %dma_start3A_648] : memref<32x32x128xf32, #tpu.memory_space<hbm>> -> memref<1x32x128xf32, #tpu.memory_space<hbm>>
      %dma_start3A_650 = tpu.memref_squeeze %dma_start3A_649 : memref<1x32x128xf32, #tpu.memory_space<hbm>> -> memref<32x128xf32, #tpu.memory_space<hbm>>
      %dma_start3A_651 = arith.constant 0 : i32
      %dma_start3A_652 = arith.constant 0 : i32
      %dma_start3A_653 = tpu.memref_slice %arg7[%add3A, %dma_start3A_651, %dma_start3A_652] : memref<32x32x128xf32, #tpu.memory_space<hbm>> -> memref<1x32x128xf32, #tpu.memory_space<hbm>>
      %dma_start3A_654 = tpu.memref_squeeze %dma_start3A_653 : memref<1x32x128xf32, #tpu.memory_space<hbm>> -> memref<32x128xf32, #tpu.memory_space<hbm>>
      tpu.enqueue_dma source(%arg11 : memref<32x128xf32, #tpu.memory_space<vmem>>) target(%dma_start3A_654 : memref<32x128xf32, #tpu.memory_space<hbm>>) target_semaphore(%run_scoped3A : memref<!tpu.dma_semaphore, #tpu.memory_space<semaphore_mem>>)
      %dma_wait3A_655 = arith.constant 0 : i32
      %dma_wait3A_656 = arith.constant 0 : i32
      %dma_wait3A_657 = tpu.memref_slice %arg7[%add3A, %dma_wait3A_655, %dma_wait3A_656] : memref<32x32x128xf32, #tpu.memory_space<hbm>> -> memref<1x32x128xf32, #tpu.memory_space<hbm>>
      %dma_wait3A_658 = tpu.memref_squeeze %dma_wait3A_657 : memref<1x32x128xf32, #tpu.memory_space<hbm>> -> memref<32x128xf32, #tpu.memory_space<hbm>>
      %dma_wait3A_659 = arith.constant 0 : i32
      %dma_wait3A_660 = arith.constant 0 : i32
      %dma_wait3A_661 = tpu.memref_slice %arg7[%add3A, %dma_wait3A_659, %dma_wait3A_660] : memref<32x32x128xf32, #tpu.memory_space<hbm>> -> memref<1x32x128xf32, #tpu.memory_space<hbm>>
      %dma_wait3A_662 = tpu.memref_squeeze %dma_wait3A_661 : memref<1x32x128xf32, #tpu.memory_space<hbm>> -> memref<32x128xf32, #tpu.memory_space<hbm>>
      tpu.wait_dma2 semaphore(%run_scoped3A : memref<!tpu.dma_semaphore, #tpu.memory_space<semaphore_mem>>) src(%arg11 : memref<32x128xf32, #tpu.memory_space<vmem>>) dst(%dma_wait3A_662 : memref<32x128xf32, #tpu.memory_space<hbm>>)
      tpu.yield
    }) : () -> ()
    "tpu.region"() ({
      %run_scoped3A = tpu.sem_alloc : memref<!tpu.dma_semaphore, #tpu.memory_space<semaphore_mem>>
      %dma_start3A_647 = arith.constant 0 : i32
      %dma_start3A_648 = tpu.memref_slice %arg8[%add3A, %dma_start3A_647] : memref<32x64xf32, #tpu.memory_space<hbm>> -> memref<1x64xf32, #tpu.memory_space<hbm>>
      %dma_start3A_649 = tpu.memref_squeeze %dma_start3A_648 : memref<1x64xf32, #tpu.memory_space<hbm>> -> memref<64xf32, #tpu.memory_space<hbm>>
      %dma_start3A_650 = arith.constant 0 : i32
      %dma_start3A_651 = tpu.memref_slice %arg8[%add3A, %dma_start3A_650] : memref<32x64xf32, #tpu.memory_space<hbm>> -> memref<1x64xf32, #tpu.memory_space<hbm>>
      %dma_start3A_652 = tpu.memref_squeeze %dma_start3A_651 : memref<1x64xf32, #tpu.memory_space<hbm>> -> memref<64xf32, #tpu.memory_space<hbm>>
      tpu.enqueue_dma source(%arg13 : memref<64xf32, #tpu.memory_space<vmem>>) target(%dma_start3A_652 : memref<64xf32, #tpu.memory_space<hbm>>) target_semaphore(%run_scoped3A : memref<!tpu.dma_semaphore, #tpu.memory_space<semaphore_mem>>)
      %dma_wait3A_653 = arith.constant 0 : i32
      %dma_wait3A_654 = tpu.memref_slice %arg8[%add3A, %dma_wait3A_653] : memref<32x64xf32, #tpu.memory_space<hbm>> -> memref<1x64xf32, #tpu.memory_space<hbm>>
      %dma_wait3A_655 = tpu.memref_squeeze %dma_wait3A_654 : memref<1x64xf32, #tpu.memory_space<hbm>> -> memref<64xf32, #tpu.memory_space<hbm>>
      %dma_wait3A_656 = arith.constant 0 : i32
      %dma_wait3A_657 = tpu.memref_slice %arg8[%add3A, %dma_wait3A_656] : memref<32x64xf32, #tpu.memory_space<hbm>> -> memref<1x64xf32, #tpu.memory_space<hbm>>
      %dma_wait3A_658 = tpu.memref_squeeze %dma_wait3A_657 : memref<1x64xf32, #tpu.memory_space<hbm>> -> memref<64xf32, #tpu.memory_space<hbm>>
      tpu.wait_dma2 semaphore(%run_scoped3A : memref<!tpu.dma_semaphore, #tpu.memory_space<semaphore_mem>>) src(%arg13 : memref<64xf32, #tpu.memory_space<vmem>>) dst(%dma_wait3A_658 : memref<64xf32, #tpu.memory_space<hbm>>)
      tpu.yield
    }) : () -> ()
    "tpu.region"() ({
      %run_scoped3A = tpu.sem_alloc : memref<!tpu.dma_semaphore, #tpu.memory_space<semaphore_mem>>
      %dma_start3A_647 = arith.constant 0 : i32
      %dma_start3A_648 = tpu.memref_slice %arg9[%add3A, %dma_start3A_647] : memref<32x64xi32, #tpu.memory_space<hbm>> -> memref<1x64xi32, #tpu.memory_space<hbm>>
      %dma_start3A_649 = tpu.memref_squeeze %dma_start3A_648 : memref<1x64xi32, #tpu.memory_space<hbm>> -> memref<64xi32, #tpu.memory_space<hbm>>
      %dma_start3A_650 = arith.constant 0 : i32
      %dma_start3A_651 = tpu.memref_slice %arg9[%add3A, %dma_start3A_650] : memref<32x64xi32, #tpu.memory_space<hbm>> -> memref<1x64xi32, #tpu.memory_space<hbm>>
      %dma_start3A_652 = tpu.memref_squeeze %dma_start3A_651 : memref<1x64xi32, #tpu.memory_space<hbm>> -> memref<64xi32, #tpu.memory_space<hbm>>
      tpu.enqueue_dma source(%arg14 : memref<64xi32, #tpu.memory_space<vmem>>) target(%dma_start3A_652 : memref<64xi32, #tpu.memory_space<hbm>>) target_semaphore(%run_scoped3A : memref<!tpu.dma_semaphore, #tpu.memory_space<semaphore_mem>>)
      %dma_wait3A_653 = arith.constant 0 : i32
      %dma_wait3A_654 = tpu.memref_slice %arg9[%add3A, %dma_wait3A_653] : memref<32x64xi32, #tpu.memory_space<hbm>> -> memref<1x64xi32, #tpu.memory_space<hbm>>
      %dma_wait3A_655 = tpu.memref_squeeze %dma_wait3A_654 : memref<1x64xi32, #tpu.memory_space<hbm>> -> memref<64xi32, #tpu.memory_space<hbm>>
      %dma_wait3A_656 = arith.constant 0 : i32
      %dma_wait3A_657 = tpu.memref_slice %arg9[%add3A, %dma_wait3A_656] : memref<32x64xi32, #tpu.memory_space<hbm>> -> memref<1x64xi32, #tpu.memory_space<hbm>>
      %dma_wait3A_658 = tpu.memref_squeeze %dma_wait3A_657 : memref<1x64xi32, #tpu.memory_space<hbm>> -> memref<64xi32, #tpu.memory_space<hbm>>
      tpu.wait_dma2 semaphore(%run_scoped3A : memref<!tpu.dma_semaphore, #tpu.memory_space<semaphore_mem>>) src(%arg14 : memref<64xi32, #tpu.memory_space<vmem>>) dst(%dma_wait3A_658 : memref<64xi32, #tpu.memory_space<hbm>>)
      tpu.yield
    }) : () -> ()
    return
  }
}

module attributes {stable_mosaic.version = 14 : i64} {
  func.func @_prep_body(%arg0: memref<1024x128xf32, #tpu.memory_space<vmem>>, %arg1: memref<2048x64xf32, #tpu.memory_space<vmem>>, %arg2: memref<2048x1xf32, #tpu.memory_space<vmem>>, %arg3: memref<1x2048xf32, #tpu.memory_space<vmem>>, %arg4: memref<2048x1xi32, #tpu.memory_space<vmem>>, %arg5: memref<1x2048xi32, #tpu.memory_space<vmem>>, %arg6: memref<2048x128xf32, #tpu.memory_space<vmem>>, %arg7: memref<2048x1xi32, #tpu.memory_space<vmem>>, %arg8: memref<2048x1xi32, #tpu.memory_space<vmem>>, %arg9: memref<2048x1xi32, #tpu.memory_space<vmem>>) attributes {dimension_semantics = [], scalar_prefetch = 0 : i64, scratch_operands = 0 : i64, tpu.core_type = #tpu.core_type<tc>} {
    %get3A = arith.constant 0 : index
    %get3A_0 = arith.constant 0 : index
    %get3A_1 = vector.load %arg0[%get3A, %get3A_0] : memref<1024x128xf32, #tpu.memory_space<vmem>>, vector<1024x128xf32>
    %bitcast_convert_type3A = tpu.bitcast %get3A_1 : vector<1024x128xf32> -> vector<1024x128xi32>
    %scan3A = arith.constant 0 : i32
    %scan3A_2 = arith.constant 1073741824 : i32
    %scan3A_3 = arith.constant 0 : i32
    %scan3A_4 = arith.constant 31 : i32
    %scan3A_5 = arith.addi %scan3A_3, %scan3A_4 : i32
    %scan3A_6 = arith.constant 1 : i32
    %scan3A_7:2 = scf.for %scan3A_460 = %scan3A_3 to %scan3A_5 step %scan3A_6 iter_args(%scan3A_461 = %scan3A, %scan3A_462 = %scan3A_2) -> (i32, i32)  : i32 {
      %add3A_463 = arith.addi %scan3A_461, %scan3A_462 : i32
      %div3A_464 = arith.constant 2 : i32
      %div3A_465 = arith.divsi %add3A_463, %div3A_464 : i32
      %le3A_466 = vector.broadcast %div3A_465 : i32 to vector<1024x128xi32>
      %le3A_467 = arith.cmpi sle, %bitcast_convert_type3A, %le3A_466 : vector<1024x128xi32>
      %convert_element_type3A_468 = arith.extui %le3A_467 : vector<1024x128xi1> to vector<1024x128xi32>
      %reduce_sum3A_469 = vector.shape_cast %convert_element_type3A_468 : vector<1024x128xi32> to vector<1x1024x128xi32>
      %reduce_sum3A_470 = arith.constant dense<0> : vector<1xi32>
      %reduce_sum3A_471 = vector.multi_reduction <add>, %reduce_sum3A_469, %reduce_sum3A_470 [1, 2] : vector<1x1024x128xi32> to vector<1xi32>
      %reduce_sum3A_472 = vector.shape_cast %reduce_sum3A_471 : vector<1xi32> to vector<1x1x1xi32>
      %reduce_sum3A_473 = vector.extract %reduce_sum3A_472[0, 0, 0] : i32 from vector<1x1x1xi32>
      %ge3A_474 = arith.constant 124518 : i32
      %ge3A_475 = arith.cmpi sge, %reduce_sum3A_473, %ge3A_474 : i32
      %convert_element_type3A_476 = arith.extui %ge3A_475 : i1 to i32
      %sub3A_477 = arith.constant 1 : i32
      %sub3A_478 = arith.subi %sub3A_477, %convert_element_type3A_476 : i32
      %add3A_479 = arith.constant 1 : i32
      %add3A_480 = arith.addi %div3A_465, %add3A_479 : i32
      %sub3A_481 = arith.subi %add3A_480, %scan3A_461 : i32
      %mul3A_482 = arith.muli %sub3A_478, %sub3A_481 : i32
      %add3A_483 = arith.addi %scan3A_461, %mul3A_482 : i32
      %sub3A_484 = arith.subi %div3A_465, %scan3A_462 : i32
      %mul3A_485 = arith.muli %convert_element_type3A_476, %sub3A_484 : i32
      %add3A_486 = arith.addi %scan3A_462, %mul3A_485 : i32
      scf.yield %add3A_483, %add3A_486 : i32, i32
    }
    %le3A = vector.broadcast %scan3A_7#0 : i32 to vector<1024x128xi32>
    %le3A_8 = arith.cmpi sle, %bitcast_convert_type3A, %le3A : vector<1024x128xi32>
    %convert_element_type3A = arith.extui %le3A_8 : vector<1024x128xi1> to vector<1024x128xi32>
    %reduce_sum3A = vector.shape_cast %convert_element_type3A : vector<1024x128xi32> to vector<1x1024x128xi32>
    %reduce_sum3A_9 = arith.constant dense<0> : vector<1xi32>
    %reduce_sum3A_10 = vector.multi_reduction <add>, %reduce_sum3A, %reduce_sum3A_9 [1, 2] : vector<1x1024x128xi32> to vector<1xi32>
    %reduce_sum3A_11 = vector.shape_cast %reduce_sum3A_10 : vector<1xi32> to vector<1x1x1xi32>
    %reduce_sum3A_12 = vector.extract %reduce_sum3A_11[0, 0, 0] : i32 from vector<1x1x1xi32>
    %gt3A = vector.broadcast %scan3A_7#0 : i32 to vector<1024x128xi32>
    %gt3A_13 = arith.cmpi sgt, %bitcast_convert_type3A, %gt3A : vector<1024x128xi32>
    %jit3A = arith.constant 2147483647 : i32
    %broadcast_in_dim3A = vector.broadcast %jit3A : i32 to vector<1024x128xi32>
    %select_n3A = arith.select %gt3A_13, %bitcast_convert_type3A, %broadcast_in_dim3A : vector<1024x128xi1>, vector<1024x128xi32>
    %reduce_min3A = vector.shape_cast %select_n3A : vector<1024x128xi32> to vector<1x1024x128xi32>
    %reduce_min3A_14 = arith.constant dense<2147483647> : vector<1xi32>
    %reduce_min3A_15 = vector.multi_reduction <minsi>, %reduce_min3A, %reduce_min3A_14 [1, 2] : vector<1x1024x128xi32> to vector<1xi32>
    %reduce_min3A_16 = vector.shape_cast %reduce_min3A_15 : vector<1xi32> to vector<1x1x1xi32>
    %reduce_min3A_17 = vector.extract %reduce_min3A_16[0, 0, 0] : i32 from vector<1x1x1xi32>
    %ge3A = arith.constant 124519 : i32
    %ge3A_18 = arith.cmpi sge, %reduce_sum3A_12, %ge3A : i32
    %convert_element_type3A_19 = arith.extui %ge3A_18 : i1 to i32
    %sub3A = arith.subi %scan3A_7#0, %reduce_min3A_17 : i32
    %mul3A = arith.muli %convert_element_type3A_19, %sub3A : i32
    %add3A = arith.addi %reduce_min3A_17, %mul3A : i32
    %bitcast_convert_type3A_20 = arith.bitcast %scan3A_7#0 : i32 to f32
    %bitcast_convert_type3A_21 = arith.bitcast %add3A : i32 to f32
    %mul3A_22 = arith.constant 0.5546875 : f32
    %mul3A_23 = arith.mulf %bitcast_convert_type3A_20, %mul3A_22 : f32
    %mul3A_24 = arith.constant 0.4453125 : f32
    %mul3A_25 = arith.mulf %bitcast_convert_type3A_21, %mul3A_24 : f32
    %add3A_26 = arith.addf %mul3A_23, %mul3A_25 : f32
    %scan3A_27 = arith.constant 0 : i32
    %scan3A_28 = arith.constant 1073741824 : i32
    %scan3A_29 = arith.constant 0 : i32
    %scan3A_30 = arith.constant 31 : i32
    %scan3A_31 = arith.addi %scan3A_29, %scan3A_30 : i32
    %scan3A_32 = arith.constant 1 : i32
    %scan3A_33:2 = scf.for %scan3A_460 = %scan3A_29 to %scan3A_31 step %scan3A_32 iter_args(%scan3A_461 = %scan3A_27, %scan3A_462 = %scan3A_28) -> (i32, i32)  : i32 {
      %add3A_463 = arith.addi %scan3A_461, %scan3A_462 : i32
      %div3A_464 = arith.constant 2 : i32
      %div3A_465 = arith.divsi %add3A_463, %div3A_464 : i32
      %le3A_466 = vector.broadcast %div3A_465 : i32 to vector<1024x128xi32>
      %le3A_467 = arith.cmpi sle, %bitcast_convert_type3A, %le3A_466 : vector<1024x128xi32>
      %convert_element_type3A_468 = arith.extui %le3A_467 : vector<1024x128xi1> to vector<1024x128xi32>
      %reduce_sum3A_469 = vector.shape_cast %convert_element_type3A_468 : vector<1024x128xi32> to vector<1x1024x128xi32>
      %reduce_sum3A_470 = arith.constant dense<0> : vector<1xi32>
      %reduce_sum3A_471 = vector.multi_reduction <add>, %reduce_sum3A_469, %reduce_sum3A_470 [1, 2] : vector<1x1024x128xi32> to vector<1xi32>
      %reduce_sum3A_472 = vector.shape_cast %reduce_sum3A_471 : vector<1xi32> to vector<1x1x1xi32>
      %reduce_sum3A_473 = vector.extract %reduce_sum3A_472[0, 0, 0] : i32 from vector<1x1x1xi32>
      %ge3A_474 = arith.constant 111411 : i32
      %ge3A_475 = arith.cmpi sge, %reduce_sum3A_473, %ge3A_474 : i32
      %convert_element_type3A_476 = arith.extui %ge3A_475 : i1 to i32
      %sub3A_477 = arith.constant 1 : i32
      %sub3A_478 = arith.subi %sub3A_477, %convert_element_type3A_476 : i32
      %add3A_479 = arith.constant 1 : i32
      %add3A_480 = arith.addi %div3A_465, %add3A_479 : i32
      %sub3A_481 = arith.subi %add3A_480, %scan3A_461 : i32
      %mul3A_482 = arith.muli %sub3A_478, %sub3A_481 : i32
      %add3A_483 = arith.addi %scan3A_461, %mul3A_482 : i32
      %sub3A_484 = arith.subi %div3A_465, %scan3A_462 : i32
      %mul3A_485 = arith.muli %convert_element_type3A_476, %sub3A_484 : i32
      %add3A_486 = arith.addi %scan3A_462, %mul3A_485 : i32
      scf.yield %add3A_483, %add3A_486 : i32, i32
    }
    %le3A_34 = vector.broadcast %scan3A_33#0 : i32 to vector<1024x128xi32>
    %le3A_35 = arith.cmpi sle, %bitcast_convert_type3A, %le3A_34 : vector<1024x128xi32>
    %convert_element_type3A_36 = arith.extui %le3A_35 : vector<1024x128xi1> to vector<1024x128xi32>
    %reduce_sum3A_37 = vector.shape_cast %convert_element_type3A_36 : vector<1024x128xi32> to vector<1x1024x128xi32>
    %reduce_sum3A_38 = arith.constant dense<0> : vector<1xi32>
    %reduce_sum3A_39 = vector.multi_reduction <add>, %reduce_sum3A_37, %reduce_sum3A_38 [1, 2] : vector<1x1024x128xi32> to vector<1xi32>
    %reduce_sum3A_40 = vector.shape_cast %reduce_sum3A_39 : vector<1xi32> to vector<1x1x1xi32>
    %reduce_sum3A_41 = vector.extract %reduce_sum3A_40[0, 0, 0] : i32 from vector<1x1x1xi32>
    %gt3A_42 = vector.broadcast %scan3A_33#0 : i32 to vector<1024x128xi32>
    %gt3A_43 = arith.cmpi sgt, %bitcast_convert_type3A, %gt3A_42 : vector<1024x128xi32>
    %jit3A_44 = arith.constant 2147483647 : i32
    %broadcast_in_dim3A_45 = vector.broadcast %jit3A_44 : i32 to vector<1024x128xi32>
    %select_n3A_46 = arith.select %gt3A_43, %bitcast_convert_type3A, %broadcast_in_dim3A_45 : vector<1024x128xi1>, vector<1024x128xi32>
    %reduce_min3A_47 = vector.shape_cast %select_n3A_46 : vector<1024x128xi32> to vector<1x1024x128xi32>
    %reduce_min3A_48 = arith.constant dense<2147483647> : vector<1xi32>
    %reduce_min3A_49 = vector.multi_reduction <minsi>, %reduce_min3A_47, %reduce_min3A_48 [1, 2] : vector<1x1024x128xi32> to vector<1xi32>
    %reduce_min3A_50 = vector.shape_cast %reduce_min3A_49 : vector<1xi32> to vector<1x1x1xi32>
    %reduce_min3A_51 = vector.extract %reduce_min3A_50[0, 0, 0] : i32 from vector<1x1x1xi32>
    %ge3A_52 = arith.constant 111412 : i32
    %ge3A_53 = arith.cmpi sge, %reduce_sum3A_41, %ge3A_52 : i32
    %convert_element_type3A_54 = arith.extui %ge3A_53 : i1 to i32
    %sub3A_55 = arith.subi %scan3A_33#0, %reduce_min3A_51 : i32
    %mul3A_56 = arith.muli %convert_element_type3A_54, %sub3A_55 : i32
    %add3A_57 = arith.addi %reduce_min3A_51, %mul3A_56 : i32
    %bitcast_convert_type3A_58 = arith.bitcast %scan3A_33#0 : i32 to f32
    %bitcast_convert_type3A_59 = arith.bitcast %add3A_57 : i32 to f32
    %mul3A_60 = arith.constant 0.6484375 : f32
    %mul3A_61 = arith.mulf %bitcast_convert_type3A_58, %mul3A_60 : f32
    %mul3A_62 = arith.constant 0.3515625 : f32
    %mul3A_63 = arith.mulf %bitcast_convert_type3A_59, %mul3A_62 : f32
    %add3A_64 = arith.addf %mul3A_61, %mul3A_63 : f32
    %scan3A_65 = arith.constant 0 : i32
    %scan3A_66 = arith.constant 1073741824 : i32
    %scan3A_67 = arith.constant 0 : i32
    %scan3A_68 = arith.constant 31 : i32
    %scan3A_69 = arith.addi %scan3A_67, %scan3A_68 : i32
    %scan3A_70 = arith.constant 1 : i32
    %scan3A_71:2 = scf.for %scan3A_460 = %scan3A_67 to %scan3A_69 step %scan3A_70 iter_args(%scan3A_461 = %scan3A_65, %scan3A_462 = %scan3A_66) -> (i32, i32)  : i32 {
      %add3A_463 = arith.addi %scan3A_461, %scan3A_462 : i32
      %div3A_464 = arith.constant 2 : i32
      %div3A_465 = arith.divsi %add3A_463, %div3A_464 : i32
      %le3A_466 = vector.broadcast %div3A_465 : i32 to vector<1024x128xi32>
      %le3A_467 = arith.cmpi sle, %bitcast_convert_type3A, %le3A_466 : vector<1024x128xi32>
      %convert_element_type3A_468 = arith.extui %le3A_467 : vector<1024x128xi1> to vector<1024x128xi32>
      %reduce_sum3A_469 = vector.shape_cast %convert_element_type3A_468 : vector<1024x128xi32> to vector<1x1024x128xi32>
      %reduce_sum3A_470 = arith.constant dense<0> : vector<1xi32>
      %reduce_sum3A_471 = vector.multi_reduction <add>, %reduce_sum3A_469, %reduce_sum3A_470 [1, 2] : vector<1x1024x128xi32> to vector<1xi32>
      %reduce_sum3A_472 = vector.shape_cast %reduce_sum3A_471 : vector<1xi32> to vector<1x1x1xi32>
      %reduce_sum3A_473 = vector.extract %reduce_sum3A_472[0, 0, 0] : i32 from vector<1x1x1xi32>
      %ge3A_474 = arith.constant 98304 : i32
      %ge3A_475 = arith.cmpi sge, %reduce_sum3A_473, %ge3A_474 : i32
      %convert_element_type3A_476 = arith.extui %ge3A_475 : i1 to i32
      %sub3A_477 = arith.constant 1 : i32
      %sub3A_478 = arith.subi %sub3A_477, %convert_element_type3A_476 : i32
      %add3A_479 = arith.constant 1 : i32
      %add3A_480 = arith.addi %div3A_465, %add3A_479 : i32
      %sub3A_481 = arith.subi %add3A_480, %scan3A_461 : i32
      %mul3A_482 = arith.muli %sub3A_478, %sub3A_481 : i32
      %add3A_483 = arith.addi %scan3A_461, %mul3A_482 : i32
      %sub3A_484 = arith.subi %div3A_465, %scan3A_462 : i32
      %mul3A_485 = arith.muli %convert_element_type3A_476, %sub3A_484 : i32
      %add3A_486 = arith.addi %scan3A_462, %mul3A_485 : i32
      scf.yield %add3A_483, %add3A_486 : i32, i32
    }
    %le3A_72 = vector.broadcast %scan3A_71#0 : i32 to vector<1024x128xi32>
    %le3A_73 = arith.cmpi sle, %bitcast_convert_type3A, %le3A_72 : vector<1024x128xi32>
    %convert_element_type3A_74 = arith.extui %le3A_73 : vector<1024x128xi1> to vector<1024x128xi32>
    %reduce_sum3A_75 = vector.shape_cast %convert_element_type3A_74 : vector<1024x128xi32> to vector<1x1024x128xi32>
    %reduce_sum3A_76 = arith.constant dense<0> : vector<1xi32>
    %reduce_sum3A_77 = vector.multi_reduction <add>, %reduce_sum3A_75, %reduce_sum3A_76 [1, 2] : vector<1x1024x128xi32> to vector<1xi32>
    %reduce_sum3A_78 = vector.shape_cast %reduce_sum3A_77 : vector<1xi32> to vector<1x1x1xi32>
    %reduce_sum3A_79 = vector.extract %reduce_sum3A_78[0, 0, 0] : i32 from vector<1x1x1xi32>
    %gt3A_80 = vector.broadcast %scan3A_71#0 : i32 to vector<1024x128xi32>
    %gt3A_81 = arith.cmpi sgt, %bitcast_convert_type3A, %gt3A_80 : vector<1024x128xi32>
    %jit3A_82 = arith.constant 2147483647 : i32
    %broadcast_in_dim3A_83 = vector.broadcast %jit3A_82 : i32 to vector<1024x128xi32>
    %select_n3A_84 = arith.select %gt3A_81, %bitcast_convert_type3A, %broadcast_in_dim3A_83 : vector<1024x128xi1>, vector<1024x128xi32>
    %reduce_min3A_85 = vector.shape_cast %select_n3A_84 : vector<1024x128xi32> to vector<1x1024x128xi32>
    %reduce_min3A_86 = arith.constant dense<2147483647> : vector<1xi32>
    %reduce_min3A_87 = vector.multi_reduction <minsi>, %reduce_min3A_85, %reduce_min3A_86 [1, 2] : vector<1x1024x128xi32> to vector<1xi32>
    %reduce_min3A_88 = vector.shape_cast %reduce_min3A_87 : vector<1xi32> to vector<1x1x1xi32>
    %reduce_min3A_89 = vector.extract %reduce_min3A_88[0, 0, 0] : i32 from vector<1x1x1xi32>
    %ge3A_90 = arith.constant 98305 : i32
    %ge3A_91 = arith.cmpi sge, %reduce_sum3A_79, %ge3A_90 : i32
    %convert_element_type3A_92 = arith.extui %ge3A_91 : i1 to i32
    %sub3A_93 = arith.subi %scan3A_71#0, %reduce_min3A_89 : i32
    %mul3A_94 = arith.muli %convert_element_type3A_92, %sub3A_93 : i32
    %add3A_95 = arith.addi %reduce_min3A_89, %mul3A_94 : i32
    %bitcast_convert_type3A_96 = arith.bitcast %scan3A_71#0 : i32 to f32
    %bitcast_convert_type3A_97 = arith.bitcast %add3A_95 : i32 to f32
    %mul3A_98 = arith.constant 7.500000e-01 : f32
    %mul3A_99 = arith.mulf %bitcast_convert_type3A_96, %mul3A_98 : f32
    %mul3A_100 = arith.constant 2.500000e-01 : f32
    %mul3A_101 = arith.mulf %bitcast_convert_type3A_97, %mul3A_100 : f32
    %add3A_102 = arith.addf %mul3A_99, %mul3A_101 : f32
    %scan3A_103 = arith.constant 0 : i32
    %scan3A_104 = arith.constant 1073741824 : i32
    %scan3A_105 = arith.constant 0 : i32
    %scan3A_106 = arith.constant 31 : i32
    %scan3A_107 = arith.addi %scan3A_105, %scan3A_106 : i32
    %scan3A_108 = arith.constant 1 : i32
    %scan3A_109:2 = scf.for %scan3A_460 = %scan3A_105 to %scan3A_107 step %scan3A_108 iter_args(%scan3A_461 = %scan3A_103, %scan3A_462 = %scan3A_104) -> (i32, i32)  : i32 {
      %add3A_463 = arith.addi %scan3A_461, %scan3A_462 : i32
      %div3A_464 = arith.constant 2 : i32
      %div3A_465 = arith.divsi %add3A_463, %div3A_464 : i32
      %le3A_466 = vector.broadcast %div3A_465 : i32 to vector<1024x128xi32>
      %le3A_467 = arith.cmpi sle, %bitcast_convert_type3A, %le3A_466 : vector<1024x128xi32>
      %convert_element_type3A_468 = arith.extui %le3A_467 : vector<1024x128xi1> to vector<1024x128xi32>
      %reduce_sum3A_469 = vector.shape_cast %convert_element_type3A_468 : vector<1024x128xi32> to vector<1x1024x128xi32>
      %reduce_sum3A_470 = arith.constant dense<0> : vector<1xi32>
      %reduce_sum3A_471 = vector.multi_reduction <add>, %reduce_sum3A_469, %reduce_sum3A_470 [1, 2] : vector<1x1024x128xi32> to vector<1xi32>
      %reduce_sum3A_472 = vector.shape_cast %reduce_sum3A_471 : vector<1xi32> to vector<1x1x1xi32>
      %reduce_sum3A_473 = vector.extract %reduce_sum3A_472[0, 0, 0] : i32 from vector<1x1x1xi32>
      %ge3A_474 = arith.constant 85197 : i32
      %ge3A_475 = arith.cmpi sge, %reduce_sum3A_473, %ge3A_474 : i32
      %convert_element_type3A_476 = arith.extui %ge3A_475 : i1 to i32
      %sub3A_477 = arith.constant 1 : i32
      %sub3A_478 = arith.subi %sub3A_477, %convert_element_type3A_476 : i32
      %add3A_479 = arith.constant 1 : i32
      %add3A_480 = arith.addi %div3A_465, %add3A_479 : i32
      %sub3A_481 = arith.subi %add3A_480, %scan3A_461 : i32
      %mul3A_482 = arith.muli %sub3A_478, %sub3A_481 : i32
      %add3A_483 = arith.addi %scan3A_461, %mul3A_482 : i32
      %sub3A_484 = arith.subi %div3A_465, %scan3A_462 : i32
      %mul3A_485 = arith.muli %convert_element_type3A_476, %sub3A_484 : i32
      %add3A_486 = arith.addi %scan3A_462, %mul3A_485 : i32
      scf.yield %add3A_483, %add3A_486 : i32, i32
    }
    %le3A_110 = vector.broadcast %scan3A_109#0 : i32 to vector<1024x128xi32>
    %le3A_111 = arith.cmpi sle, %bitcast_convert_type3A, %le3A_110 : vector<1024x128xi32>
    %convert_element_type3A_112 = arith.extui %le3A_111 : vector<1024x128xi1> to vector<1024x128xi32>
    %reduce_sum3A_113 = vector.shape_cast %convert_element_type3A_112 : vector<1024x128xi32> to vector<1x1024x128xi32>
    %reduce_sum3A_114 = arith.constant dense<0> : vector<1xi32>
    %reduce_sum3A_115 = vector.multi_reduction <add>, %reduce_sum3A_113, %reduce_sum3A_114 [1, 2] : vector<1x1024x128xi32> to vector<1xi32>
    %reduce_sum3A_116 = vector.shape_cast %reduce_sum3A_115 : vector<1xi32> to vector<1x1x1xi32>
    %reduce_sum3A_117 = vector.extract %reduce_sum3A_116[0, 0, 0] : i32 from vector<1x1x1xi32>
    %gt3A_118 = vector.broadcast %scan3A_109#0 : i32 to vector<1024x128xi32>
    %gt3A_119 = arith.cmpi sgt, %bitcast_convert_type3A, %gt3A_118 : vector<1024x128xi32>
    %jit3A_120 = arith.constant 2147483647 : i32
    %broadcast_in_dim3A_121 = vector.broadcast %jit3A_120 : i32 to vector<1024x128xi32>
    %select_n3A_122 = arith.select %gt3A_119, %bitcast_convert_type3A, %broadcast_in_dim3A_121 : vector<1024x128xi1>, vector<1024x128xi32>
    %reduce_min3A_123 = vector.shape_cast %select_n3A_122 : vector<1024x128xi32> to vector<1x1024x128xi32>
    %reduce_min3A_124 = arith.constant dense<2147483647> : vector<1xi32>
    %reduce_min3A_125 = vector.multi_reduction <minsi>, %reduce_min3A_123, %reduce_min3A_124 [1, 2] : vector<1x1024x128xi32> to vector<1xi32>
    %reduce_min3A_126 = vector.shape_cast %reduce_min3A_125 : vector<1xi32> to vector<1x1x1xi32>
    %reduce_min3A_127 = vector.extract %reduce_min3A_126[0, 0, 0] : i32 from vector<1x1x1xi32>
    %ge3A_128 = arith.constant 85198 : i32
    %ge3A_129 = arith.cmpi sge, %reduce_sum3A_117, %ge3A_128 : i32
    %convert_element_type3A_130 = arith.extui %ge3A_129 : i1 to i32
    %sub3A_131 = arith.subi %scan3A_109#0, %reduce_min3A_127 : i32
    %mul3A_132 = arith.muli %convert_element_type3A_130, %sub3A_131 : i32
    %add3A_133 = arith.addi %reduce_min3A_127, %mul3A_132 : i32
    %bitcast_convert_type3A_134 = arith.bitcast %scan3A_109#0 : i32 to f32
    %bitcast_convert_type3A_135 = arith.bitcast %add3A_133 : i32 to f32
    %mul3A_136 = arith.constant 0.8515625 : f32
    %mul3A_137 = arith.mulf %bitcast_convert_type3A_134, %mul3A_136 : f32
    %mul3A_138 = arith.constant 0.1484375 : f32
    %mul3A_139 = arith.mulf %bitcast_convert_type3A_135, %mul3A_138 : f32
    %add3A_140 = arith.addf %mul3A_137, %mul3A_139 : f32
    %scan3A_141 = arith.constant 0 : i32
    %scan3A_142 = arith.constant 1073741824 : i32
    %scan3A_143 = arith.constant 0 : i32
    %scan3A_144 = arith.constant 31 : i32
    %scan3A_145 = arith.addi %scan3A_143, %scan3A_144 : i32
    %scan3A_146 = arith.constant 1 : i32
    %scan3A_147:2 = scf.for %scan3A_460 = %scan3A_143 to %scan3A_145 step %scan3A_146 iter_args(%scan3A_461 = %scan3A_141, %scan3A_462 = %scan3A_142) -> (i32, i32)  : i32 {
      %add3A_463 = arith.addi %scan3A_461, %scan3A_462 : i32
      %div3A_464 = arith.constant 2 : i32
      %div3A_465 = arith.divsi %add3A_463, %div3A_464 : i32
      %le3A_466 = vector.broadcast %div3A_465 : i32 to vector<1024x128xi32>
      %le3A_467 = arith.cmpi sle, %bitcast_convert_type3A, %le3A_466 : vector<1024x128xi32>
      %convert_element_type3A_468 = arith.extui %le3A_467 : vector<1024x128xi1> to vector<1024x128xi32>
      %reduce_sum3A_469 = vector.shape_cast %convert_element_type3A_468 : vector<1024x128xi32> to vector<1x1024x128xi32>
      %reduce_sum3A_470 = arith.constant dense<0> : vector<1xi32>
      %reduce_sum3A_471 = vector.multi_reduction <add>, %reduce_sum3A_469, %reduce_sum3A_470 [1, 2] : vector<1x1024x128xi32> to vector<1xi32>
      %reduce_sum3A_472 = vector.shape_cast %reduce_sum3A_471 : vector<1xi32> to vector<1x1x1xi32>
      %reduce_sum3A_473 = vector.extract %reduce_sum3A_472[0, 0, 0] : i32 from vector<1x1x1xi32>
      %ge3A_474 = arith.constant 72090 : i32
      %ge3A_475 = arith.cmpi sge, %reduce_sum3A_473, %ge3A_474 : i32
      %convert_element_type3A_476 = arith.extui %ge3A_475 : i1 to i32
      %sub3A_477 = arith.constant 1 : i32
      %sub3A_478 = arith.subi %sub3A_477, %convert_element_type3A_476 : i32
      %add3A_479 = arith.constant 1 : i32
      %add3A_480 = arith.addi %div3A_465, %add3A_479 : i32
      %sub3A_481 = arith.subi %add3A_480, %scan3A_461 : i32
      %mul3A_482 = arith.muli %sub3A_478, %sub3A_481 : i32
      %add3A_483 = arith.addi %scan3A_461, %mul3A_482 : i32
      %sub3A_484 = arith.subi %div3A_465, %scan3A_462 : i32
      %mul3A_485 = arith.muli %convert_element_type3A_476, %sub3A_484 : i32
      %add3A_486 = arith.addi %scan3A_462, %mul3A_485 : i32
      scf.yield %add3A_483, %add3A_486 : i32, i32
    }
    %le3A_148 = vector.broadcast %scan3A_147#0 : i32 to vector<1024x128xi32>
    %le3A_149 = arith.cmpi sle, %bitcast_convert_type3A, %le3A_148 : vector<1024x128xi32>
    %convert_element_type3A_150 = arith.extui %le3A_149 : vector<1024x128xi1> to vector<1024x128xi32>
    %reduce_sum3A_151 = vector.shape_cast %convert_element_type3A_150 : vector<1024x128xi32> to vector<1x1024x128xi32>
    %reduce_sum3A_152 = arith.constant dense<0> : vector<1xi32>
    %reduce_sum3A_153 = vector.multi_reduction <add>, %reduce_sum3A_151, %reduce_sum3A_152 [1, 2] : vector<1x1024x128xi32> to vector<1xi32>
    %reduce_sum3A_154 = vector.shape_cast %reduce_sum3A_153 : vector<1xi32> to vector<1x1x1xi32>
    %reduce_sum3A_155 = vector.extract %reduce_sum3A_154[0, 0, 0] : i32 from vector<1x1x1xi32>
    %gt3A_156 = vector.broadcast %scan3A_147#0 : i32 to vector<1024x128xi32>
    %gt3A_157 = arith.cmpi sgt, %bitcast_convert_type3A, %gt3A_156 : vector<1024x128xi32>
    %jit3A_158 = arith.constant 2147483647 : i32
    %broadcast_in_dim3A_159 = vector.broadcast %jit3A_158 : i32 to vector<1024x128xi32>
    %select_n3A_160 = arith.select %gt3A_157, %bitcast_convert_type3A, %broadcast_in_dim3A_159 : vector<1024x128xi1>, vector<1024x128xi32>
    %reduce_min3A_161 = vector.shape_cast %select_n3A_160 : vector<1024x128xi32> to vector<1x1024x128xi32>
    %reduce_min3A_162 = arith.constant dense<2147483647> : vector<1xi32>
    %reduce_min3A_163 = vector.multi_reduction <minsi>, %reduce_min3A_161, %reduce_min3A_162 [1, 2] : vector<1x1024x128xi32> to vector<1xi32>
    %reduce_min3A_164 = vector.shape_cast %reduce_min3A_163 : vector<1xi32> to vector<1x1x1xi32>
    %reduce_min3A_165 = vector.extract %reduce_min3A_164[0, 0, 0] : i32 from vector<1x1x1xi32>
    %ge3A_166 = arith.constant 72091 : i32
    %ge3A_167 = arith.cmpi sge, %reduce_sum3A_155, %ge3A_166 : i32
    %convert_element_type3A_168 = arith.extui %ge3A_167 : i1 to i32
    %sub3A_169 = arith.subi %scan3A_147#0, %reduce_min3A_165 : i32
    %mul3A_170 = arith.muli %convert_element_type3A_168, %sub3A_169 : i32
    %add3A_171 = arith.addi %reduce_min3A_165, %mul3A_170 : i32
    %bitcast_convert_type3A_172 = arith.bitcast %scan3A_147#0 : i32 to f32
    %bitcast_convert_type3A_173 = arith.bitcast %add3A_171 : i32 to f32
    %mul3A_174 = arith.constant 0.9453125 : f32
    %mul3A_175 = arith.mulf %bitcast_convert_type3A_172, %mul3A_174 : f32
    %mul3A_176 = arith.constant 5.468750e-02 : f32
    %mul3A_177 = arith.mulf %bitcast_convert_type3A_173, %mul3A_176 : f32
    %add3A_178 = arith.addf %mul3A_175, %mul3A_177 : f32
    %iota3A = tpu.iota {dimensions = array<i32: 0>} : vector<2048x1xi32>
    %iota3A_179 = tpu.iota {dimensions = array<i32: 1>} : vector<1x2048xi32>
    %get3A_180 = arith.constant 0 : index
    %get3A_181 = arith.constant 0 : index
    %get3A_182 = vector.load %arg2[%get3A_180, %get3A_181] : memref<2048x1xf32, #tpu.memory_space<vmem>>, vector<2048x1xf32>
    %get3A_183 = arith.constant 0 : index
    %get3A_184 = arith.constant 0 : index
    %get3A_185 = vector.load %arg4[%get3A_183, %get3A_184] : memref<2048x1xi32, #tpu.memory_space<vmem>>, vector<2048x1xi32>
    %lt3A = arith.constant 2000 : i32
    %lt3A_186 = vector.broadcast %lt3A : i32 to vector<2048x1xi32>
    %lt3A_187 = arith.cmpi slt, %iota3A, %lt3A_186 : vector<2048x1xi32>
    %broadcast_in_dim3A_188 = arith.constant 0 : i32
    %broadcast_in_dim3A_189 = vector.broadcast %broadcast_in_dim3A_188 : i32 to vector<2048x1xi32>
    %lt3A_190 = vector.broadcast %add3A_26 : f32 to vector<2048x1xf32>
    %lt3A_191 = arith.cmpf olt, %get3A_182, %lt3A_190 : vector<2048x1xf32>
    %convert_element_type3A_192 = arith.extui %lt3A_191 : vector<2048x1xi1> to vector<2048x1xi32>
    %add3A_193 = arith.addi %broadcast_in_dim3A_189, %convert_element_type3A_192 : vector<2048x1xi32>
    %lt3A_194 = vector.broadcast %add3A_64 : f32 to vector<2048x1xf32>
    %lt3A_195 = arith.cmpf olt, %get3A_182, %lt3A_194 : vector<2048x1xf32>
    %convert_element_type3A_196 = arith.extui %lt3A_195 : vector<2048x1xi1> to vector<2048x1xi32>
    %add3A_197 = arith.addi %add3A_193, %convert_element_type3A_196 : vector<2048x1xi32>
    %lt3A_198 = vector.broadcast %add3A_102 : f32 to vector<2048x1xf32>
    %lt3A_199 = arith.cmpf olt, %get3A_182, %lt3A_198 : vector<2048x1xf32>
    %convert_element_type3A_200 = arith.extui %lt3A_199 : vector<2048x1xi1> to vector<2048x1xi32>
    %add3A_201 = arith.addi %add3A_197, %convert_element_type3A_200 : vector<2048x1xi32>
    %lt3A_202 = vector.broadcast %add3A_140 : f32 to vector<2048x1xf32>
    %lt3A_203 = arith.cmpf olt, %get3A_182, %lt3A_202 : vector<2048x1xf32>
    %convert_element_type3A_204 = arith.extui %lt3A_203 : vector<2048x1xi1> to vector<2048x1xi32>
    %add3A_205 = arith.addi %add3A_201, %convert_element_type3A_204 : vector<2048x1xi32>
    %lt3A_206 = vector.broadcast %add3A_178 : f32 to vector<2048x1xf32>
    %lt3A_207 = arith.cmpf olt, %get3A_182, %lt3A_206 : vector<2048x1xf32>
    %convert_element_type3A_208 = arith.extui %lt3A_207 : vector<2048x1xi1> to vector<2048x1xi32>
    %add3A_209 = arith.addi %add3A_205, %convert_element_type3A_208 : vector<2048x1xi32>
    %mul3A_210 = arith.constant 6 : i32
    %mul3A_211 = vector.broadcast %mul3A_210 : i32 to vector<2048x1xi32>
    %mul3A_212 = arith.muli %get3A_185, %mul3A_211 : vector<2048x1xi32>
    %add3A_213 = arith.addi %mul3A_212, %add3A_209 : vector<2048x1xi32>
    %jit3A_214 = arith.constant -1 : i32
    %broadcast_in_dim3A_215 = vector.broadcast %jit3A_214 : i32 to vector<2048x1xi32>
    %select_n3A_216 = arith.select %lt3A_187, %add3A_213, %broadcast_in_dim3A_215 : vector<2048x1xi1>, vector<2048x1xi32>
    %mul3A_217 = arith.constant 150 : i32
    %mul3A_218 = vector.broadcast %mul3A_217 : i32 to vector<2048x1xi32>
    %mul3A_219 = arith.muli %select_n3A_216, %mul3A_218 : vector<2048x1xi32>
    %jit3A_220 = arith.constant 150 : i32
    %eq3A = arith.constant 0 : i32
    %eq3A_221 = arith.cmpi eq, %jit3A_220, %eq3A : i32
    %jit3A_222 = arith.constant 1 : i32
    %select_n3A_223 = arith.select %eq3A_221, %jit3A_222, %jit3A_220 : i32
    %rem3A = vector.broadcast %select_n3A_223 : i32 to vector<2048x1xi32>
    %rem3A_224 = arith.remsi %iota3A, %rem3A : vector<2048x1xi32>
    %ne3A = arith.constant 0 : i32
    %ne3A_225 = vector.broadcast %ne3A : i32 to vector<2048x1xi32>
    %ne3A_226 = arith.cmpi ne, %rem3A_224, %ne3A_225 : vector<2048x1xi32>
    %lt3A_227 = arith.constant 0 : i32
    %lt3A_228 = vector.broadcast %lt3A_227 : i32 to vector<2048x1xi32>
    %lt3A_229 = arith.cmpi slt, %rem3A_224, %lt3A_228 : vector<2048x1xi32>
    %lt3A_230 = arith.constant 0 : i32
    %lt3A_231 = arith.cmpi slt, %select_n3A_223, %lt3A_230 : i32
    %ne3A_232 = vector.broadcast %lt3A_231 : i1 to vector<2048x1xi1>
    %ne3A_233 = vector.broadcast %ne3A_232 : vector<2048x1xi1> to vector<2048x1xi1>
    %ne3A_234 = arith.xori %lt3A_229, %ne3A_233 : vector<2048x1xi1>
    %and3A = arith.andi %ne3A_234, %ne3A_226 : vector<2048x1xi1>
    %add3A_235 = vector.broadcast %select_n3A_223 : i32 to vector<2048x1xi32>
    %add3A_236 = arith.addi %rem3A_224, %add3A_235 : vector<2048x1xi32>
    %select_n3A_237 = arith.select %and3A, %add3A_236, %rem3A_224 : vector<2048x1xi1>, vector<2048x1xi32>
    %add3A_238 = arith.addi %mul3A_219, %select_n3A_237 : vector<2048x1xi32>
    %jit3A_239 = arith.constant 1048576 : i32
    %broadcast_in_dim3A_240 = vector.broadcast %jit3A_239 : i32 to vector<2048x1xi32>
    %select_n3A_241 = arith.select %lt3A_187, %add3A_238, %broadcast_in_dim3A_240 : vector<2048x1xi1>, vector<2048x1xi32>
    %get3A_242 = arith.constant 0 : index
    %get3A_243 = arith.constant 0 : index
    %get3A_244 = vector.load %arg3[%get3A_242, %get3A_243] : memref<1x2048xf32, #tpu.memory_space<vmem>>, vector<1x2048xf32>
    %get3A_245 = arith.constant 0 : index
    %get3A_246 = arith.constant 0 : index
    %get3A_247 = vector.load %arg5[%get3A_245, %get3A_246] : memref<1x2048xi32, #tpu.memory_space<vmem>>, vector<1x2048xi32>
    %lt3A_248 = arith.constant 2000 : i32
    %lt3A_249 = vector.broadcast %lt3A_248 : i32 to vector<1x2048xi32>
    %lt3A_250 = arith.cmpi slt, %iota3A_179, %lt3A_249 : vector<1x2048xi32>
    %broadcast_in_dim3A_251 = arith.constant 0 : i32
    %broadcast_in_dim3A_252 = vector.broadcast %broadcast_in_dim3A_251 : i32 to vector<1x2048xi32>
    %lt3A_253 = vector.broadcast %add3A_26 : f32 to vector<1x2048xf32>
    %lt3A_254 = arith.cmpf olt, %get3A_244, %lt3A_253 : vector<1x2048xf32>
    %convert_element_type3A_255 = arith.extui %lt3A_254 : vector<1x2048xi1> to vector<1x2048xi32>
    %add3A_256 = arith.addi %broadcast_in_dim3A_252, %convert_element_type3A_255 : vector<1x2048xi32>
    %lt3A_257 = vector.broadcast %add3A_64 : f32 to vector<1x2048xf32>
    %lt3A_258 = arith.cmpf olt, %get3A_244, %lt3A_257 : vector<1x2048xf32>
    %convert_element_type3A_259 = arith.extui %lt3A_258 : vector<1x2048xi1> to vector<1x2048xi32>
    %add3A_260 = arith.addi %add3A_256, %convert_element_type3A_259 : vector<1x2048xi32>
    %lt3A_261 = vector.broadcast %add3A_102 : f32 to vector<1x2048xf32>
    %lt3A_262 = arith.cmpf olt, %get3A_244, %lt3A_261 : vector<1x2048xf32>
    %convert_element_type3A_263 = arith.extui %lt3A_262 : vector<1x2048xi1> to vector<1x2048xi32>
    %add3A_264 = arith.addi %add3A_260, %convert_element_type3A_263 : vector<1x2048xi32>
    %lt3A_265 = vector.broadcast %add3A_140 : f32 to vector<1x2048xf32>
    %lt3A_266 = arith.cmpf olt, %get3A_244, %lt3A_265 : vector<1x2048xf32>
    %convert_element_type3A_267 = arith.extui %lt3A_266 : vector<1x2048xi1> to vector<1x2048xi32>
    %add3A_268 = arith.addi %add3A_264, %convert_element_type3A_267 : vector<1x2048xi32>
    %lt3A_269 = vector.broadcast %add3A_178 : f32 to vector<1x2048xf32>
    %lt3A_270 = arith.cmpf olt, %get3A_244, %lt3A_269 : vector<1x2048xf32>
    %convert_element_type3A_271 = arith.extui %lt3A_270 : vector<1x2048xi1> to vector<1x2048xi32>
    %add3A_272 = arith.addi %add3A_268, %convert_element_type3A_271 : vector<1x2048xi32>
    %mul3A_273 = arith.constant 6 : i32
    %mul3A_274 = vector.broadcast %mul3A_273 : i32 to vector<1x2048xi32>
    %mul3A_275 = arith.muli %get3A_247, %mul3A_274 : vector<1x2048xi32>
    %add3A_276 = arith.addi %mul3A_275, %add3A_272 : vector<1x2048xi32>
    %jit3A_277 = arith.constant -1 : i32
    %broadcast_in_dim3A_278 = vector.broadcast %jit3A_277 : i32 to vector<1x2048xi32>
    %select_n3A_279 = arith.select %lt3A_250, %add3A_276, %broadcast_in_dim3A_278 : vector<1x2048xi1>, vector<1x2048xi32>
    %mul3A_280 = arith.constant 150 : i32
    %mul3A_281 = vector.broadcast %mul3A_280 : i32 to vector<1x2048xi32>
    %mul3A_282 = arith.muli %select_n3A_279, %mul3A_281 : vector<1x2048xi32>
    %jit3A_283 = arith.constant 150 : i32
    %eq3A_284 = arith.constant 0 : i32
    %eq3A_285 = arith.cmpi eq, %jit3A_283, %eq3A_284 : i32
    %jit3A_286 = arith.constant 1 : i32
    %select_n3A_287 = arith.select %eq3A_285, %jit3A_286, %jit3A_283 : i32
    %rem3A_288 = vector.broadcast %select_n3A_287 : i32 to vector<1x2048xi32>
    %rem3A_289 = arith.remsi %iota3A_179, %rem3A_288 : vector<1x2048xi32>
    %ne3A_290 = arith.constant 0 : i32
    %ne3A_291 = vector.broadcast %ne3A_290 : i32 to vector<1x2048xi32>
    %ne3A_292 = arith.cmpi ne, %rem3A_289, %ne3A_291 : vector<1x2048xi32>
    %lt3A_293 = arith.constant 0 : i32
    %lt3A_294 = vector.broadcast %lt3A_293 : i32 to vector<1x2048xi32>
    %lt3A_295 = arith.cmpi slt, %rem3A_289, %lt3A_294 : vector<1x2048xi32>
    %lt3A_296 = arith.constant 0 : i32
    %lt3A_297 = arith.cmpi slt, %select_n3A_287, %lt3A_296 : i32
    %ne3A_298 = vector.broadcast %lt3A_297 : i1 to vector<1x2048xi1>
    %ne3A_299 = vector.broadcast %ne3A_298 : vector<1x2048xi1> to vector<1x2048xi1>
    %ne3A_300 = arith.xori %lt3A_295, %ne3A_299 : vector<1x2048xi1>
    %and3A_301 = arith.andi %ne3A_300, %ne3A_292 : vector<1x2048xi1>
    %add3A_302 = vector.broadcast %select_n3A_287 : i32 to vector<1x2048xi32>
    %add3A_303 = arith.addi %rem3A_289, %add3A_302 : vector<1x2048xi32>
    %select_n3A_304 = arith.select %and3A_301, %add3A_303, %rem3A_289 : vector<1x2048xi1>, vector<1x2048xi32>
    %add3A_305 = arith.addi %mul3A_282, %select_n3A_304 : vector<1x2048xi32>
    %jit3A_306 = arith.constant 1048576 : i32
    %broadcast_in_dim3A_307 = vector.broadcast %jit3A_306 : i32 to vector<1x2048xi32>
    %select_n3A_308 = arith.select %lt3A_250, %add3A_305, %broadcast_in_dim3A_307 : vector<1x2048xi1>, vector<1x2048xi32>
    %slice3A = vector.extract_strided_slice %select_n3A_241 {offsets = [0, 0], sizes = [256, 1], strides = [1, 1]} : vector<2048x1xi32> to vector<256x1xi32>
    %slice3A_309 = vector.extract_strided_slice %iota3A {offsets = [0, 0], sizes = [256, 1], strides = [1, 1]} : vector<2048x1xi32> to vector<256x1xi32>
    %eq3A_310 = vector.broadcast %slice3A : vector<256x1xi32> to vector<256x2048xi32>
    %eq3A_311 = vector.broadcast %select_n3A_308 : vector<1x2048xi32> to vector<256x2048xi32>
    %eq3A_312 = arith.cmpi eq, %eq3A_310, %eq3A_311 : vector<256x2048xi32>
    %gt3A_313 = vector.broadcast %iota3A_179 : vector<1x2048xi32> to vector<256x2048xi32>
    %gt3A_314 = vector.broadcast %slice3A_309 : vector<256x1xi32> to vector<256x2048xi32>
    %gt3A_315 = arith.cmpi sgt, %gt3A_313, %gt3A_314 : vector<256x2048xi32>
    %and3A_316 = arith.andi %eq3A_312, %gt3A_315 : vector<256x2048xi1>
    %convert_element_type3A_317 = arith.extui %and3A_316 : vector<256x2048xi1> to vector<256x2048xi32>
    %reduce_max3A = arith.constant dense<-2147483648> : vector<256xi32>
    %reduce_max3A_318 = vector.multi_reduction <maxsi>, %convert_element_type3A_317, %reduce_max3A [1] : vector<256x2048xi32> to vector<256xi32>
    %broadcast_in_dim3A_319 = vector.shape_cast %reduce_max3A_318 : vector<256xi32> to vector<256x1xi32>
    %sub3A_320 = arith.constant 1 : i32
    %sub3A_321 = vector.broadcast %sub3A_320 : i32 to vector<256x1xi32>
    %sub3A_322 = arith.subi %sub3A_321, %broadcast_in_dim3A_319 : vector<256x1xi32>
    %slice3A_323 = vector.extract_strided_slice %select_n3A_241 {offsets = [256, 0], sizes = [256, 1], strides = [1, 1]} : vector<2048x1xi32> to vector<256x1xi32>
    %slice3A_324 = vector.extract_strided_slice %iota3A {offsets = [256, 0], sizes = [256, 1], strides = [1, 1]} : vector<2048x1xi32> to vector<256x1xi32>
    %eq3A_325 = vector.broadcast %slice3A_323 : vector<256x1xi32> to vector<256x2048xi32>
    %eq3A_326 = vector.broadcast %select_n3A_308 : vector<1x2048xi32> to vector<256x2048xi32>
    %eq3A_327 = arith.cmpi eq, %eq3A_325, %eq3A_326 : vector<256x2048xi32>
    %gt3A_328 = vector.broadcast %iota3A_179 : vector<1x2048xi32> to vector<256x2048xi32>
    %gt3A_329 = vector.broadcast %slice3A_324 : vector<256x1xi32> to vector<256x2048xi32>
    %gt3A_330 = arith.cmpi sgt, %gt3A_328, %gt3A_329 : vector<256x2048xi32>
    %and3A_331 = arith.andi %eq3A_327, %gt3A_330 : vector<256x2048xi1>
    %convert_element_type3A_332 = arith.extui %and3A_331 : vector<256x2048xi1> to vector<256x2048xi32>
    %reduce_max3A_333 = arith.constant dense<-2147483648> : vector<256xi32>
    %reduce_max3A_334 = vector.multi_reduction <maxsi>, %convert_element_type3A_332, %reduce_max3A_333 [1] : vector<256x2048xi32> to vector<256xi32>
    %broadcast_in_dim3A_335 = vector.shape_cast %reduce_max3A_334 : vector<256xi32> to vector<256x1xi32>
    %sub3A_336 = arith.constant 1 : i32
    %sub3A_337 = vector.broadcast %sub3A_336 : i32 to vector<256x1xi32>
    %sub3A_338 = arith.subi %sub3A_337, %broadcast_in_dim3A_335 : vector<256x1xi32>
    %slice3A_339 = vector.extract_strided_slice %select_n3A_241 {offsets = [512, 0], sizes = [256, 1], strides = [1, 1]} : vector<2048x1xi32> to vector<256x1xi32>
    %slice3A_340 = vector.extract_strided_slice %iota3A {offsets = [512, 0], sizes = [256, 1], strides = [1, 1]} : vector<2048x1xi32> to vector<256x1xi32>
    %eq3A_341 = vector.broadcast %slice3A_339 : vector<256x1xi32> to vector<256x2048xi32>
    %eq3A_342 = vector.broadcast %select_n3A_308 : vector<1x2048xi32> to vector<256x2048xi32>
    %eq3A_343 = arith.cmpi eq, %eq3A_341, %eq3A_342 : vector<256x2048xi32>
    %gt3A_344 = vector.broadcast %iota3A_179 : vector<1x2048xi32> to vector<256x2048xi32>
    %gt3A_345 = vector.broadcast %slice3A_340 : vector<256x1xi32> to vector<256x2048xi32>
    %gt3A_346 = arith.cmpi sgt, %gt3A_344, %gt3A_345 : vector<256x2048xi32>
    %and3A_347 = arith.andi %eq3A_343, %gt3A_346 : vector<256x2048xi1>
    %convert_element_type3A_348 = arith.extui %and3A_347 : vector<256x2048xi1> to vector<256x2048xi32>
    %reduce_max3A_349 = arith.constant dense<-2147483648> : vector<256xi32>
    %reduce_max3A_350 = vector.multi_reduction <maxsi>, %convert_element_type3A_348, %reduce_max3A_349 [1] : vector<256x2048xi32> to vector<256xi32>
    %broadcast_in_dim3A_351 = vector.shape_cast %reduce_max3A_350 : vector<256xi32> to vector<256x1xi32>
    %sub3A_352 = arith.constant 1 : i32
    %sub3A_353 = vector.broadcast %sub3A_352 : i32 to vector<256x1xi32>
    %sub3A_354 = arith.subi %sub3A_353, %broadcast_in_dim3A_351 : vector<256x1xi32>
    %slice3A_355 = vector.extract_strided_slice %select_n3A_241 {offsets = [768, 0], sizes = [256, 1], strides = [1, 1]} : vector<2048x1xi32> to vector<256x1xi32>
    %slice3A_356 = vector.extract_strided_slice %iota3A {offsets = [768, 0], sizes = [256, 1], strides = [1, 1]} : vector<2048x1xi32> to vector<256x1xi32>
    %eq3A_357 = vector.broadcast %slice3A_355 : vector<256x1xi32> to vector<256x2048xi32>
    %eq3A_358 = vector.broadcast %select_n3A_308 : vector<1x2048xi32> to vector<256x2048xi32>
    %eq3A_359 = arith.cmpi eq, %eq3A_357, %eq3A_358 : vector<256x2048xi32>
    %gt3A_360 = vector.broadcast %iota3A_179 : vector<1x2048xi32> to vector<256x2048xi32>
    %gt3A_361 = vector.broadcast %slice3A_356 : vector<256x1xi32> to vector<256x2048xi32>
    %gt3A_362 = arith.cmpi sgt, %gt3A_360, %gt3A_361 : vector<256x2048xi32>
    %and3A_363 = arith.andi %eq3A_359, %gt3A_362 : vector<256x2048xi1>
    %convert_element_type3A_364 = arith.extui %and3A_363 : vector<256x2048xi1> to vector<256x2048xi32>
    %reduce_max3A_365 = arith.constant dense<-2147483648> : vector<256xi32>
    %reduce_max3A_366 = vector.multi_reduction <maxsi>, %convert_element_type3A_364, %reduce_max3A_365 [1] : vector<256x2048xi32> to vector<256xi32>
    %broadcast_in_dim3A_367 = vector.shape_cast %reduce_max3A_366 : vector<256xi32> to vector<256x1xi32>
    %sub3A_368 = arith.constant 1 : i32
    %sub3A_369 = vector.broadcast %sub3A_368 : i32 to vector<256x1xi32>
    %sub3A_370 = arith.subi %sub3A_369, %broadcast_in_dim3A_367 : vector<256x1xi32>
    %slice3A_371 = vector.extract_strided_slice %select_n3A_241 {offsets = [1024, 0], sizes = [256, 1], strides = [1, 1]} : vector<2048x1xi32> to vector<256x1xi32>
    %slice3A_372 = vector.extract_strided_slice %iota3A {offsets = [1024, 0], sizes = [256, 1], strides = [1, 1]} : vector<2048x1xi32> to vector<256x1xi32>
    %eq3A_373 = vector.broadcast %slice3A_371 : vector<256x1xi32> to vector<256x2048xi32>
    %eq3A_374 = vector.broadcast %select_n3A_308 : vector<1x2048xi32> to vector<256x2048xi32>
    %eq3A_375 = arith.cmpi eq, %eq3A_373, %eq3A_374 : vector<256x2048xi32>
    %gt3A_376 = vector.broadcast %iota3A_179 : vector<1x2048xi32> to vector<256x2048xi32>
    %gt3A_377 = vector.broadcast %slice3A_372 : vector<256x1xi32> to vector<256x2048xi32>
    %gt3A_378 = arith.cmpi sgt, %gt3A_376, %gt3A_377 : vector<256x2048xi32>
    %and3A_379 = arith.andi %eq3A_375, %gt3A_378 : vector<256x2048xi1>
    %convert_element_type3A_380 = arith.extui %and3A_379 : vector<256x2048xi1> to vector<256x2048xi32>
    %reduce_max3A_381 = arith.constant dense<-2147483648> : vector<256xi32>
    %reduce_max3A_382 = vector.multi_reduction <maxsi>, %convert_element_type3A_380, %reduce_max3A_381 [1] : vector<256x2048xi32> to vector<256xi32>
    %broadcast_in_dim3A_383 = vector.shape_cast %reduce_max3A_382 : vector<256xi32> to vector<256x1xi32>
    %sub3A_384 = arith.constant 1 : i32
    %sub3A_385 = vector.broadcast %sub3A_384 : i32 to vector<256x1xi32>
    %sub3A_386 = arith.subi %sub3A_385, %broadcast_in_dim3A_383 : vector<256x1xi32>
    %slice3A_387 = vector.extract_strided_slice %select_n3A_241 {offsets = [1280, 0], sizes = [256, 1], strides = [1, 1]} : vector<2048x1xi32> to vector<256x1xi32>
    %slice3A_388 = vector.extract_strided_slice %iota3A {offsets = [1280, 0], sizes = [256, 1], strides = [1, 1]} : vector<2048x1xi32> to vector<256x1xi32>
    %eq3A_389 = vector.broadcast %slice3A_387 : vector<256x1xi32> to vector<256x2048xi32>
    %eq3A_390 = vector.broadcast %select_n3A_308 : vector<1x2048xi32> to vector<256x2048xi32>
    %eq3A_391 = arith.cmpi eq, %eq3A_389, %eq3A_390 : vector<256x2048xi32>
    %gt3A_392 = vector.broadcast %iota3A_179 : vector<1x2048xi32> to vector<256x2048xi32>
    %gt3A_393 = vector.broadcast %slice3A_388 : vector<256x1xi32> to vector<256x2048xi32>
    %gt3A_394 = arith.cmpi sgt, %gt3A_392, %gt3A_393 : vector<256x2048xi32>
    %and3A_395 = arith.andi %eq3A_391, %gt3A_394 : vector<256x2048xi1>
    %convert_element_type3A_396 = arith.extui %and3A_395 : vector<256x2048xi1> to vector<256x2048xi32>
    %reduce_max3A_397 = arith.constant dense<-2147483648> : vector<256xi32>
    %reduce_max3A_398 = vector.multi_reduction <maxsi>, %convert_element_type3A_396, %reduce_max3A_397 [1] : vector<256x2048xi32> to vector<256xi32>
    %broadcast_in_dim3A_399 = vector.shape_cast %reduce_max3A_398 : vector<256xi32> to vector<256x1xi32>
    %sub3A_400 = arith.constant 1 : i32
    %sub3A_401 = vector.broadcast %sub3A_400 : i32 to vector<256x1xi32>
    %sub3A_402 = arith.subi %sub3A_401, %broadcast_in_dim3A_399 : vector<256x1xi32>
    %slice3A_403 = vector.extract_strided_slice %select_n3A_241 {offsets = [1536, 0], sizes = [256, 1], strides = [1, 1]} : vector<2048x1xi32> to vector<256x1xi32>
    %slice3A_404 = vector.extract_strided_slice %iota3A {offsets = [1536, 0], sizes = [256, 1], strides = [1, 1]} : vector<2048x1xi32> to vector<256x1xi32>
    %eq3A_405 = vector.broadcast %slice3A_403 : vector<256x1xi32> to vector<256x2048xi32>
    %eq3A_406 = vector.broadcast %select_n3A_308 : vector<1x2048xi32> to vector<256x2048xi32>
    %eq3A_407 = arith.cmpi eq, %eq3A_405, %eq3A_406 : vector<256x2048xi32>
    %gt3A_408 = vector.broadcast %iota3A_179 : vector<1x2048xi32> to vector<256x2048xi32>
    %gt3A_409 = vector.broadcast %slice3A_404 : vector<256x1xi32> to vector<256x2048xi32>
    %gt3A_410 = arith.cmpi sgt, %gt3A_408, %gt3A_409 : vector<256x2048xi32>
    %and3A_411 = arith.andi %eq3A_407, %gt3A_410 : vector<256x2048xi1>
    %convert_element_type3A_412 = arith.extui %and3A_411 : vector<256x2048xi1> to vector<256x2048xi32>
    %reduce_max3A_413 = arith.constant dense<-2147483648> : vector<256xi32>
    %reduce_max3A_414 = vector.multi_reduction <maxsi>, %convert_element_type3A_412, %reduce_max3A_413 [1] : vector<256x2048xi32> to vector<256xi32>
    %broadcast_in_dim3A_415 = vector.shape_cast %reduce_max3A_414 : vector<256xi32> to vector<256x1xi32>
    %sub3A_416 = arith.constant 1 : i32
    %sub3A_417 = vector.broadcast %sub3A_416 : i32 to vector<256x1xi32>
    %sub3A_418 = arith.subi %sub3A_417, %broadcast_in_dim3A_415 : vector<256x1xi32>
    %slice3A_419 = vector.extract_strided_slice %select_n3A_241 {offsets = [1792, 0], sizes = [256, 1], strides = [1, 1]} : vector<2048x1xi32> to vector<256x1xi32>
    %slice3A_420 = vector.extract_strided_slice %iota3A {offsets = [1792, 0], sizes = [256, 1], strides = [1, 1]} : vector<2048x1xi32> to vector<256x1xi32>
    %eq3A_421 = vector.broadcast %slice3A_419 : vector<256x1xi32> to vector<256x2048xi32>
    %eq3A_422 = vector.broadcast %select_n3A_308 : vector<1x2048xi32> to vector<256x2048xi32>
    %eq3A_423 = arith.cmpi eq, %eq3A_421, %eq3A_422 : vector<256x2048xi32>
    %gt3A_424 = vector.broadcast %iota3A_179 : vector<1x2048xi32> to vector<256x2048xi32>
    %gt3A_425 = vector.broadcast %slice3A_420 : vector<256x1xi32> to vector<256x2048xi32>
    %gt3A_426 = arith.cmpi sgt, %gt3A_424, %gt3A_425 : vector<256x2048xi32>
    %and3A_427 = arith.andi %eq3A_423, %gt3A_426 : vector<256x2048xi1>
    %convert_element_type3A_428 = arith.extui %and3A_427 : vector<256x2048xi1> to vector<256x2048xi32>
    %reduce_max3A_429 = arith.constant dense<-2147483648> : vector<256xi32>
    %reduce_max3A_430 = vector.multi_reduction <maxsi>, %convert_element_type3A_428, %reduce_max3A_429 [1] : vector<256x2048xi32> to vector<256xi32>
    %broadcast_in_dim3A_431 = vector.shape_cast %reduce_max3A_430 : vector<256xi32> to vector<256x1xi32>
    %sub3A_432 = arith.constant 1 : i32
    %sub3A_433 = vector.broadcast %sub3A_432 : i32 to vector<256x1xi32>
    %sub3A_434 = arith.subi %sub3A_433, %broadcast_in_dim3A_431 : vector<256x1xi32>
    %concatenate3A = tpu.concatenate %sub3A_322, %sub3A_338, %sub3A_354, %sub3A_370, %sub3A_386, %sub3A_402, %sub3A_418, %sub3A_434 in 0 : vector<256x1xi32>, vector<256x1xi32>, vector<256x1xi32>, vector<256x1xi32>, vector<256x1xi32>, vector<256x1xi32>, vector<256x1xi32>, vector<256x1xi32> -> vector<2048x1xi32>
    %get3A_435 = arith.constant 0 : index
    %get3A_436 = arith.constant 0 : index
    %get3A_437 = vector.load %arg1[%get3A_435, %get3A_436] : memref<2048x64xf32, #tpu.memory_space<vmem>>, vector<2048x64xf32>
    %mul3A_438 = arith.mulf %get3A_437, %get3A_437 : vector<2048x64xf32>
    %reduce_sum3A_439 = arith.constant dense<0.000000e+00> : vector<2048xf32>
    %reduce_sum3A_440 = vector.multi_reduction <add>, %mul3A_438, %reduce_sum3A_439 [1] : vector<2048x64xf32> to vector<2048xf32>
    %broadcast_in_dim3A_441 = vector.shape_cast %reduce_sum3A_440 : vector<2048xf32> to vector<2048x1xf32>
    %sqrt3A = math.sqrt %broadcast_in_dim3A_441 : vector<2048x1xf32>
    %add3A_442 = arith.constant 9.99999996E-13 : f32
    %add3A_443 = vector.broadcast %add3A_442 : f32 to vector<2048x1xf32>
    %add3A_444 = arith.addf %sqrt3A, %add3A_443 : vector<2048x1xf32>
    %div3A = vector.broadcast %add3A_444 : vector<2048x1xf32> to vector<2048x64xf32>
    %div3A_445 = arith.divf %get3A_437, %div3A : vector<2048x64xf32>
    %broadcast_in_dim3A_446 = arith.constant 0.000000e+00 : f32
    %broadcast_in_dim3A_447 = vector.broadcast %broadcast_in_dim3A_446 : f32 to vector<2048x64xf32>
    %concatenate3A_448 = tpu.concatenate %div3A_445, %broadcast_in_dim3A_447 in 1 : vector<2048x64xf32>, vector<2048x64xf32> -> vector<2048x128xf32>
    %swap3A = arith.constant 0 : index
    %swap3A_449 = arith.constant 0 : index
    %swap3A_450 = vector.load %arg6[%swap3A, %swap3A_449] : memref<2048x128xf32, #tpu.memory_space<vmem>>, vector<2048x128xf32>
    tpu.vector_store %arg6[%swap3A, %swap3A_449], %concatenate3A_448 {strides = array<i32>} : memref<2048x128xf32, #tpu.memory_space<vmem>>, vector<2048x128xf32>,
    %swap3A_451 = arith.constant 0 : index
    %swap3A_452 = arith.constant 0 : index
    %swap3A_453 = vector.load %arg7[%swap3A_451, %swap3A_452] : memref<2048x1xi32, #tpu.memory_space<vmem>>, vector<2048x1xi32>
    tpu.vector_store %arg7[%swap3A_451, %swap3A_452], %select_n3A_216 {strides = array<i32>} : memref<2048x1xi32, #tpu.memory_space<vmem>>, vector<2048x1xi32>,
    %swap3A_454 = arith.constant 0 : index
    %swap3A_455 = arith.constant 0 : index
    %swap3A_456 = vector.load %arg8[%swap3A_454, %swap3A_455] : memref<2048x1xi32, #tpu.memory_space<vmem>>, vector<2048x1xi32>
    tpu.vector_store %arg8[%swap3A_454, %swap3A_455], %select_n3A_241 {strides = array<i32>} : memref<2048x1xi32, #tpu.memory_space<vmem>>, vector<2048x1xi32>,
    %swap3A_457 = arith.constant 0 : index
    %swap3A_458 = arith.constant 0 : index
    %swap3A_459 = vector.load %arg9[%swap3A_457, %swap3A_458] : memref<2048x1xi32, #tpu.memory_space<vmem>>, vector<2048x1xi32>
    tpu.vector_store %arg9[%swap3A_457, %swap3A_458], %concatenate3A {strides = array<i32>} : memref<2048x1xi32, #tpu.memory_space<vmem>>, vector<2048x1xi32>,
    return
  }
}

module attributes {stable_mosaic.version = 14 : i64} {
  func.func @_main_body(%arg0: i32, %arg1: memref<2048x128xf32, #tpu.memory_space<vmem>>, %arg2: memref<2048x1xi32, #tpu.memory_space<vmem>>, %arg3: memref<1x2048xi32, #tpu.memory_space<vmem>>, %arg4: memref<15360x128xf32, #tpu.memory_space<vmem>>, %arg5: memref<128x128xf32, #tpu.memory_space<vmem>>, %arg6: memref<1x1xf32, #tpu.memory_space<vmem>>, %arg7: memref<4xf32, #tpu.memory_space<smem>>) attributes {dimension_semantics = [#tpu.dimension_semantics<arbitrary>], iteration_bounds = array<i64: 8>, scalar_prefetch = 0 : i64, scratch_operands = 1 : i64, tpu.core_type = #tpu.core_type<tc>, window_params = [{pipeline_mode = #tpu.pipeline_mode<synchronous>, transform_indices = @transform_0, window_bounds = array<i64: 2048, 128>}, {pipeline_mode = #tpu.pipeline_mode<synchronous>, transform_indices = @transform_1, window_bounds = array<i64: 2048, 1>}, {pipeline_mode = #tpu.pipeline_mode<synchronous>, transform_indices = @transform_2, window_bounds = array<i64: 1, 2048>}, {pipeline_mode = #tpu.pipeline_mode<synchronous>, transform_indices = @transform_3, window_bounds = array<i64: 15360, 128>}, {pipeline_mode = #tpu.pipeline_mode<synchronous>, transform_indices = @transform_4, window_bounds = array<i64: 128, 128>}, {pipeline_mode = #tpu.pipeline_mode<synchronous>, transform_indices = @transform_5, window_bounds = array<i64: 1, 1>}]} {
    %mul3A = arith.constant 256 : i32
    %mul3A_0 = arith.muli %arg0, %mul3A : i32
    %get3A = arith.index_cast %mul3A_0 : i32 to index
    %get3A_1 = arith.constant 0 : index
    %get3A_2 = vector.load %arg1[%get3A, %get3A_1] : memref<2048x128xf32, #tpu.memory_space<vmem>>, vector<256x128xf32>
    %get3A_3 = arith.index_cast %mul3A_0 : i32 to index
    %get3A_4 = arith.constant 0 : index
    %get3A_5 = vector.load %arg2[%get3A_3, %get3A_4] : memref<2048x1xi32, #tpu.memory_space<vmem>>, vector<256x1xi32>
    %get3A_6 = arith.constant 0 : index
    %get3A_7 = arith.constant 0 : index
    %get3A_8 = vector.load %arg3[%get3A_6, %get3A_7] : memref<1x2048xi32, #tpu.memory_space<vmem>>, vector<1x2048xi32>
    %iota3A = tpu.iota {dimensions = array<i32: 0>} : vector<256x1xi32>
    %add3A = vector.broadcast %mul3A_0 : i32 to vector<256x1xi32>
    %add3A_9 = arith.addi %add3A, %iota3A : vector<256x1xi32>
    %lt3A = arith.constant 2000 : i32
    %lt3A_10 = vector.broadcast %lt3A : i32 to vector<256x1xi32>
    %lt3A_11 = arith.cmpi slt, %add3A_9, %lt3A_10 : vector<256x1xi32>
    %convert_element_type3A = arith.extui %lt3A_11 : vector<256x1xi1> to vector<256x1xi32>
    %convert_element_type3A_12 = arith.sitofp %convert_element_type3A : vector<256x1xi32> to vector<256x1xf32>
    %get3A_13 = arith.constant 0 : index
    %get3A_14 = arith.constant 0 : index
    %get3A_15 = vector.load %arg1[%get3A_13, %get3A_14] : memref<2048x128xf32, #tpu.memory_space<vmem>>, vector<2048x128xf32>
    %dot_general3A = arith.constant dense<0.000000e+00> : vector<256x2048xf32>
    %dot_general3A_16 = tpu.matmul %get3A_2, %get3A_15, %dot_general3A {dimension_numbers = #tpu.dot_dimension_numbers<[1], [1], [0], [0], [0, 0, 1, 0], [], []>, transpose_lhs_hint = false} : vector<256x128xf32>, vector<2048x128xf32>, vector<256x2048xf32> -> vector<256x2048xf32>
    %div3A = arith.constant 1.000000e-01 : f32
    %div3A_17 = vector.broadcast %div3A : f32 to vector<256x2048xf32>
    %div3A_18 = arith.divf %dot_general3A_16, %div3A_17 : vector<256x2048xf32>
    %iota3A_19 = tpu.iota {dimensions = array<i32: 1>} : vector<1x2048xi32>
    %lt3A_20 = arith.constant 2000 : i32
    %lt3A_21 = vector.broadcast %lt3A_20 : i32 to vector<1x2048xi32>
    %lt3A_22 = arith.cmpi slt, %iota3A_19, %lt3A_21 : vector<1x2048xi32>
    %convert_element_type3A_23 = arith.extui %lt3A_22 : vector<1x2048xi1> to vector<1x2048xi32>
    %convert_element_type3A_24 = arith.sitofp %convert_element_type3A_23 : vector<1x2048xi32> to vector<1x2048xf32>
    %jit3A = arith.constant -1.000000e+30 : f32
    %broadcast_in_dim3A = vector.shape_cast %lt3A_22 : vector<1x2048xi1> to vector<1x2048xi1>
    %broadcast_in_dim3A_25 = vector.broadcast %broadcast_in_dim3A : vector<1x2048xi1> to vector<256x2048xi1>
    %broadcast_in_dim3A_26 = vector.broadcast %jit3A : f32 to vector<256x2048xf32>
    %select_n3A = arith.select %broadcast_in_dim3A_25, %div3A_18, %broadcast_in_dim3A_26 : vector<256x2048xi1>, vector<256x2048xf32>
    %reduce_max3A = arith.constant dense<0xFF800000> : vector<256xf32>
    %reduce_max3A_27 = vector.multi_reduction <maximumf>, %select_n3A, %reduce_max3A [1] : vector<256x2048xf32> to vector<256xf32>
    %broadcast_in_dim3A_28 = vector.shape_cast %reduce_max3A_27 : vector<256xf32> to vector<256x1xf32>
    %sub3A = vector.broadcast %broadcast_in_dim3A_28 : vector<256x1xf32> to vector<256x2048xf32>
    %sub3A_29 = arith.subf %div3A_18, %sub3A : vector<256x2048xf32>
    %exp3A = math.exp %sub3A_29 : vector<256x2048xf32>
    %eq3A = vector.broadcast %get3A_5 : vector<256x1xi32> to vector<256x2048xi32>
    %eq3A_30 = vector.broadcast %get3A_8 : vector<1x2048xi32> to vector<256x2048xi32>
    %eq3A_31 = arith.cmpi eq, %eq3A, %eq3A_30 : vector<256x2048xi32>
    %convert_element_type3A_32 = arith.extui %eq3A_31 : vector<256x2048xi1> to vector<256x2048xi32>
    %convert_element_type3A_33 = arith.sitofp %convert_element_type3A_32 : vector<256x2048xi32> to vector<256x2048xf32>
    %sub3A_34 = arith.constant 1.000000e+00 : f32
    %sub3A_35 = vector.broadcast %sub3A_34 : f32 to vector<256x2048xf32>
    %sub3A_36 = arith.subf %sub3A_35, %convert_element_type3A_33 : vector<256x2048xf32>
    %mul3A_37 = arith.mulf %exp3A, %sub3A_36 : vector<256x2048xf32>
    %mul3A_38 = vector.broadcast %convert_element_type3A_24 : vector<1x2048xf32> to vector<256x2048xf32>
    %mul3A_39 = arith.mulf %mul3A_37, %mul3A_38 : vector<256x2048xf32>
    %reduce_sum3A = arith.constant dense<0.000000e+00> : vector<256xf32>
    %reduce_sum3A_40 = vector.multi_reduction <add>, %mul3A_39, %reduce_sum3A [1] : vector<256x2048xf32> to vector<256xf32>
    %broadcast_in_dim3A_41 = vector.shape_cast %reduce_sum3A_40 : vector<256xf32> to vector<256x1xf32>
    %broadcast_in_dim3A_42 = arith.constant -1.000000e+30 : f32
    %broadcast_in_dim3A_43 = vector.broadcast %broadcast_in_dim3A_42 : f32 to vector<256x1xf32>
    %broadcast_in_dim3A_44 = arith.constant 0.000000e+00 : f32
    %broadcast_in_dim3A_45 = vector.broadcast %broadcast_in_dim3A_44 : f32 to vector<256x1xf32>
    %get3A_46 = arith.constant 0 : index
    %get3A_47 = arith.constant 0 : index
    %get3A_48 = vector.load %arg4[%get3A_46, %get3A_47] : memref<15360x128xf32, #tpu.memory_space<vmem>>, vector<1536x128xf32>
    %dot_general3A_49 = arith.constant dense<0.000000e+00> : vector<256x1536xf32>
    %dot_general3A_50 = tpu.matmul %get3A_2, %get3A_48, %dot_general3A_49 {dimension_numbers = #tpu.dot_dimension_numbers<[1], [1], [0], [0], [0, 0, 1, 0], [], []>, transpose_lhs_hint = false} : vector<256x128xf32>, vector<1536x128xf32>, vector<256x1536xf32> -> vector<256x1536xf32>
    %div3A_51 = arith.constant 1.000000e-01 : f32
    %div3A_52 = vector.broadcast %div3A_51 : f32 to vector<256x1536xf32>
    %div3A_53 = arith.divf %dot_general3A_50, %div3A_52 : vector<256x1536xf32>
    %iota3A_54 = tpu.iota {dimensions = array<i32: 1>} : vector<1x1536xi32>
    %add3A_55 = arith.constant 0 : i32
    %add3A_56 = vector.broadcast %add3A_55 : i32 to vector<1x1536xi32>
    %add3A_57 = arith.addi %add3A_56, %iota3A_54 : vector<1x1536xi32>
    %lt3A_58 = arith.constant 15300 : i32
    %lt3A_59 = vector.broadcast %lt3A_58 : i32 to vector<1x1536xi32>
    %lt3A_60 = arith.cmpi slt, %add3A_57, %lt3A_59 : vector<1x1536xi32>
    %jit3A_61 = arith.constant -1.000000e+30 : f32
    %broadcast_in_dim3A_62 = vector.shape_cast %lt3A_60 : vector<1x1536xi1> to vector<1x1536xi1>
    %broadcast_in_dim3A_63 = vector.broadcast %broadcast_in_dim3A_62 : vector<1x1536xi1> to vector<256x1536xi1>
    %broadcast_in_dim3A_64 = vector.broadcast %jit3A_61 : f32 to vector<256x1536xf32>
    %select_n3A_65 = arith.select %broadcast_in_dim3A_63, %div3A_53, %broadcast_in_dim3A_64 : vector<256x1536xi1>, vector<256x1536xf32>
    %reduce_max3A_66 = arith.constant dense<0xFF800000> : vector<256xf32>
    %reduce_max3A_67 = vector.multi_reduction <maximumf>, %select_n3A_65, %reduce_max3A_66 [1] : vector<256x1536xf32> to vector<256xf32>
    %broadcast_in_dim3A_68 = vector.shape_cast %reduce_max3A_67 : vector<256xf32> to vector<256x1xf32>
    %max3A = arith.maximumf %broadcast_in_dim3A_43, %broadcast_in_dim3A_68 : vector<256x1xf32>
    %jit3A_69 = arith.constant 150 : i32
    %div3A_70 = vector.broadcast %jit3A_69 : i32 to vector<1x1536xi32>
    %div3A_71 = arith.divsi %add3A_57, %div3A_70 : vector<1x1536xi32>
    %sign3A = arith.constant 0 : i32
    %sign3A_72 = vector.broadcast %sign3A : i32 to vector<1x1536xi32>
    %sign3A_73 = arith.cmpi sgt, %add3A_57, %sign3A_72 : vector<1x1536xi32>
    %sign3A_74 = arith.extui %sign3A_73 : vector<1x1536xi1> to vector<1x1536xi32>
    %sign3A_75 = arith.constant 0 : i32
    %sign3A_76 = vector.broadcast %sign3A_75 : i32 to vector<1x1536xi32>
    %sign3A_77 = arith.cmpi slt, %add3A_57, %sign3A_76 : vector<1x1536xi32>
    %sign3A_78 = arith.extui %sign3A_77 : vector<1x1536xi1> to vector<1x1536xi32>
    %sign3A_79 = arith.subi %sign3A_74, %sign3A_78 : vector<1x1536xi32>
    %sign3A_80 = arith.constant 0 : i32
    %sign3A_81 = arith.cmpi sgt, %jit3A_69, %sign3A_80 : i32
    %sign3A_82 = arith.extui %sign3A_81 : i1 to i32
    %sign3A_83 = arith.constant 0 : i32
    %sign3A_84 = arith.cmpi slt, %jit3A_69, %sign3A_83 : i32
    %sign3A_85 = arith.extui %sign3A_84 : i1 to i32
    %sign3A_86 = arith.subi %sign3A_82, %sign3A_85 : i32
    %ne3A = vector.broadcast %sign3A_86 : i32 to vector<1x1536xi32>
    %ne3A_87 = arith.cmpi ne, %sign3A_79, %ne3A : vector<1x1536xi32>
    %rem3A = vector.broadcast %jit3A_69 : i32 to vector<1x1536xi32>
    %rem3A_88 = arith.remsi %add3A_57, %rem3A : vector<1x1536xi32>
    %ne3A_89 = arith.constant 0 : i32
    %ne3A_90 = vector.broadcast %ne3A_89 : i32 to vector<1x1536xi32>
    %ne3A_91 = arith.cmpi ne, %rem3A_88, %ne3A_90 : vector<1x1536xi32>
    %and3A = arith.andi %ne3A_87, %ne3A_91 : vector<1x1536xi1>
    %sub3A_92 = arith.constant 1 : i32
    %sub3A_93 = vector.broadcast %sub3A_92 : i32 to vector<1x1536xi32>
    %sub3A_94 = arith.subi %div3A_71, %sub3A_93 : vector<1x1536xi32>
    %select_n3A_95 = arith.select %and3A, %sub3A_94, %div3A_71 : vector<1x1536xi1>, vector<1x1536xi32>
    %ne3A_96 = vector.broadcast %select_n3A_95 : vector<1x1536xi32> to vector<256x1536xi32>
    %ne3A_97 = vector.broadcast %get3A_5 : vector<256x1xi32> to vector<256x1536xi32>
    %ne3A_98 = arith.cmpi ne, %ne3A_96, %ne3A_97 : vector<256x1536xi32>
    %and3A_99 = vector.broadcast %lt3A_60 : vector<1x1536xi1> to vector<256x1536xi1>
    %and3A_100 = arith.andi %and3A_99, %ne3A_98 : vector<256x1536xi1>
    %convert_element_type3A_101 = arith.extui %and3A_100 : vector<256x1536xi1> to vector<256x1536xi32>
    %convert_element_type3A_102 = arith.sitofp %convert_element_type3A_101 : vector<256x1536xi32> to vector<256x1536xf32>
    %sub3A_103 = vector.broadcast %max3A : vector<256x1xf32> to vector<256x1536xf32>
    %sub3A_104 = arith.subf %select_n3A_65, %sub3A_103 : vector<256x1536xf32>
    %exp3A_105 = math.exp %sub3A_104 : vector<256x1536xf32>
    %mul3A_106 = arith.mulf %exp3A_105, %convert_element_type3A_102 : vector<256x1536xf32>
    %sub3A_107 = arith.subf %broadcast_in_dim3A_43, %max3A : vector<256x1xf32>
    %exp3A_108 = math.exp %sub3A_107 : vector<256x1xf32>
    %mul3A_109 = arith.mulf %broadcast_in_dim3A_45, %exp3A_108 : vector<256x1xf32>
    %reduce_sum3A_110 = arith.constant dense<0.000000e+00> : vector<256xf32>
    %reduce_sum3A_111 = vector.multi_reduction <add>, %mul3A_106, %reduce_sum3A_110 [1] : vector<256x1536xf32> to vector<256xf32>
    %broadcast_in_dim3A_112 = vector.shape_cast %reduce_sum3A_111 : vector<256xf32> to vector<256x1xf32>
    %add3A_113 = arith.addf %mul3A_109, %broadcast_in_dim3A_112 : vector<256x1xf32>
    %get3A_114 = arith.constant 1536 : index
    %get3A_115 = arith.constant 0 : index
    %get3A_116 = vector.load %arg4[%get3A_114, %get3A_115] : memref<15360x128xf32, #tpu.memory_space<vmem>>, vector<1536x128xf32>
    %dot_general3A_117 = arith.constant dense<0.000000e+00> : vector<256x1536xf32>
    %dot_general3A_118 = tpu.matmul %get3A_2, %get3A_116, %dot_general3A_117 {dimension_numbers = #tpu.dot_dimension_numbers<[1], [1], [0], [0], [0, 0, 1, 0], [], []>, transpose_lhs_hint = false} : vector<256x128xf32>, vector<1536x128xf32>, vector<256x1536xf32> -> vector<256x1536xf32>
    %div3A_119 = arith.constant 1.000000e-01 : f32
    %div3A_120 = vector.broadcast %div3A_119 : f32 to vector<256x1536xf32>
    %div3A_121 = arith.divf %dot_general3A_118, %div3A_120 : vector<256x1536xf32>
    %iota3A_122 = tpu.iota {dimensions = array<i32: 1>} : vector<1x1536xi32>
    %add3A_123 = arith.constant 1536 : i32
    %add3A_124 = vector.broadcast %add3A_123 : i32 to vector<1x1536xi32>
    %add3A_125 = arith.addi %add3A_124, %iota3A_122 : vector<1x1536xi32>
    %lt3A_126 = arith.constant 15300 : i32
    %lt3A_127 = vector.broadcast %lt3A_126 : i32 to vector<1x1536xi32>
    %lt3A_128 = arith.cmpi slt, %add3A_125, %lt3A_127 : vector<1x1536xi32>
    %jit3A_129 = arith.constant -1.000000e+30 : f32
    %broadcast_in_dim3A_130 = vector.shape_cast %lt3A_128 : vector<1x1536xi1> to vector<1x1536xi1>
    %broadcast_in_dim3A_131 = vector.broadcast %broadcast_in_dim3A_130 : vector<1x1536xi1> to vector<256x1536xi1>
    %broadcast_in_dim3A_132 = vector.broadcast %jit3A_129 : f32 to vector<256x1536xf32>
    %select_n3A_133 = arith.select %broadcast_in_dim3A_131, %div3A_121, %broadcast_in_dim3A_132 : vector<256x1536xi1>, vector<256x1536xf32>
    %reduce_max3A_134 = arith.constant dense<0xFF800000> : vector<256xf32>
    %reduce_max3A_135 = vector.multi_reduction <maximumf>, %select_n3A_133, %reduce_max3A_134 [1] : vector<256x1536xf32> to vector<256xf32>
    %broadcast_in_dim3A_136 = vector.shape_cast %reduce_max3A_135 : vector<256xf32> to vector<256x1xf32>
    %max3A_137 = arith.maximumf %max3A, %broadcast_in_dim3A_136 : vector<256x1xf32>
    %jit3A_138 = arith.constant 150 : i32
    %div3A_139 = vector.broadcast %jit3A_138 : i32 to vector<1x1536xi32>
    %div3A_140 = arith.divsi %add3A_125, %div3A_139 : vector<1x1536xi32>
    %sign3A_141 = arith.constant 0 : i32
    %sign3A_142 = vector.broadcast %sign3A_141 : i32 to vector<1x1536xi32>
    %sign3A_143 = arith.cmpi sgt, %add3A_125, %sign3A_142 : vector<1x1536xi32>
    %sign3A_144 = arith.extui %sign3A_143 : vector<1x1536xi1> to vector<1x1536xi32>
    %sign3A_145 = arith.constant 0 : i32
    %sign3A_146 = vector.broadcast %sign3A_145 : i32 to vector<1x1536xi32>
    %sign3A_147 = arith.cmpi slt, %add3A_125, %sign3A_146 : vector<1x1536xi32>
    %sign3A_148 = arith.extui %sign3A_147 : vector<1x1536xi1> to vector<1x1536xi32>
    %sign3A_149 = arith.subi %sign3A_144, %sign3A_148 : vector<1x1536xi32>
    %sign3A_150 = arith.constant 0 : i32
    %sign3A_151 = arith.cmpi sgt, %jit3A_138, %sign3A_150 : i32
    %sign3A_152 = arith.extui %sign3A_151 : i1 to i32
    %sign3A_153 = arith.constant 0 : i32
    %sign3A_154 = arith.cmpi slt, %jit3A_138, %sign3A_153 : i32
    %sign3A_155 = arith.extui %sign3A_154 : i1 to i32
    %sign3A_156 = arith.subi %sign3A_152, %sign3A_155 : i32
    %ne3A_157 = vector.broadcast %sign3A_156 : i32 to vector<1x1536xi32>
    %ne3A_158 = arith.cmpi ne, %sign3A_149, %ne3A_157 : vector<1x1536xi32>
    %rem3A_159 = vector.broadcast %jit3A_138 : i32 to vector<1x1536xi32>
    %rem3A_160 = arith.remsi %add3A_125, %rem3A_159 : vector<1x1536xi32>
    %ne3A_161 = arith.constant 0 : i32
    %ne3A_162 = vector.broadcast %ne3A_161 : i32 to vector<1x1536xi32>
    %ne3A_163 = arith.cmpi ne, %rem3A_160, %ne3A_162 : vector<1x1536xi32>
    %and3A_164 = arith.andi %ne3A_158, %ne3A_163 : vector<1x1536xi1>
    %sub3A_165 = arith.constant 1 : i32
    %sub3A_166 = vector.broadcast %sub3A_165 : i32 to vector<1x1536xi32>
    %sub3A_167 = arith.subi %div3A_140, %sub3A_166 : vector<1x1536xi32>
    %select_n3A_168 = arith.select %and3A_164, %sub3A_167, %div3A_140 : vector<1x1536xi1>, vector<1x1536xi32>
    %ne3A_169 = vector.broadcast %select_n3A_168 : vector<1x1536xi32> to vector<256x1536xi32>
    %ne3A_170 = vector.broadcast %get3A_5 : vector<256x1xi32> to vector<256x1536xi32>
    %ne3A_171 = arith.cmpi ne, %ne3A_169, %ne3A_170 : vector<256x1536xi32>
    %and3A_172 = vector.broadcast %lt3A_128 : vector<1x1536xi1> to vector<256x1536xi1>
    %and3A_173 = arith.andi %and3A_172, %ne3A_171 : vector<256x1536xi1>
    %convert_element_type3A_174 = arith.extui %and3A_173 : vector<256x1536xi1> to vector<256x1536xi32>
    %convert_element_type3A_175 = arith.sitofp %convert_element_type3A_174 : vector<256x1536xi32> to vector<256x1536xf32>
    %sub3A_176 = vector.broadcast %max3A_137 : vector<256x1xf32> to vector<256x1536xf32>
    %sub3A_177 = arith.subf %select_n3A_133, %sub3A_176 : vector<256x1536xf32>
    %exp3A_178 = math.exp %sub3A_177 : vector<256x1536xf32>
    %mul3A_179 = arith.mulf %exp3A_178, %convert_element_type3A_175 : vector<256x1536xf32>
    %sub3A_180 = arith.subf %max3A, %max3A_137 : vector<256x1xf32>
    %exp3A_181 = math.exp %sub3A_180 : vector<256x1xf32>
    %mul3A_182 = arith.mulf %add3A_113, %exp3A_181 : vector<256x1xf32>
    %reduce_sum3A_183 = arith.constant dense<0.000000e+00> : vector<256xf32>
    %reduce_sum3A_184 = vector.multi_reduction <add>, %mul3A_179, %reduce_sum3A_183 [1] : vector<256x1536xf32> to vector<256xf32>
    %broadcast_in_dim3A_185 = vector.shape_cast %reduce_sum3A_184 : vector<256xf32> to vector<256x1xf32>
    %add3A_186 = arith.addf %mul3A_182, %broadcast_in_dim3A_185 : vector<256x1xf32>
    %get3A_187 = arith.constant 3072 : index
    %get3A_188 = arith.constant 0 : index
    %get3A_189 = vector.load %arg4[%get3A_187, %get3A_188] : memref<15360x128xf32, #tpu.memory_space<vmem>>, vector<1536x128xf32>
    %dot_general3A_190 = arith.constant dense<0.000000e+00> : vector<256x1536xf32>
    %dot_general3A_191 = tpu.matmul %get3A_2, %get3A_189, %dot_general3A_190 {dimension_numbers = #tpu.dot_dimension_numbers<[1], [1], [0], [0], [0, 0, 1, 0], [], []>, transpose_lhs_hint = false} : vector<256x128xf32>, vector<1536x128xf32>, vector<256x1536xf32> -> vector<256x1536xf32>
    %div3A_192 = arith.constant 1.000000e-01 : f32
    %div3A_193 = vector.broadcast %div3A_192 : f32 to vector<256x1536xf32>
    %div3A_194 = arith.divf %dot_general3A_191, %div3A_193 : vector<256x1536xf32>
    %iota3A_195 = tpu.iota {dimensions = array<i32: 1>} : vector<1x1536xi32>
    %add3A_196 = arith.constant 3072 : i32
    %add3A_197 = vector.broadcast %add3A_196 : i32 to vector<1x1536xi32>
    %add3A_198 = arith.addi %add3A_197, %iota3A_195 : vector<1x1536xi32>
    %lt3A_199 = arith.constant 15300 : i32
    %lt3A_200 = vector.broadcast %lt3A_199 : i32 to vector<1x1536xi32>
    %lt3A_201 = arith.cmpi slt, %add3A_198, %lt3A_200 : vector<1x1536xi32>
    %jit3A_202 = arith.constant -1.000000e+30 : f32
    %broadcast_in_dim3A_203 = vector.shape_cast %lt3A_201 : vector<1x1536xi1> to vector<1x1536xi1>
    %broadcast_in_dim3A_204 = vector.broadcast %broadcast_in_dim3A_203 : vector<1x1536xi1> to vector<256x1536xi1>
    %broadcast_in_dim3A_205 = vector.broadcast %jit3A_202 : f32 to vector<256x1536xf32>
    %select_n3A_206 = arith.select %broadcast_in_dim3A_204, %div3A_194, %broadcast_in_dim3A_205 : vector<256x1536xi1>, vector<256x1536xf32>
    %reduce_max3A_207 = arith.constant dense<0xFF800000> : vector<256xf32>
    %reduce_max3A_208 = vector.multi_reduction <maximumf>, %select_n3A_206, %reduce_max3A_207 [1] : vector<256x1536xf32> to vector<256xf32>
    %broadcast_in_dim3A_209 = vector.shape_cast %reduce_max3A_208 : vector<256xf32> to vector<256x1xf32>
    %max3A_210 = arith.maximumf %max3A_137, %broadcast_in_dim3A_209 : vector<256x1xf32>
    %jit3A_211 = arith.constant 150 : i32
    %div3A_212 = vector.broadcast %jit3A_211 : i32 to vector<1x1536xi32>
    %div3A_213 = arith.divsi %add3A_198, %div3A_212 : vector<1x1536xi32>
    %sign3A_214 = arith.constant 0 : i32
    %sign3A_215 = vector.broadcast %sign3A_214 : i32 to vector<1x1536xi32>
    %sign3A_216 = arith.cmpi sgt, %add3A_198, %sign3A_215 : vector<1x1536xi32>
    %sign3A_217 = arith.extui %sign3A_216 : vector<1x1536xi1> to vector<1x1536xi32>
    %sign3A_218 = arith.constant 0 : i32
    %sign3A_219 = vector.broadcast %sign3A_218 : i32 to vector<1x1536xi32>
    %sign3A_220 = arith.cmpi slt, %add3A_198, %sign3A_219 : vector<1x1536xi32>
    %sign3A_221 = arith.extui %sign3A_220 : vector<1x1536xi1> to vector<1x1536xi32>
    %sign3A_222 = arith.subi %sign3A_217, %sign3A_221 : vector<1x1536xi32>
    %sign3A_223 = arith.constant 0 : i32
    %sign3A_224 = arith.cmpi sgt, %jit3A_211, %sign3A_223 : i32
    %sign3A_225 = arith.extui %sign3A_224 : i1 to i32
    %sign3A_226 = arith.constant 0 : i32
    %sign3A_227 = arith.cmpi slt, %jit3A_211, %sign3A_226 : i32
    %sign3A_228 = arith.extui %sign3A_227 : i1 to i32
    %sign3A_229 = arith.subi %sign3A_225, %sign3A_228 : i32
    %ne3A_230 = vector.broadcast %sign3A_229 : i32 to vector<1x1536xi32>
    %ne3A_231 = arith.cmpi ne, %sign3A_222, %ne3A_230 : vector<1x1536xi32>
    %rem3A_232 = vector.broadcast %jit3A_211 : i32 to vector<1x1536xi32>
    %rem3A_233 = arith.remsi %add3A_198, %rem3A_232 : vector<1x1536xi32>
    %ne3A_234 = arith.constant 0 : i32
    %ne3A_235 = vector.broadcast %ne3A_234 : i32 to vector<1x1536xi32>
    %ne3A_236 = arith.cmpi ne, %rem3A_233, %ne3A_235 : vector<1x1536xi32>
    %and3A_237 = arith.andi %ne3A_231, %ne3A_236 : vector<1x1536xi1>
    %sub3A_238 = arith.constant 1 : i32
    %sub3A_239 = vector.broadcast %sub3A_238 : i32 to vector<1x1536xi32>
    %sub3A_240 = arith.subi %div3A_213, %sub3A_239 : vector<1x1536xi32>
    %select_n3A_241 = arith.select %and3A_237, %sub3A_240, %div3A_213 : vector<1x1536xi1>, vector<1x1536xi32>
    %ne3A_242 = vector.broadcast %select_n3A_241 : vector<1x1536xi32> to vector<256x1536xi32>
    %ne3A_243 = vector.broadcast %get3A_5 : vector<256x1xi32> to vector<256x1536xi32>
    %ne3A_244 = arith.cmpi ne, %ne3A_242, %ne3A_243 : vector<256x1536xi32>
    %and3A_245 = vector.broadcast %lt3A_201 : vector<1x1536xi1> to vector<256x1536xi1>
    %and3A_246 = arith.andi %and3A_245, %ne3A_244 : vector<256x1536xi1>
    %convert_element_type3A_247 = arith.extui %and3A_246 : vector<256x1536xi1> to vector<256x1536xi32>
    %convert_element_type3A_248 = arith.sitofp %convert_element_type3A_247 : vector<256x1536xi32> to vector<256x1536xf32>
    %sub3A_249 = vector.broadcast %max3A_210 : vector<256x1xf32> to vector<256x1536xf32>
    %sub3A_250 = arith.subf %select_n3A_206, %sub3A_249 : vector<256x1536xf32>
    %exp3A_251 = math.exp %sub3A_250 : vector<256x1536xf32>
    %mul3A_252 = arith.mulf %exp3A_251, %convert_element_type3A_248 : vector<256x1536xf32>
    %sub3A_253 = arith.subf %max3A_137, %max3A_210 : vector<256x1xf32>
    %exp3A_254 = math.exp %sub3A_253 : vector<256x1xf32>
    %mul3A_255 = arith.mulf %add3A_186, %exp3A_254 : vector<256x1xf32>
    %reduce_sum3A_256 = arith.constant dense<0.000000e+00> : vector<256xf32>
    %reduce_sum3A_257 = vector.multi_reduction <add>, %mul3A_252, %reduce_sum3A_256 [1] : vector<256x1536xf32> to vector<256xf32>
    %broadcast_in_dim3A_258 = vector.shape_cast %reduce_sum3A_257 : vector<256xf32> to vector<256x1xf32>
    %add3A_259 = arith.addf %mul3A_255, %broadcast_in_dim3A_258 : vector<256x1xf32>
    %get3A_260 = arith.constant 4608 : index
    %get3A_261 = arith.constant 0 : index
    %get3A_262 = vector.load %arg4[%get3A_260, %get3A_261] : memref<15360x128xf32, #tpu.memory_space<vmem>>, vector<1536x128xf32>
    %dot_general3A_263 = arith.constant dense<0.000000e+00> : vector<256x1536xf32>
    %dot_general3A_264 = tpu.matmul %get3A_2, %get3A_262, %dot_general3A_263 {dimension_numbers = #tpu.dot_dimension_numbers<[1], [1], [0], [0], [0, 0, 1, 0], [], []>, transpose_lhs_hint = false} : vector<256x128xf32>, vector<1536x128xf32>, vector<256x1536xf32> -> vector<256x1536xf32>
    %div3A_265 = arith.constant 1.000000e-01 : f32
    %div3A_266 = vector.broadcast %div3A_265 : f32 to vector<256x1536xf32>
    %div3A_267 = arith.divf %dot_general3A_264, %div3A_266 : vector<256x1536xf32>
    %iota3A_268 = tpu.iota {dimensions = array<i32: 1>} : vector<1x1536xi32>
    %add3A_269 = arith.constant 4608 : i32
    %add3A_270 = vector.broadcast %add3A_269 : i32 to vector<1x1536xi32>
    %add3A_271 = arith.addi %add3A_270, %iota3A_268 : vector<1x1536xi32>
    %lt3A_272 = arith.constant 15300 : i32
    %lt3A_273 = vector.broadcast %lt3A_272 : i32 to vector<1x1536xi32>
    %lt3A_274 = arith.cmpi slt, %add3A_271, %lt3A_273 : vector<1x1536xi32>
    %jit3A_275 = arith.constant -1.000000e+30 : f32
    %broadcast_in_dim3A_276 = vector.shape_cast %lt3A_274 : vector<1x1536xi1> to vector<1x1536xi1>
    %broadcast_in_dim3A_277 = vector.broadcast %broadcast_in_dim3A_276 : vector<1x1536xi1> to vector<256x1536xi1>
    %broadcast_in_dim3A_278 = vector.broadcast %jit3A_275 : f32 to vector<256x1536xf32>
    %select_n3A_279 = arith.select %broadcast_in_dim3A_277, %div3A_267, %broadcast_in_dim3A_278 : vector<256x1536xi1>, vector<256x1536xf32>
    %reduce_max3A_280 = arith.constant dense<0xFF800000> : vector<256xf32>
    %reduce_max3A_281 = vector.multi_reduction <maximumf>, %select_n3A_279, %reduce_max3A_280 [1] : vector<256x1536xf32> to vector<256xf32>
    %broadcast_in_dim3A_282 = vector.shape_cast %reduce_max3A_281 : vector<256xf32> to vector<256x1xf32>
    %max3A_283 = arith.maximumf %max3A_210, %broadcast_in_dim3A_282 : vector<256x1xf32>
    %jit3A_284 = arith.constant 150 : i32
    %div3A_285 = vector.broadcast %jit3A_284 : i32 to vector<1x1536xi32>
    %div3A_286 = arith.divsi %add3A_271, %div3A_285 : vector<1x1536xi32>
    %sign3A_287 = arith.constant 0 : i32
    %sign3A_288 = vector.broadcast %sign3A_287 : i32 to vector<1x1536xi32>
    %sign3A_289 = arith.cmpi sgt, %add3A_271, %sign3A_288 : vector<1x1536xi32>
    %sign3A_290 = arith.extui %sign3A_289 : vector<1x1536xi1> to vector<1x1536xi32>
    %sign3A_291 = arith.constant 0 : i32
    %sign3A_292 = vector.broadcast %sign3A_291 : i32 to vector<1x1536xi32>
    %sign3A_293 = arith.cmpi slt, %add3A_271, %sign3A_292 : vector<1x1536xi32>
    %sign3A_294 = arith.extui %sign3A_293 : vector<1x1536xi1> to vector<1x1536xi32>
    %sign3A_295 = arith.subi %sign3A_290, %sign3A_294 : vector<1x1536xi32>
    %sign3A_296 = arith.constant 0 : i32
    %sign3A_297 = arith.cmpi sgt, %jit3A_284, %sign3A_296 : i32
    %sign3A_298 = arith.extui %sign3A_297 : i1 to i32
    %sign3A_299 = arith.constant 0 : i32
    %sign3A_300 = arith.cmpi slt, %jit3A_284, %sign3A_299 : i32
    %sign3A_301 = arith.extui %sign3A_300 : i1 to i32
    %sign3A_302 = arith.subi %sign3A_298, %sign3A_301 : i32
    %ne3A_303 = vector.broadcast %sign3A_302 : i32 to vector<1x1536xi32>
    %ne3A_304 = arith.cmpi ne, %sign3A_295, %ne3A_303 : vector<1x1536xi32>
    %rem3A_305 = vector.broadcast %jit3A_284 : i32 to vector<1x1536xi32>
    %rem3A_306 = arith.remsi %add3A_271, %rem3A_305 : vector<1x1536xi32>
    %ne3A_307 = arith.constant 0 : i32
    %ne3A_308 = vector.broadcast %ne3A_307 : i32 to vector<1x1536xi32>
    %ne3A_309 = arith.cmpi ne, %rem3A_306, %ne3A_308 : vector<1x1536xi32>
    %and3A_310 = arith.andi %ne3A_304, %ne3A_309 : vector<1x1536xi1>
    %sub3A_311 = arith.constant 1 : i32
    %sub3A_312 = vector.broadcast %sub3A_311 : i32 to vector<1x1536xi32>
    %sub3A_313 = arith.subi %div3A_286, %sub3A_312 : vector<1x1536xi32>
    %select_n3A_314 = arith.select %and3A_310, %sub3A_313, %div3A_286 : vector<1x1536xi1>, vector<1x1536xi32>
    %ne3A_315 = vector.broadcast %select_n3A_314 : vector<1x1536xi32> to vector<256x1536xi32>
    %ne3A_316 = vector.broadcast %get3A_5 : vector<256x1xi32> to vector<256x1536xi32>
    %ne3A_317 = arith.cmpi ne, %ne3A_315, %ne3A_316 : vector<256x1536xi32>
    %and3A_318 = vector.broadcast %lt3A_274 : vector<1x1536xi1> to vector<256x1536xi1>
    %and3A_319 = arith.andi %and3A_318, %ne3A_317 : vector<256x1536xi1>
    %convert_element_type3A_320 = arith.extui %and3A_319 : vector<256x1536xi1> to vector<256x1536xi32>
    %convert_element_type3A_321 = arith.sitofp %convert_element_type3A_320 : vector<256x1536xi32> to vector<256x1536xf32>
    %sub3A_322 = vector.broadcast %max3A_283 : vector<256x1xf32> to vector<256x1536xf32>
    %sub3A_323 = arith.subf %select_n3A_279, %sub3A_322 : vector<256x1536xf32>
    %exp3A_324 = math.exp %sub3A_323 : vector<256x1536xf32>
    %mul3A_325 = arith.mulf %exp3A_324, %convert_element_type3A_321 : vector<256x1536xf32>
    %sub3A_326 = arith.subf %max3A_210, %max3A_283 : vector<256x1xf32>
    %exp3A_327 = math.exp %sub3A_326 : vector<256x1xf32>
    %mul3A_328 = arith.mulf %add3A_259, %exp3A_327 : vector<256x1xf32>
    %reduce_sum3A_329 = arith.constant dense<0.000000e+00> : vector<256xf32>
    %reduce_sum3A_330 = vector.multi_reduction <add>, %mul3A_325, %reduce_sum3A_329 [1] : vector<256x1536xf32> to vector<256xf32>
    %broadcast_in_dim3A_331 = vector.shape_cast %reduce_sum3A_330 : vector<256xf32> to vector<256x1xf32>
    %add3A_332 = arith.addf %mul3A_328, %broadcast_in_dim3A_331 : vector<256x1xf32>
    %get3A_333 = arith.constant 6144 : index
    %get3A_334 = arith.constant 0 : index
    %get3A_335 = vector.load %arg4[%get3A_333, %get3A_334] : memref<15360x128xf32, #tpu.memory_space<vmem>>, vector<1536x128xf32>
    %dot_general3A_336 = arith.constant dense<0.000000e+00> : vector<256x1536xf32>
    %dot_general3A_337 = tpu.matmul %get3A_2, %get3A_335, %dot_general3A_336 {dimension_numbers = #tpu.dot_dimension_numbers<[1], [1], [0], [0], [0, 0, 1, 0], [], []>, transpose_lhs_hint = false} : vector<256x128xf32>, vector<1536x128xf32>, vector<256x1536xf32> -> vector<256x1536xf32>
    %div3A_338 = arith.constant 1.000000e-01 : f32
    %div3A_339 = vector.broadcast %div3A_338 : f32 to vector<256x1536xf32>
    %div3A_340 = arith.divf %dot_general3A_337, %div3A_339 : vector<256x1536xf32>
    %iota3A_341 = tpu.iota {dimensions = array<i32: 1>} : vector<1x1536xi32>
    %add3A_342 = arith.constant 6144 : i32
    %add3A_343 = vector.broadcast %add3A_342 : i32 to vector<1x1536xi32>
    %add3A_344 = arith.addi %add3A_343, %iota3A_341 : vector<1x1536xi32>
    %lt3A_345 = arith.constant 15300 : i32
    %lt3A_346 = vector.broadcast %lt3A_345 : i32 to vector<1x1536xi32>
    %lt3A_347 = arith.cmpi slt, %add3A_344, %lt3A_346 : vector<1x1536xi32>
    %jit3A_348 = arith.constant -1.000000e+30 : f32
    %broadcast_in_dim3A_349 = vector.shape_cast %lt3A_347 : vector<1x1536xi1> to vector<1x1536xi1>
    %broadcast_in_dim3A_350 = vector.broadcast %broadcast_in_dim3A_349 : vector<1x1536xi1> to vector<256x1536xi1>
    %broadcast_in_dim3A_351 = vector.broadcast %jit3A_348 : f32 to vector<256x1536xf32>
    %select_n3A_352 = arith.select %broadcast_in_dim3A_350, %div3A_340, %broadcast_in_dim3A_351 : vector<256x1536xi1>, vector<256x1536xf32>
    %reduce_max3A_353 = arith.constant dense<0xFF800000> : vector<256xf32>
    %reduce_max3A_354 = vector.multi_reduction <maximumf>, %select_n3A_352, %reduce_max3A_353 [1] : vector<256x1536xf32> to vector<256xf32>
    %broadcast_in_dim3A_355 = vector.shape_cast %reduce_max3A_354 : vector<256xf32> to vector<256x1xf32>
    %max3A_356 = arith.maximumf %max3A_283, %broadcast_in_dim3A_355 : vector<256x1xf32>
    %jit3A_357 = arith.constant 150 : i32
    %div3A_358 = vector.broadcast %jit3A_357 : i32 to vector<1x1536xi32>
    %div3A_359 = arith.divsi %add3A_344, %div3A_358 : vector<1x1536xi32>
    %sign3A_360 = arith.constant 0 : i32
    %sign3A_361 = vector.broadcast %sign3A_360 : i32 to vector<1x1536xi32>
    %sign3A_362 = arith.cmpi sgt, %add3A_344, %sign3A_361 : vector<1x1536xi32>
    %sign3A_363 = arith.extui %sign3A_362 : vector<1x1536xi1> to vector<1x1536xi32>
    %sign3A_364 = arith.constant 0 : i32
    %sign3A_365 = vector.broadcast %sign3A_364 : i32 to vector<1x1536xi32>
    %sign3A_366 = arith.cmpi slt, %add3A_344, %sign3A_365 : vector<1x1536xi32>
    %sign3A_367 = arith.extui %sign3A_366 : vector<1x1536xi1> to vector<1x1536xi32>
    %sign3A_368 = arith.subi %sign3A_363, %sign3A_367 : vector<1x1536xi32>
    %sign3A_369 = arith.constant 0 : i32
    %sign3A_370 = arith.cmpi sgt, %jit3A_357, %sign3A_369 : i32
    %sign3A_371 = arith.extui %sign3A_370 : i1 to i32
    %sign3A_372 = arith.constant 0 : i32
    %sign3A_373 = arith.cmpi slt, %jit3A_357, %sign3A_372 : i32
    %sign3A_374 = arith.extui %sign3A_373 : i1 to i32
    %sign3A_375 = arith.subi %sign3A_371, %sign3A_374 : i32
    %ne3A_376 = vector.broadcast %sign3A_375 : i32 to vector<1x1536xi32>
    %ne3A_377 = arith.cmpi ne, %sign3A_368, %ne3A_376 : vector<1x1536xi32>
    %rem3A_378 = vector.broadcast %jit3A_357 : i32 to vector<1x1536xi32>
    %rem3A_379 = arith.remsi %add3A_344, %rem3A_378 : vector<1x1536xi32>
    %ne3A_380 = arith.constant 0 : i32
    %ne3A_381 = vector.broadcast %ne3A_380 : i32 to vector<1x1536xi32>
    %ne3A_382 = arith.cmpi ne, %rem3A_379, %ne3A_381 : vector<1x1536xi32>
    %and3A_383 = arith.andi %ne3A_377, %ne3A_382 : vector<1x1536xi1>
    %sub3A_384 = arith.constant 1 : i32
    %sub3A_385 = vector.broadcast %sub3A_384 : i32 to vector<1x1536xi32>
    %sub3A_386 = arith.subi %div3A_359, %sub3A_385 : vector<1x1536xi32>
    %select_n3A_387 = arith.select %and3A_383, %sub3A_386, %div3A_359 : vector<1x1536xi1>, vector<1x1536xi32>
    %ne3A_388 = vector.broadcast %select_n3A_387 : vector<1x1536xi32> to vector<256x1536xi32>
    %ne3A_389 = vector.broadcast %get3A_5 : vector<256x1xi32> to vector<256x1536xi32>
    %ne3A_390 = arith.cmpi ne, %ne3A_388, %ne3A_389 : vector<256x1536xi32>
    %and3A_391 = vector.broadcast %lt3A_347 : vector<1x1536xi1> to vector<256x1536xi1>
    %and3A_392 = arith.andi %and3A_391, %ne3A_390 : vector<256x1536xi1>
    %convert_element_type3A_393 = arith.extui %and3A_392 : vector<256x1536xi1> to vector<256x1536xi32>
    %convert_element_type3A_394 = arith.sitofp %convert_element_type3A_393 : vector<256x1536xi32> to vector<256x1536xf32>
    %sub3A_395 = vector.broadcast %max3A_356 : vector<256x1xf32> to vector<256x1536xf32>
    %sub3A_396 = arith.subf %select_n3A_352, %sub3A_395 : vector<256x1536xf32>
    %exp3A_397 = math.exp %sub3A_396 : vector<256x1536xf32>
    %mul3A_398 = arith.mulf %exp3A_397, %convert_element_type3A_394 : vector<256x1536xf32>
    %sub3A_399 = arith.subf %max3A_283, %max3A_356 : vector<256x1xf32>
    %exp3A_400 = math.exp %sub3A_399 : vector<256x1xf32>
    %mul3A_401 = arith.mulf %add3A_332, %exp3A_400 : vector<256x1xf32>
    %reduce_sum3A_402 = arith.constant dense<0.000000e+00> : vector<256xf32>
    %reduce_sum3A_403 = vector.multi_reduction <add>, %mul3A_398, %reduce_sum3A_402 [1] : vector<256x1536xf32> to vector<256xf32>
    %broadcast_in_dim3A_404 = vector.shape_cast %reduce_sum3A_403 : vector<256xf32> to vector<256x1xf32>
    %add3A_405 = arith.addf %mul3A_401, %broadcast_in_dim3A_404 : vector<256x1xf32>
    %get3A_406 = arith.constant 7680 : index
    %get3A_407 = arith.constant 0 : index
    %get3A_408 = vector.load %arg4[%get3A_406, %get3A_407] : memref<15360x128xf32, #tpu.memory_space<vmem>>, vector<1536x128xf32>
    %dot_general3A_409 = arith.constant dense<0.000000e+00> : vector<256x1536xf32>
    %dot_general3A_410 = tpu.matmul %get3A_2, %get3A_408, %dot_general3A_409 {dimension_numbers = #tpu.dot_dimension_numbers<[1], [1], [0], [0], [0, 0, 1, 0], [], []>, transpose_lhs_hint = false} : vector<256x128xf32>, vector<1536x128xf32>, vector<256x1536xf32> -> vector<256x1536xf32>
    %div3A_411 = arith.constant 1.000000e-01 : f32
    %div3A_412 = vector.broadcast %div3A_411 : f32 to vector<256x1536xf32>
    %div3A_413 = arith.divf %dot_general3A_410, %div3A_412 : vector<256x1536xf32>
    %iota3A_414 = tpu.iota {dimensions = array<i32: 1>} : vector<1x1536xi32>
    %add3A_415 = arith.constant 7680 : i32
    %add3A_416 = vector.broadcast %add3A_415 : i32 to vector<1x1536xi32>
    %add3A_417 = arith.addi %add3A_416, %iota3A_414 : vector<1x1536xi32>
    %lt3A_418 = arith.constant 15300 : i32
    %lt3A_419 = vector.broadcast %lt3A_418 : i32 to vector<1x1536xi32>
    %lt3A_420 = arith.cmpi slt, %add3A_417, %lt3A_419 : vector<1x1536xi32>
    %jit3A_421 = arith.constant -1.000000e+30 : f32
    %broadcast_in_dim3A_422 = vector.shape_cast %lt3A_420 : vector<1x1536xi1> to vector<1x1536xi1>
    %broadcast_in_dim3A_423 = vector.broadcast %broadcast_in_dim3A_422 : vector<1x1536xi1> to vector<256x1536xi1>
    %broadcast_in_dim3A_424 = vector.broadcast %jit3A_421 : f32 to vector<256x1536xf32>
    %select_n3A_425 = arith.select %broadcast_in_dim3A_423, %div3A_413, %broadcast_in_dim3A_424 : vector<256x1536xi1>, vector<256x1536xf32>
    %reduce_max3A_426 = arith.constant dense<0xFF800000> : vector<256xf32>
    %reduce_max3A_427 = vector.multi_reduction <maximumf>, %select_n3A_425, %reduce_max3A_426 [1] : vector<256x1536xf32> to vector<256xf32>
    %broadcast_in_dim3A_428 = vector.shape_cast %reduce_max3A_427 : vector<256xf32> to vector<256x1xf32>
    %max3A_429 = arith.maximumf %max3A_356, %broadcast_in_dim3A_428 : vector<256x1xf32>
    %jit3A_430 = arith.constant 150 : i32
    %div3A_431 = vector.broadcast %jit3A_430 : i32 to vector<1x1536xi32>
    %div3A_432 = arith.divsi %add3A_417, %div3A_431 : vector<1x1536xi32>
    %sign3A_433 = arith.constant 0 : i32
    %sign3A_434 = vector.broadcast %sign3A_433 : i32 to vector<1x1536xi32>
    %sign3A_435 = arith.cmpi sgt, %add3A_417, %sign3A_434 : vector<1x1536xi32>
    %sign3A_436 = arith.extui %sign3A_435 : vector<1x1536xi1> to vector<1x1536xi32>
    %sign3A_437 = arith.constant 0 : i32
    %sign3A_438 = vector.broadcast %sign3A_437 : i32 to vector<1x1536xi32>
    %sign3A_439 = arith.cmpi slt, %add3A_417, %sign3A_438 : vector<1x1536xi32>
    %sign3A_440 = arith.extui %sign3A_439 : vector<1x1536xi1> to vector<1x1536xi32>
    %sign3A_441 = arith.subi %sign3A_436, %sign3A_440 : vector<1x1536xi32>
    %sign3A_442 = arith.constant 0 : i32
    %sign3A_443 = arith.cmpi sgt, %jit3A_430, %sign3A_442 : i32
    %sign3A_444 = arith.extui %sign3A_443 : i1 to i32
    %sign3A_445 = arith.constant 0 : i32
    %sign3A_446 = arith.cmpi slt, %jit3A_430, %sign3A_445 : i32
    %sign3A_447 = arith.extui %sign3A_446 : i1 to i32
    %sign3A_448 = arith.subi %sign3A_444, %sign3A_447 : i32
    %ne3A_449 = vector.broadcast %sign3A_448 : i32 to vector<1x1536xi32>
    %ne3A_450 = arith.cmpi ne, %sign3A_441, %ne3A_449 : vector<1x1536xi32>
    %rem3A_451 = vector.broadcast %jit3A_430 : i32 to vector<1x1536xi32>
    %rem3A_452 = arith.remsi %add3A_417, %rem3A_451 : vector<1x1536xi32>
    %ne3A_453 = arith.constant 0 : i32
    %ne3A_454 = vector.broadcast %ne3A_453 : i32 to vector<1x1536xi32>
    %ne3A_455 = arith.cmpi ne, %rem3A_452, %ne3A_454 : vector<1x1536xi32>
    %and3A_456 = arith.andi %ne3A_450, %ne3A_455 : vector<1x1536xi1>
    %sub3A_457 = arith.constant 1 : i32
    %sub3A_458 = vector.broadcast %sub3A_457 : i32 to vector<1x1536xi32>
    %sub3A_459 = arith.subi %div3A_432, %sub3A_458 : vector<1x1536xi32>
    %select_n3A_460 = arith.select %and3A_456, %sub3A_459, %div3A_432 : vector<1x1536xi1>, vector<1x1536xi32>
    %ne3A_461 = vector.broadcast %select_n3A_460 : vector<1x1536xi32> to vector<256x1536xi32>
    %ne3A_462 = vector.broadcast %get3A_5 : vector<256x1xi32> to vector<256x1536xi32>
    %ne3A_463 = arith.cmpi ne, %ne3A_461, %ne3A_462 : vector<256x1536xi32>
    %and3A_464 = vector.broadcast %lt3A_420 : vector<1x1536xi1> to vector<256x1536xi1>
    %and3A_465 = arith.andi %and3A_464, %ne3A_463 : vector<256x1536xi1>
    %convert_element_type3A_466 = arith.extui %and3A_465 : vector<256x1536xi1> to vector<256x1536xi32>
    %convert_element_type3A_467 = arith.sitofp %convert_element_type3A_466 : vector<256x1536xi32> to vector<256x1536xf32>
    %sub3A_468 = vector.broadcast %max3A_429 : vector<256x1xf32> to vector<256x1536xf32>
    %sub3A_469 = arith.subf %select_n3A_425, %sub3A_468 : vector<256x1536xf32>
    %exp3A_470 = math.exp %sub3A_469 : vector<256x1536xf32>
    %mul3A_471 = arith.mulf %exp3A_470, %convert_element_type3A_467 : vector<256x1536xf32>
    %sub3A_472 = arith.subf %max3A_356, %max3A_429 : vector<256x1xf32>
    %exp3A_473 = math.exp %sub3A_472 : vector<256x1xf32>
    %mul3A_474 = arith.mulf %add3A_405, %exp3A_473 : vector<256x1xf32>
    %reduce_sum3A_475 = arith.constant dense<0.000000e+00> : vector<256xf32>
    %reduce_sum3A_476 = vector.multi_reduction <add>, %mul3A_471, %reduce_sum3A_475 [1] : vector<256x1536xf32> to vector<256xf32>
    %broadcast_in_dim3A_477 = vector.shape_cast %reduce_sum3A_476 : vector<256xf32> to vector<256x1xf32>
    %add3A_478 = arith.addf %mul3A_474, %broadcast_in_dim3A_477 : vector<256x1xf32>
    %get3A_479 = arith.constant 9216 : index
    %get3A_480 = arith.constant 0 : index
    %get3A_481 = vector.load %arg4[%get3A_479, %get3A_480] : memref<15360x128xf32, #tpu.memory_space<vmem>>, vector<1536x128xf32>
    %dot_general3A_482 = arith.constant dense<0.000000e+00> : vector<256x1536xf32>
    %dot_general3A_483 = tpu.matmul %get3A_2, %get3A_481, %dot_general3A_482 {dimension_numbers = #tpu.dot_dimension_numbers<[1], [1], [0], [0], [0, 0, 1, 0], [], []>, transpose_lhs_hint = false} : vector<256x128xf32>, vector<1536x128xf32>, vector<256x1536xf32> -> vector<256x1536xf32>
    %div3A_484 = arith.constant 1.000000e-01 : f32
    %div3A_485 = vector.broadcast %div3A_484 : f32 to vector<256x1536xf32>
    %div3A_486 = arith.divf %dot_general3A_483, %div3A_485 : vector<256x1536xf32>
    %iota3A_487 = tpu.iota {dimensions = array<i32: 1>} : vector<1x1536xi32>
    %add3A_488 = arith.constant 9216 : i32
    %add3A_489 = vector.broadcast %add3A_488 : i32 to vector<1x1536xi32>
    %add3A_490 = arith.addi %add3A_489, %iota3A_487 : vector<1x1536xi32>
    %lt3A_491 = arith.constant 15300 : i32
    %lt3A_492 = vector.broadcast %lt3A_491 : i32 to vector<1x1536xi32>
    %lt3A_493 = arith.cmpi slt, %add3A_490, %lt3A_492 : vector<1x1536xi32>
    %jit3A_494 = arith.constant -1.000000e+30 : f32
    %broadcast_in_dim3A_495 = vector.shape_cast %lt3A_493 : vector<1x1536xi1> to vector<1x1536xi1>
    %broadcast_in_dim3A_496 = vector.broadcast %broadcast_in_dim3A_495 : vector<1x1536xi1> to vector<256x1536xi1>
    %broadcast_in_dim3A_497 = vector.broadcast %jit3A_494 : f32 to vector<256x1536xf32>
    %select_n3A_498 = arith.select %broadcast_in_dim3A_496, %div3A_486, %broadcast_in_dim3A_497 : vector<256x1536xi1>, vector<256x1536xf32>
    %reduce_max3A_499 = arith.constant dense<0xFF800000> : vector<256xf32>
    %reduce_max3A_500 = vector.multi_reduction <maximumf>, %select_n3A_498, %reduce_max3A_499 [1] : vector<256x1536xf32> to vector<256xf32>
    %broadcast_in_dim3A_501 = vector.shape_cast %reduce_max3A_500 : vector<256xf32> to vector<256x1xf32>
    %max3A_502 = arith.maximumf %max3A_429, %broadcast_in_dim3A_501 : vector<256x1xf32>
    %jit3A_503 = arith.constant 150 : i32
    %div3A_504 = vector.broadcast %jit3A_503 : i32 to vector<1x1536xi32>
    %div3A_505 = arith.divsi %add3A_490, %div3A_504 : vector<1x1536xi32>
    %sign3A_506 = arith.constant 0 : i32
    %sign3A_507 = vector.broadcast %sign3A_506 : i32 to vector<1x1536xi32>
    %sign3A_508 = arith.cmpi sgt, %add3A_490, %sign3A_507 : vector<1x1536xi32>
    %sign3A_509 = arith.extui %sign3A_508 : vector<1x1536xi1> to vector<1x1536xi32>
    %sign3A_510 = arith.constant 0 : i32
    %sign3A_511 = vector.broadcast %sign3A_510 : i32 to vector<1x1536xi32>
    %sign3A_512 = arith.cmpi slt, %add3A_490, %sign3A_511 : vector<1x1536xi32>
    %sign3A_513 = arith.extui %sign3A_512 : vector<1x1536xi1> to vector<1x1536xi32>
    %sign3A_514 = arith.subi %sign3A_509, %sign3A_513 : vector<1x1536xi32>
    %sign3A_515 = arith.constant 0 : i32
    %sign3A_516 = arith.cmpi sgt, %jit3A_503, %sign3A_515 : i32
    %sign3A_517 = arith.extui %sign3A_516 : i1 to i32
    %sign3A_518 = arith.constant 0 : i32
    %sign3A_519 = arith.cmpi slt, %jit3A_503, %sign3A_518 : i32
    %sign3A_520 = arith.extui %sign3A_519 : i1 to i32
    %sign3A_521 = arith.subi %sign3A_517, %sign3A_520 : i32
    %ne3A_522 = vector.broadcast %sign3A_521 : i32 to vector<1x1536xi32>
    %ne3A_523 = arith.cmpi ne, %sign3A_514, %ne3A_522 : vector<1x1536xi32>
    %rem3A_524 = vector.broadcast %jit3A_503 : i32 to vector<1x1536xi32>
    %rem3A_525 = arith.remsi %add3A_490, %rem3A_524 : vector<1x1536xi32>
    %ne3A_526 = arith.constant 0 : i32
    %ne3A_527 = vector.broadcast %ne3A_526 : i32 to vector<1x1536xi32>
    %ne3A_528 = arith.cmpi ne, %rem3A_525, %ne3A_527 : vector<1x1536xi32>
    %and3A_529 = arith.andi %ne3A_523, %ne3A_528 : vector<1x1536xi1>
    %sub3A_530 = arith.constant 1 : i32
    %sub3A_531 = vector.broadcast %sub3A_530 : i32 to vector<1x1536xi32>
    %sub3A_532 = arith.subi %div3A_505, %sub3A_531 : vector<1x1536xi32>
    %select_n3A_533 = arith.select %and3A_529, %sub3A_532, %div3A_505 : vector<1x1536xi1>, vector<1x1536xi32>
    %ne3A_534 = vector.broadcast %select_n3A_533 : vector<1x1536xi32> to vector<256x1536xi32>
    %ne3A_535 = vector.broadcast %get3A_5 : vector<256x1xi32> to vector<256x1536xi32>
    %ne3A_536 = arith.cmpi ne, %ne3A_534, %ne3A_535 : vector<256x1536xi32>
    %and3A_537 = vector.broadcast %lt3A_493 : vector<1x1536xi1> to vector<256x1536xi1>
    %and3A_538 = arith.andi %and3A_537, %ne3A_536 : vector<256x1536xi1>
    %convert_element_type3A_539 = arith.extui %and3A_538 : vector<256x1536xi1> to vector<256x1536xi32>
    %convert_element_type3A_540 = arith.sitofp %convert_element_type3A_539 : vector<256x1536xi32> to vector<256x1536xf32>
    %sub3A_541 = vector.broadcast %max3A_502 : vector<256x1xf32> to vector<256x1536xf32>
    %sub3A_542 = arith.subf %select_n3A_498, %sub3A_541 : vector<256x1536xf32>
    %exp3A_543 = math.exp %sub3A_542 : vector<256x1536xf32>
    %mul3A_544 = arith.mulf %exp3A_543, %convert_element_type3A_540 : vector<256x1536xf32>
    %sub3A_545 = arith.subf %max3A_429, %max3A_502 : vector<256x1xf32>
    %exp3A_546 = math.exp %sub3A_545 : vector<256x1xf32>
    %mul3A_547 = arith.mulf %add3A_478, %exp3A_546 : vector<256x1xf32>
    %reduce_sum3A_548 = arith.constant dense<0.000000e+00> : vector<256xf32>
    %reduce_sum3A_549 = vector.multi_reduction <add>, %mul3A_544, %reduce_sum3A_548 [1] : vector<256x1536xf32> to vector<256xf32>
    %broadcast_in_dim3A_550 = vector.shape_cast %reduce_sum3A_549 : vector<256xf32> to vector<256x1xf32>
    %add3A_551 = arith.addf %mul3A_547, %broadcast_in_dim3A_550 : vector<256x1xf32>
    %get3A_552 = arith.constant 10752 : index
    %get3A_553 = arith.constant 0 : index
    %get3A_554 = vector.load %arg4[%get3A_552, %get3A_553] : memref<15360x128xf32, #tpu.memory_space<vmem>>, vector<1536x128xf32>
    %dot_general3A_555 = arith.constant dense<0.000000e+00> : vector<256x1536xf32>
    %dot_general3A_556 = tpu.matmul %get3A_2, %get3A_554, %dot_general3A_555 {dimension_numbers = #tpu.dot_dimension_numbers<[1], [1], [0], [0], [0, 0, 1, 0], [], []>, transpose_lhs_hint = false} : vector<256x128xf32>, vector<1536x128xf32>, vector<256x1536xf32> -> vector<256x1536xf32>
    %div3A_557 = arith.constant 1.000000e-01 : f32
    %div3A_558 = vector.broadcast %div3A_557 : f32 to vector<256x1536xf32>
    %div3A_559 = arith.divf %dot_general3A_556, %div3A_558 : vector<256x1536xf32>
    %iota3A_560 = tpu.iota {dimensions = array<i32: 1>} : vector<1x1536xi32>
    %add3A_561 = arith.constant 10752 : i32
    %add3A_562 = vector.broadcast %add3A_561 : i32 to vector<1x1536xi32>
    %add3A_563 = arith.addi %add3A_562, %iota3A_560 : vector<1x1536xi32>
    %lt3A_564 = arith.constant 15300 : i32
    %lt3A_565 = vector.broadcast %lt3A_564 : i32 to vector<1x1536xi32>
    %lt3A_566 = arith.cmpi slt, %add3A_563, %lt3A_565 : vector<1x1536xi32>
    %jit3A_567 = arith.constant -1.000000e+30 : f32
    %broadcast_in_dim3A_568 = vector.shape_cast %lt3A_566 : vector<1x1536xi1> to vector<1x1536xi1>
    %broadcast_in_dim3A_569 = vector.broadcast %broadcast_in_dim3A_568 : vector<1x1536xi1> to vector<256x1536xi1>
    %broadcast_in_dim3A_570 = vector.broadcast %jit3A_567 : f32 to vector<256x1536xf32>
    %select_n3A_571 = arith.select %broadcast_in_dim3A_569, %div3A_559, %broadcast_in_dim3A_570 : vector<256x1536xi1>, vector<256x1536xf32>
    %reduce_max3A_572 = arith.constant dense<0xFF800000> : vector<256xf32>
    %reduce_max3A_573 = vector.multi_reduction <maximumf>, %select_n3A_571, %reduce_max3A_572 [1] : vector<256x1536xf32> to vector<256xf32>
    %broadcast_in_dim3A_574 = vector.shape_cast %reduce_max3A_573 : vector<256xf32> to vector<256x1xf32>
    %max3A_575 = arith.maximumf %max3A_502, %broadcast_in_dim3A_574 : vector<256x1xf32>
    %jit3A_576 = arith.constant 150 : i32
    %div3A_577 = vector.broadcast %jit3A_576 : i32 to vector<1x1536xi32>
    %div3A_578 = arith.divsi %add3A_563, %div3A_577 : vector<1x1536xi32>
    %sign3A_579 = arith.constant 0 : i32
    %sign3A_580 = vector.broadcast %sign3A_579 : i32 to vector<1x1536xi32>
    %sign3A_581 = arith.cmpi sgt, %add3A_563, %sign3A_580 : vector<1x1536xi32>
    %sign3A_582 = arith.extui %sign3A_581 : vector<1x1536xi1> to vector<1x1536xi32>
    %sign3A_583 = arith.constant 0 : i32
    %sign3A_584 = vector.broadcast %sign3A_583 : i32 to vector<1x1536xi32>
    %sign3A_585 = arith.cmpi slt, %add3A_563, %sign3A_584 : vector<1x1536xi32>
    %sign3A_586 = arith.extui %sign3A_585 : vector<1x1536xi1> to vector<1x1536xi32>
    %sign3A_587 = arith.subi %sign3A_582, %sign3A_586 : vector<1x1536xi32>
    %sign3A_588 = arith.constant 0 : i32
    %sign3A_589 = arith.cmpi sgt, %jit3A_576, %sign3A_588 : i32
    %sign3A_590 = arith.extui %sign3A_589 : i1 to i32
    %sign3A_591 = arith.constant 0 : i32
    %sign3A_592 = arith.cmpi slt, %jit3A_576, %sign3A_591 : i32
    %sign3A_593 = arith.extui %sign3A_592 : i1 to i32
    %sign3A_594 = arith.subi %sign3A_590, %sign3A_593 : i32
    %ne3A_595 = vector.broadcast %sign3A_594 : i32 to vector<1x1536xi32>
    %ne3A_596 = arith.cmpi ne, %sign3A_587, %ne3A_595 : vector<1x1536xi32>
    %rem3A_597 = vector.broadcast %jit3A_576 : i32 to vector<1x1536xi32>
    %rem3A_598 = arith.remsi %add3A_563, %rem3A_597 : vector<1x1536xi32>
    %ne3A_599 = arith.constant 0 : i32
    %ne3A_600 = vector.broadcast %ne3A_599 : i32 to vector<1x1536xi32>
    %ne3A_601 = arith.cmpi ne, %rem3A_598, %ne3A_600 : vector<1x1536xi32>
    %and3A_602 = arith.andi %ne3A_596, %ne3A_601 : vector<1x1536xi1>
    %sub3A_603 = arith.constant 1 : i32
    %sub3A_604 = vector.broadcast %sub3A_603 : i32 to vector<1x1536xi32>
    %sub3A_605 = arith.subi %div3A_578, %sub3A_604 : vector<1x1536xi32>
    %select_n3A_606 = arith.select %and3A_602, %sub3A_605, %div3A_578 : vector<1x1536xi1>, vector<1x1536xi32>
    %ne3A_607 = vector.broadcast %select_n3A_606 : vector<1x1536xi32> to vector<256x1536xi32>
    %ne3A_608 = vector.broadcast %get3A_5 : vector<256x1xi32> to vector<256x1536xi32>
    %ne3A_609 = arith.cmpi ne, %ne3A_607, %ne3A_608 : vector<256x1536xi32>
    %and3A_610 = vector.broadcast %lt3A_566 : vector<1x1536xi1> to vector<256x1536xi1>
    %and3A_611 = arith.andi %and3A_610, %ne3A_609 : vector<256x1536xi1>
    %convert_element_type3A_612 = arith.extui %and3A_611 : vector<256x1536xi1> to vector<256x1536xi32>
    %convert_element_type3A_613 = arith.sitofp %convert_element_type3A_612 : vector<256x1536xi32> to vector<256x1536xf32>
    %sub3A_614 = vector.broadcast %max3A_575 : vector<256x1xf32> to vector<256x1536xf32>
    %sub3A_615 = arith.subf %select_n3A_571, %sub3A_614 : vector<256x1536xf32>
    %exp3A_616 = math.exp %sub3A_615 : vector<256x1536xf32>
    %mul3A_617 = arith.mulf %exp3A_616, %convert_element_type3A_613 : vector<256x1536xf32>
    %sub3A_618 = arith.subf %max3A_502, %max3A_575 : vector<256x1xf32>
    %exp3A_619 = math.exp %sub3A_618 : vector<256x1xf32>
    %mul3A_620 = arith.mulf %add3A_551, %exp3A_619 : vector<256x1xf32>
    %reduce_sum3A_621 = arith.constant dense<0.000000e+00> : vector<256xf32>
    %reduce_sum3A_622 = vector.multi_reduction <add>, %mul3A_617, %reduce_sum3A_621 [1] : vector<256x1536xf32> to vector<256xf32>
    %broadcast_in_dim3A_623 = vector.shape_cast %reduce_sum3A_622 : vector<256xf32> to vector<256x1xf32>
    %add3A_624 = arith.addf %mul3A_620, %broadcast_in_dim3A_623 : vector<256x1xf32>
    %get3A_625 = arith.constant 12288 : index
    %get3A_626 = arith.constant 0 : index
    %get3A_627 = vector.load %arg4[%get3A_625, %get3A_626] : memref<15360x128xf32, #tpu.memory_space<vmem>>, vector<1536x128xf32>
    %dot_general3A_628 = arith.constant dense<0.000000e+00> : vector<256x1536xf32>
    %dot_general3A_629 = tpu.matmul %get3A_2, %get3A_627, %dot_general3A_628 {dimension_numbers = #tpu.dot_dimension_numbers<[1], [1], [0], [0], [0, 0, 1, 0], [], []>, transpose_lhs_hint = false} : vector<256x128xf32>, vector<1536x128xf32>, vector<256x1536xf32> -> vector<256x1536xf32>
    %div3A_630 = arith.constant 1.000000e-01 : f32
    %div3A_631 = vector.broadcast %div3A_630 : f32 to vector<256x1536xf32>
    %div3A_632 = arith.divf %dot_general3A_629, %div3A_631 : vector<256x1536xf32>
    %iota3A_633 = tpu.iota {dimensions = array<i32: 1>} : vector<1x1536xi32>
    %add3A_634 = arith.constant 12288 : i32
    %add3A_635 = vector.broadcast %add3A_634 : i32 to vector<1x1536xi32>
    %add3A_636 = arith.addi %add3A_635, %iota3A_633 : vector<1x1536xi32>
    %lt3A_637 = arith.constant 15300 : i32
    %lt3A_638 = vector.broadcast %lt3A_637 : i32 to vector<1x1536xi32>
    %lt3A_639 = arith.cmpi slt, %add3A_636, %lt3A_638 : vector<1x1536xi32>
    %jit3A_640 = arith.constant -1.000000e+30 : f32
    %broadcast_in_dim3A_641 = vector.shape_cast %lt3A_639 : vector<1x1536xi1> to vector<1x1536xi1>
    %broadcast_in_dim3A_642 = vector.broadcast %broadcast_in_dim3A_641 : vector<1x1536xi1> to vector<256x1536xi1>
    %broadcast_in_dim3A_643 = vector.broadcast %jit3A_640 : f32 to vector<256x1536xf32>
    %select_n3A_644 = arith.select %broadcast_in_dim3A_642, %div3A_632, %broadcast_in_dim3A_643 : vector<256x1536xi1>, vector<256x1536xf32>
    %reduce_max3A_645 = arith.constant dense<0xFF800000> : vector<256xf32>
    %reduce_max3A_646 = vector.multi_reduction <maximumf>, %select_n3A_644, %reduce_max3A_645 [1] : vector<256x1536xf32> to vector<256xf32>
    %broadcast_in_dim3A_647 = vector.shape_cast %reduce_max3A_646 : vector<256xf32> to vector<256x1xf32>
    %max3A_648 = arith.maximumf %max3A_575, %broadcast_in_dim3A_647 : vector<256x1xf32>
    %jit3A_649 = arith.constant 150 : i32
    %div3A_650 = vector.broadcast %jit3A_649 : i32 to vector<1x1536xi32>
    %div3A_651 = arith.divsi %add3A_636, %div3A_650 : vector<1x1536xi32>
    %sign3A_652 = arith.constant 0 : i32
    %sign3A_653 = vector.broadcast %sign3A_652 : i32 to vector<1x1536xi32>
    %sign3A_654 = arith.cmpi sgt, %add3A_636, %sign3A_653 : vector<1x1536xi32>
    %sign3A_655 = arith.extui %sign3A_654 : vector<1x1536xi1> to vector<1x1536xi32>
    %sign3A_656 = arith.constant 0 : i32
    %sign3A_657 = vector.broadcast %sign3A_656 : i32 to vector<1x1536xi32>
    %sign3A_658 = arith.cmpi slt, %add3A_636, %sign3A_657 : vector<1x1536xi32>
    %sign3A_659 = arith.extui %sign3A_658 : vector<1x1536xi1> to vector<1x1536xi32>
    %sign3A_660 = arith.subi %sign3A_655, %sign3A_659 : vector<1x1536xi32>
    %sign3A_661 = arith.constant 0 : i32
    %sign3A_662 = arith.cmpi sgt, %jit3A_649, %sign3A_661 : i32
    %sign3A_663 = arith.extui %sign3A_662 : i1 to i32
    %sign3A_664 = arith.constant 0 : i32
    %sign3A_665 = arith.cmpi slt, %jit3A_649, %sign3A_664 : i32
    %sign3A_666 = arith.extui %sign3A_665 : i1 to i32
    %sign3A_667 = arith.subi %sign3A_663, %sign3A_666 : i32
    %ne3A_668 = vector.broadcast %sign3A_667 : i32 to vector<1x1536xi32>
    %ne3A_669 = arith.cmpi ne, %sign3A_660, %ne3A_668 : vector<1x1536xi32>
    %rem3A_670 = vector.broadcast %jit3A_649 : i32 to vector<1x1536xi32>
    %rem3A_671 = arith.remsi %add3A_636, %rem3A_670 : vector<1x1536xi32>
    %ne3A_672 = arith.constant 0 : i32
    %ne3A_673 = vector.broadcast %ne3A_672 : i32 to vector<1x1536xi32>
    %ne3A_674 = arith.cmpi ne, %rem3A_671, %ne3A_673 : vector<1x1536xi32>
    %and3A_675 = arith.andi %ne3A_669, %ne3A_674 : vector<1x1536xi1>
    %sub3A_676 = arith.constant 1 : i32
    %sub3A_677 = vector.broadcast %sub3A_676 : i32 to vector<1x1536xi32>
    %sub3A_678 = arith.subi %div3A_651, %sub3A_677 : vector<1x1536xi32>
    %select_n3A_679 = arith.select %and3A_675, %sub3A_678, %div3A_651 : vector<1x1536xi1>, vector<1x1536xi32>
    %ne3A_680 = vector.broadcast %select_n3A_679 : vector<1x1536xi32> to vector<256x1536xi32>
    %ne3A_681 = vector.broadcast %get3A_5 : vector<256x1xi32> to vector<256x1536xi32>
    %ne3A_682 = arith.cmpi ne, %ne3A_680, %ne3A_681 : vector<256x1536xi32>
    %and3A_683 = vector.broadcast %lt3A_639 : vector<1x1536xi1> to vector<256x1536xi1>
    %and3A_684 = arith.andi %and3A_683, %ne3A_682 : vector<256x1536xi1>
    %convert_element_type3A_685 = arith.extui %and3A_684 : vector<256x1536xi1> to vector<256x1536xi32>
    %convert_element_type3A_686 = arith.sitofp %convert_element_type3A_685 : vector<256x1536xi32> to vector<256x1536xf32>
    %sub3A_687 = vector.broadcast %max3A_648 : vector<256x1xf32> to vector<256x1536xf32>
    %sub3A_688 = arith.subf %select_n3A_644, %sub3A_687 : vector<256x1536xf32>
    %exp3A_689 = math.exp %sub3A_688 : vector<256x1536xf32>
    %mul3A_690 = arith.mulf %exp3A_689, %convert_element_type3A_686 : vector<256x1536xf32>
    %sub3A_691 = arith.subf %max3A_575, %max3A_648 : vector<256x1xf32>
    %exp3A_692 = math.exp %sub3A_691 : vector<256x1xf32>
    %mul3A_693 = arith.mulf %add3A_624, %exp3A_692 : vector<256x1xf32>
    %reduce_sum3A_694 = arith.constant dense<0.000000e+00> : vector<256xf32>
    %reduce_sum3A_695 = vector.multi_reduction <add>, %mul3A_690, %reduce_sum3A_694 [1] : vector<256x1536xf32> to vector<256xf32>
    %broadcast_in_dim3A_696 = vector.shape_cast %reduce_sum3A_695 : vector<256xf32> to vector<256x1xf32>
    %add3A_697 = arith.addf %mul3A_693, %broadcast_in_dim3A_696 : vector<256x1xf32>
    %get3A_698 = arith.constant 13824 : index
    %get3A_699 = arith.constant 0 : index
    %get3A_700 = vector.load %arg4[%get3A_698, %get3A_699] : memref<15360x128xf32, #tpu.memory_space<vmem>>, vector<1536x128xf32>
    %dot_general3A_701 = arith.constant dense<0.000000e+00> : vector<256x1536xf32>
    %dot_general3A_702 = tpu.matmul %get3A_2, %get3A_700, %dot_general3A_701 {dimension_numbers = #tpu.dot_dimension_numbers<[1], [1], [0], [0], [0, 0, 1, 0], [], []>, transpose_lhs_hint = false} : vector<256x128xf32>, vector<1536x128xf32>, vector<256x1536xf32> -> vector<256x1536xf32>
    %div3A_703 = arith.constant 1.000000e-01 : f32
    %div3A_704 = vector.broadcast %div3A_703 : f32 to vector<256x1536xf32>
    %div3A_705 = arith.divf %dot_general3A_702, %div3A_704 : vector<256x1536xf32>
    %iota3A_706 = tpu.iota {dimensions = array<i32: 1>} : vector<1x1536xi32>
    %add3A_707 = arith.constant 13824 : i32
    %add3A_708 = vector.broadcast %add3A_707 : i32 to vector<1x1536xi32>
    %add3A_709 = arith.addi %add3A_708, %iota3A_706 : vector<1x1536xi32>
    %lt3A_710 = arith.constant 15300 : i32
    %lt3A_711 = vector.broadcast %lt3A_710 : i32 to vector<1x1536xi32>
    %lt3A_712 = arith.cmpi slt, %add3A_709, %lt3A_711 : vector<1x1536xi32>
    %jit3A_713 = arith.constant -1.000000e+30 : f32
    %broadcast_in_dim3A_714 = vector.shape_cast %lt3A_712 : vector<1x1536xi1> to vector<1x1536xi1>
    %broadcast_in_dim3A_715 = vector.broadcast %broadcast_in_dim3A_714 : vector<1x1536xi1> to vector<256x1536xi1>
    %broadcast_in_dim3A_716 = vector.broadcast %jit3A_713 : f32 to vector<256x1536xf32>
    %select_n3A_717 = arith.select %broadcast_in_dim3A_715, %div3A_705, %broadcast_in_dim3A_716 : vector<256x1536xi1>, vector<256x1536xf32>
    %reduce_max3A_718 = arith.constant dense<0xFF800000> : vector<256xf32>
    %reduce_max3A_719 = vector.multi_reduction <maximumf>, %select_n3A_717, %reduce_max3A_718 [1] : vector<256x1536xf32> to vector<256xf32>
    %broadcast_in_dim3A_720 = vector.shape_cast %reduce_max3A_719 : vector<256xf32> to vector<256x1xf32>
    %max3A_721 = arith.maximumf %max3A_648, %broadcast_in_dim3A_720 : vector<256x1xf32>
    %jit3A_722 = arith.constant 150 : i32
    %div3A_723 = vector.broadcast %jit3A_722 : i32 to vector<1x1536xi32>
    %div3A_724 = arith.divsi %add3A_709, %div3A_723 : vector<1x1536xi32>
    %sign3A_725 = arith.constant 0 : i32
    %sign3A_726 = vector.broadcast %sign3A_725 : i32 to vector<1x1536xi32>
    %sign3A_727 = arith.cmpi sgt, %add3A_709, %sign3A_726 : vector<1x1536xi32>
    %sign3A_728 = arith.extui %sign3A_727 : vector<1x1536xi1> to vector<1x1536xi32>
    %sign3A_729 = arith.constant 0 : i32
    %sign3A_730 = vector.broadcast %sign3A_729 : i32 to vector<1x1536xi32>
    %sign3A_731 = arith.cmpi slt, %add3A_709, %sign3A_730 : vector<1x1536xi32>
    %sign3A_732 = arith.extui %sign3A_731 : vector<1x1536xi1> to vector<1x1536xi32>
    %sign3A_733 = arith.subi %sign3A_728, %sign3A_732 : vector<1x1536xi32>
    %sign3A_734 = arith.constant 0 : i32
    %sign3A_735 = arith.cmpi sgt, %jit3A_722, %sign3A_734 : i32
    %sign3A_736 = arith.extui %sign3A_735 : i1 to i32
    %sign3A_737 = arith.constant 0 : i32
    %sign3A_738 = arith.cmpi slt, %jit3A_722, %sign3A_737 : i32
    %sign3A_739 = arith.extui %sign3A_738 : i1 to i32
    %sign3A_740 = arith.subi %sign3A_736, %sign3A_739 : i32
    %ne3A_741 = vector.broadcast %sign3A_740 : i32 to vector<1x1536xi32>
    %ne3A_742 = arith.cmpi ne, %sign3A_733, %ne3A_741 : vector<1x1536xi32>
    %rem3A_743 = vector.broadcast %jit3A_722 : i32 to vector<1x1536xi32>
    %rem3A_744 = arith.remsi %add3A_709, %rem3A_743 : vector<1x1536xi32>
    %ne3A_745 = arith.constant 0 : i32
    %ne3A_746 = vector.broadcast %ne3A_745 : i32 to vector<1x1536xi32>
    %ne3A_747 = arith.cmpi ne, %rem3A_744, %ne3A_746 : vector<1x1536xi32>
    %and3A_748 = arith.andi %ne3A_742, %ne3A_747 : vector<1x1536xi1>
    %sub3A_749 = arith.constant 1 : i32
    %sub3A_750 = vector.broadcast %sub3A_749 : i32 to vector<1x1536xi32>
    %sub3A_751 = arith.subi %div3A_724, %sub3A_750 : vector<1x1536xi32>
    %select_n3A_752 = arith.select %and3A_748, %sub3A_751, %div3A_724 : vector<1x1536xi1>, vector<1x1536xi32>
    %ne3A_753 = vector.broadcast %select_n3A_752 : vector<1x1536xi32> to vector<256x1536xi32>
    %ne3A_754 = vector.broadcast %get3A_5 : vector<256x1xi32> to vector<256x1536xi32>
    %ne3A_755 = arith.cmpi ne, %ne3A_753, %ne3A_754 : vector<256x1536xi32>
    %and3A_756 = vector.broadcast %lt3A_712 : vector<1x1536xi1> to vector<256x1536xi1>
    %and3A_757 = arith.andi %and3A_756, %ne3A_755 : vector<256x1536xi1>
    %convert_element_type3A_758 = arith.extui %and3A_757 : vector<256x1536xi1> to vector<256x1536xi32>
    %convert_element_type3A_759 = arith.sitofp %convert_element_type3A_758 : vector<256x1536xi32> to vector<256x1536xf32>
    %sub3A_760 = vector.broadcast %max3A_721 : vector<256x1xf32> to vector<256x1536xf32>
    %sub3A_761 = arith.subf %select_n3A_717, %sub3A_760 : vector<256x1536xf32>
    %exp3A_762 = math.exp %sub3A_761 : vector<256x1536xf32>
    %mul3A_763 = arith.mulf %exp3A_762, %convert_element_type3A_759 : vector<256x1536xf32>
    %sub3A_764 = arith.subf %max3A_648, %max3A_721 : vector<256x1xf32>
    %exp3A_765 = math.exp %sub3A_764 : vector<256x1xf32>
    %mul3A_766 = arith.mulf %add3A_697, %exp3A_765 : vector<256x1xf32>
    %reduce_sum3A_767 = arith.constant dense<0.000000e+00> : vector<256xf32>
    %reduce_sum3A_768 = vector.multi_reduction <add>, %mul3A_763, %reduce_sum3A_767 [1] : vector<256x1536xf32> to vector<256xf32>
    %broadcast_in_dim3A_769 = vector.shape_cast %reduce_sum3A_768 : vector<256xf32> to vector<256x1xf32>
    %add3A_770 = arith.addf %mul3A_766, %broadcast_in_dim3A_769 : vector<256x1xf32>
    %add3A_771 = vector.broadcast %add3A_770 : vector<256x1xf32> to vector<256x2048xf32>
    %add3A_772 = arith.addf %exp3A, %add3A_771 : vector<256x2048xf32>
    %add3A_773 = vector.broadcast %broadcast_in_dim3A_41 : vector<256x1xf32> to vector<256x2048xf32>
    %add3A_774 = arith.addf %add3A_772, %add3A_773 : vector<256x2048xf32>
    %log3A = math.log %add3A_774 : vector<256x2048xf32>
    %sub3A_775 = arith.subf %sub3A_29, %log3A : vector<256x2048xf32>
    %eq3A_776 = vector.broadcast %iota3A_19 : vector<1x2048xi32> to vector<256x2048xi32>
    %eq3A_777 = vector.broadcast %add3A_9 : vector<256x1xi32> to vector<256x2048xi32>
    %eq3A_778 = arith.cmpi eq, %eq3A_776, %eq3A_777 : vector<256x2048xi32>
    %not3A = arith.constant dense<true> : vector<256x2048xi1>
    %not3A_779 = arith.xori %eq3A_778, %not3A : vector<256x2048xi1>
    %and3A_780 = arith.andi %eq3A_31, %not3A_779 : vector<256x2048xi1>
    %and3A_781 = vector.broadcast %lt3A_22 : vector<1x2048xi1> to vector<256x2048xi1>
    %and3A_782 = arith.andi %and3A_780, %and3A_781 : vector<256x2048xi1>
    %convert_element_type3A_783 = arith.extui %and3A_782 : vector<256x2048xi1> to vector<256x2048xi32>
    %convert_element_type3A_784 = arith.sitofp %convert_element_type3A_783 : vector<256x2048xi32> to vector<256x2048xf32>
    %mul3A_785 = vector.broadcast %convert_element_type3A_12 : vector<256x1xf32> to vector<256x2048xf32>
    %mul3A_786 = arith.mulf %convert_element_type3A_784, %mul3A_785 : vector<256x2048xf32>
    %reduce_sum3A_787 = arith.constant dense<0.000000e+00> : vector<256xf32>
    %reduce_sum3A_788 = vector.multi_reduction <add>, %mul3A_786, %reduce_sum3A_787 [1] : vector<256x2048xf32> to vector<256xf32>
    %broadcast_in_dim3A_789 = vector.shape_cast %reduce_sum3A_788 : vector<256xf32> to vector<256x1xf32>
    %mul3A_790 = arith.mulf %mul3A_786, %sub3A_775 : vector<256x2048xf32>
    %reduce_sum3A_791 = arith.constant dense<0.000000e+00> : vector<256xf32>
    %reduce_sum3A_792 = vector.multi_reduction <add>, %mul3A_790, %reduce_sum3A_791 [1] : vector<256x2048xf32> to vector<256xf32>
    %broadcast_in_dim3A_793 = vector.shape_cast %reduce_sum3A_792 : vector<256xf32> to vector<256x1xf32>
    %max3A_794 = arith.constant 1.000000e+00 : f32
    %max3A_795 = vector.broadcast %max3A_794 : f32 to vector<256x1xf32>
    %max3A_796 = arith.maximumf %broadcast_in_dim3A_789, %max3A_795 : vector<256x1xf32>
    %div3A_797 = arith.divf %broadcast_in_dim3A_793, %max3A_796 : vector<256x1xf32>
    %gt3A = arith.constant 0.000000e+00 : f32
    %gt3A_798 = vector.broadcast %gt3A : f32 to vector<256x1xf32>
    %gt3A_799 = arith.cmpf ogt, %broadcast_in_dim3A_789, %gt3A_798 : vector<256x1xf32>
    %convert_element_type3A_800 = arith.extui %gt3A_799 : vector<256x1xi1> to vector<256x1xi32>
    %convert_element_type3A_801 = arith.sitofp %convert_element_type3A_800 : vector<256x1xi32> to vector<256x1xf32>
    %mul3A_802 = arith.mulf %div3A_797, %convert_element_type3A_801 : vector<256x1xf32>
    %reduce_sum3A_803 = vector.shape_cast %mul3A_802 : vector<256x1xf32> to vector<1x256x1xf32>
    %reduce_sum3A_804 = arith.constant dense<0.000000e+00> : vector<1xf32>
    %reduce_sum3A_805 = vector.multi_reduction <add>, %reduce_sum3A_803, %reduce_sum3A_804 [1, 2] : vector<1x256x1xf32> to vector<1xf32>
    %reduce_sum3A_806 = vector.shape_cast %reduce_sum3A_805 : vector<1xf32> to vector<1x1x1xf32>
    %reduce_sum3A_807 = vector.extract %reduce_sum3A_806[0, 0, 0] : f32 from vector<1x1x1xf32>
    %reduce_sum3A_808 = vector.shape_cast %convert_element_type3A_801 : vector<256x1xf32> to vector<1x256x1xf32>
    %reduce_sum3A_809 = arith.constant dense<0.000000e+00> : vector<1xf32>
    %reduce_sum3A_810 = vector.multi_reduction <add>, %reduce_sum3A_808, %reduce_sum3A_809 [1, 2] : vector<1x256x1xf32> to vector<1xf32>
    %reduce_sum3A_811 = vector.shape_cast %reduce_sum3A_810 : vector<1xf32> to vector<1x1x1xf32>
    %reduce_sum3A_812 = vector.extract %reduce_sum3A_811[0, 0, 0] : f32 from vector<1x1x1xf32>
    %get3A_813 = arith.constant 0 : index
    %get3A_814 = arith.constant 0 : index
    %get3A_815 = vector.load %arg5[%get3A_813, %get3A_814] : memref<128x128xf32, #tpu.memory_space<vmem>>, vector<128x128xf32>
    %dot_general3A_816 = arith.constant dense<0.000000e+00> : vector<256x128xf32>
    %dot_general3A_817 = tpu.matmul %get3A_2, %get3A_815, %dot_general3A_816 {dimension_numbers = #tpu.dot_dimension_numbers<[1], [1], [0], [0], [0, 0, 1, 0], [], []>, transpose_lhs_hint = false} : vector<256x128xf32>, vector<128x128xf32>, vector<256x128xf32> -> vector<256x128xf32>
    %div3A_818 = arith.constant 1.000000e-01 : f32
    %div3A_819 = vector.broadcast %div3A_818 : f32 to vector<256x128xf32>
    %div3A_820 = arith.divf %dot_general3A_817, %div3A_819 : vector<256x128xf32>
    %iota3A_821 = tpu.iota {dimensions = array<i32: 1>} : vector<1x128xi32>
    %lt3A_822 = arith.constant 102 : i32
    %lt3A_823 = vector.broadcast %lt3A_822 : i32 to vector<1x128xi32>
    %lt3A_824 = arith.cmpi slt, %iota3A_821, %lt3A_823 : vector<1x128xi32>
    %convert_element_type3A_825 = arith.extui %lt3A_824 : vector<1x128xi1> to vector<1x128xi32>
    %convert_element_type3A_826 = arith.sitofp %convert_element_type3A_825 : vector<1x128xi32> to vector<1x128xf32>
    %jit3A_827 = arith.constant -1.000000e+30 : f32
    %broadcast_in_dim3A_828 = vector.shape_cast %lt3A_824 : vector<1x128xi1> to vector<1x128xi1>
    %broadcast_in_dim3A_829 = vector.broadcast %broadcast_in_dim3A_828 : vector<1x128xi1> to vector<256x128xi1>
    %broadcast_in_dim3A_830 = vector.broadcast %jit3A_827 : f32 to vector<256x128xf32>
    %select_n3A_831 = arith.select %broadcast_in_dim3A_829, %div3A_820, %broadcast_in_dim3A_830 : vector<256x128xi1>, vector<256x128xf32>
    %reduce_max3A_832 = arith.constant dense<0xFF800000> : vector<256xf32>
    %reduce_max3A_833 = vector.multi_reduction <maximumf>, %select_n3A_831, %reduce_max3A_832 [1] : vector<256x128xf32> to vector<256xf32>
    %broadcast_in_dim3A_834 = vector.shape_cast %reduce_max3A_833 : vector<256xf32> to vector<256x1xf32>
    %sub3A_835 = vector.broadcast %broadcast_in_dim3A_834 : vector<256x1xf32> to vector<256x128xf32>
    %sub3A_836 = arith.subf %div3A_820, %sub3A_835 : vector<256x128xf32>
    %exp3A_837 = math.exp %sub3A_836 : vector<256x128xf32>
    %eq3A_838 = vector.broadcast %get3A_5 : vector<256x1xi32> to vector<256x128xi32>
    %eq3A_839 = vector.broadcast %iota3A_821 : vector<1x128xi32> to vector<256x128xi32>
    %eq3A_840 = arith.cmpi eq, %eq3A_838, %eq3A_839 : vector<256x128xi32>
    %convert_element_type3A_841 = arith.extui %eq3A_840 : vector<256x128xi1> to vector<256x128xi32>
    %convert_element_type3A_842 = arith.sitofp %convert_element_type3A_841 : vector<256x128xi32> to vector<256x128xf32>
    %sub3A_843 = arith.constant 1.000000e+00 : f32
    %sub3A_844 = vector.broadcast %sub3A_843 : f32 to vector<256x128xf32>
    %sub3A_845 = arith.subf %sub3A_844, %convert_element_type3A_842 : vector<256x128xf32>
    %mul3A_846 = arith.mulf %exp3A_837, %sub3A_845 : vector<256x128xf32>
    %mul3A_847 = vector.broadcast %convert_element_type3A_826 : vector<1x128xf32> to vector<256x128xf32>
    %mul3A_848 = arith.mulf %mul3A_846, %mul3A_847 : vector<256x128xf32>
    %reduce_sum3A_849 = arith.constant dense<0.000000e+00> : vector<256xf32>
    %reduce_sum3A_850 = vector.multi_reduction <add>, %mul3A_848, %reduce_sum3A_849 [1] : vector<256x128xf32> to vector<256xf32>
    %broadcast_in_dim3A_851 = vector.shape_cast %reduce_sum3A_850 : vector<256xf32> to vector<256x1xf32>
    %add3A_852 = vector.broadcast %broadcast_in_dim3A_851 : vector<256x1xf32> to vector<256x128xf32>
    %add3A_853 = arith.addf %exp3A_837, %add3A_852 : vector<256x128xf32>
    %log3A_854 = math.log %add3A_853 : vector<256x128xf32>
    %sub3A_855 = arith.subf %sub3A_836, %log3A_854 : vector<256x128xf32>
    %reduce_sum3A_856 = arith.constant dense<0.000000e+00> : vector<256xf32>
    %reduce_sum3A_857 = vector.multi_reduction <add>, %convert_element_type3A_842, %reduce_sum3A_856 [1] : vector<256x128xf32> to vector<256xf32>
    %broadcast_in_dim3A_858 = vector.shape_cast %reduce_sum3A_857 : vector<256xf32> to vector<256x1xf32>
    %mul3A_859 = arith.mulf %convert_element_type3A_842, %sub3A_855 : vector<256x128xf32>
    %reduce_sum3A_860 = arith.constant dense<0.000000e+00> : vector<256xf32>
    %reduce_sum3A_861 = vector.multi_reduction <add>, %mul3A_859, %reduce_sum3A_860 [1] : vector<256x128xf32> to vector<256xf32>
    %broadcast_in_dim3A_862 = vector.shape_cast %reduce_sum3A_861 : vector<256xf32> to vector<256x1xf32>
    %max3A_863 = arith.constant 1.000000e+00 : f32
    %max3A_864 = vector.broadcast %max3A_863 : f32 to vector<256x1xf32>
    %max3A_865 = arith.maximumf %broadcast_in_dim3A_858, %max3A_864 : vector<256x1xf32>
    %div3A_866 = arith.divf %broadcast_in_dim3A_862, %max3A_865 : vector<256x1xf32>
    %mul3A_867 = arith.mulf %div3A_866, %convert_element_type3A_12 : vector<256x1xf32>
    %reduce_sum3A_868 = vector.shape_cast %mul3A_867 : vector<256x1xf32> to vector<1x256x1xf32>
    %reduce_sum3A_869 = arith.constant dense<0.000000e+00> : vector<1xf32>
    %reduce_sum3A_870 = vector.multi_reduction <add>, %reduce_sum3A_868, %reduce_sum3A_869 [1, 2] : vector<1x256x1xf32> to vector<1xf32>
    %reduce_sum3A_871 = vector.shape_cast %reduce_sum3A_870 : vector<1xf32> to vector<1x1x1xf32>
    %reduce_sum3A_872 = vector.extract %reduce_sum3A_871[0, 0, 0] : f32 from vector<1x1x1xf32>
    %eq3A_873 = arith.constant 0 : i32
    %eq3A_874 = arith.cmpi eq, %arg0, %eq3A_873 : i32
    %convert_element_type3A_875 = arith.extui %eq3A_874 : i1 to i32
    %cond3A = arith.constant 0 : i32
    %cond3A_876 = arith.cmpi ne, %convert_element_type3A_875, %cond3A : i32
    scf.if %cond3A_876 {
      %swap3A_896 = arith.constant 0.000000e+00 : f32
      %swap3A_897 = arith.constant 0 : index
      %swap3A_898 = memref.load %arg7[%swap3A_897] : memref<4xf32, #tpu.memory_space<smem>>
      memref.store %swap3A_896, %arg7[%swap3A_897] : memref<4xf32, #tpu.memory_space<smem>>
      %swap3A_899 = arith.constant 0.000000e+00 : f32
      %swap3A_900 = arith.constant 1 : index
      %swap3A_901 = memref.load %arg7[%swap3A_900] : memref<4xf32, #tpu.memory_space<smem>>
      memref.store %swap3A_899, %arg7[%swap3A_900] : memref<4xf32, #tpu.memory_space<smem>>
      %swap3A_902 = arith.constant 0.000000e+00 : f32
      %swap3A_903 = arith.constant 2 : index
      %swap3A_904 = memref.load %arg7[%swap3A_903] : memref<4xf32, #tpu.memory_space<smem>>
      memref.store %swap3A_902, %arg7[%swap3A_903] : memref<4xf32, #tpu.memory_space<smem>>
    } else {
    }
    %get3A_877 = arith.constant 0 : index
    %get3A_878 = memref.load %arg7[%get3A_877] : memref<4xf32, #tpu.memory_space<smem>>
    %add3A_879 = arith.addf %get3A_878, %reduce_sum3A_807 : f32
    %swap3A = arith.constant 0 : index
    %swap3A_880 = memref.load %arg7[%swap3A] : memref<4xf32, #tpu.memory_space<smem>>
    memref.store %add3A_879, %arg7[%swap3A] : memref<4xf32, #tpu.memory_space<smem>>
    %get3A_881 = arith.constant 1 : index
    %get3A_882 = memref.load %arg7[%get3A_881] : memref<4xf32, #tpu.memory_space<smem>>
    %add3A_883 = arith.addf %get3A_882, %reduce_sum3A_812 : f32
    %swap3A_884 = arith.constant 1 : index
    %swap3A_885 = memref.load %arg7[%swap3A_884] : memref<4xf32, #tpu.memory_space<smem>>
    memref.store %add3A_883, %arg7[%swap3A_884] : memref<4xf32, #tpu.memory_space<smem>>
    %get3A_886 = arith.constant 2 : index
    %get3A_887 = memref.load %arg7[%get3A_886] : memref<4xf32, #tpu.memory_space<smem>>
    %add3A_888 = arith.addf %get3A_887, %reduce_sum3A_872 : f32
    %swap3A_889 = arith.constant 2 : index
    %swap3A_890 = memref.load %arg7[%swap3A_889] : memref<4xf32, #tpu.memory_space<smem>>
    memref.store %add3A_888, %arg7[%swap3A_889] : memref<4xf32, #tpu.memory_space<smem>>
    %eq3A_891 = arith.constant 7 : i32
    %eq3A_892 = arith.cmpi eq, %arg0, %eq3A_891 : i32
    %convert_element_type3A_893 = arith.extui %eq3A_892 : i1 to i32
    %cond3A_894 = arith.constant 0 : i32
    %cond3A_895 = arith.cmpi ne, %convert_element_type3A_893, %cond3A_894 : i32
    scf.if %cond3A_895 {
      %get3A_896 = arith.constant 0 : index
      %get3A_897 = memref.load %arg7[%get3A_896] : memref<4xf32, #tpu.memory_space<smem>>
      %mul3A_898 = arith.constant -1.000000e-01 : f32
      %mul3A_899 = arith.mulf %mul3A_898, %get3A_897 : f32
      %get3A_900 = arith.constant 1 : index
      %get3A_901 = memref.load %arg7[%get3A_900] : memref<4xf32, #tpu.memory_space<smem>>
      %max3A_902 = arith.constant 1.000000e+00 : f32
      %max3A_903 = arith.maximumf %get3A_901, %max3A_902 : f32
      %div3A_904 = arith.divf %mul3A_899, %max3A_903 : f32
      %get3A_905 = arith.constant 2 : index
      %get3A_906 = memref.load %arg7[%get3A_905] : memref<4xf32, #tpu.memory_space<smem>>
      %div3A_907 = arith.constant 2.000000e+03 : f32
      %div3A_908 = arith.divf %get3A_906, %div3A_907 : f32
      %mul3A_909 = arith.constant -1.000000e-01 : f32
      %mul3A_910 = arith.mulf %mul3A_909, %div3A_908 : f32
      %add3A_911 = arith.addf %div3A_904, %mul3A_910 : f32
      %broadcast_in_dim3A_912 = vector.broadcast %add3A_911 : f32 to vector<1x1xf32>
      %swap3A_913 = arith.constant 0 : index
      %swap3A_914 = arith.constant 0 : index
      %swap3A_915 = vector.load %arg6[%swap3A_913, %swap3A_914] : memref<1x1xf32, #tpu.memory_space<vmem>>, vector<1x1xf32>
      tpu.vector_store %arg6[%swap3A_913, %swap3A_914], %broadcast_in_dim3A_912 {strides = array<i32>} : memref<1x1xf32, #tpu.memory_space<vmem>>, vector<1x1xf32>,
    } else {
    }
    return
  }
  func.func @transform_0(%arg0: i32) -> (i32, i32) {
    %c0_i32 = arith.constant 0 : i32
    %c0_i32_0 = arith.constant 0 : i32
    %c0_i32_1 = arith.constant 0 : i32
    return %c0_i32, %c0_i32_0 : i32, i32
  }
  func.func @transform_1(%arg0: i32) -> (i32, i32) {
    %c0_i32 = arith.constant 0 : i32
    %c0_i32_0 = arith.constant 0 : i32
    %c0_i32_1 = arith.constant 0 : i32
    return %c0_i32, %c0_i32_0 : i32, i32
  }
  func.func @transform_2(%arg0: i32) -> (i32, i32) {
    %c0_i32 = arith.constant 0 : i32
    %c0_i32_0 = arith.constant 0 : i32
    %c0_i32_1 = arith.constant 0 : i32
    return %c0_i32, %c0_i32_0 : i32, i32
  }
  func.func @transform_3(%arg0: i32) -> (i32, i32) {
    %c0_i32 = arith.constant 0 : i32
    %c0_i32_0 = arith.constant 0 : i32
    %c0_i32_1 = arith.constant 0 : i32
    return %c0_i32, %c0_i32_0 : i32, i32
  }
  func.func @transform_4(%arg0: i32) -> (i32, i32) {
    %c0_i32 = arith.constant 0 : i32
    %c0_i32_0 = arith.constant 0 : i32
    %c0_i32_1 = arith.constant 0 : i32
    return %c0_i32, %c0_i32_0 : i32, i32
  }
  func.func @transform_5(%arg0: i32) -> (i32, i32) {
    %c0_i32 = arith.constant 0 : i32
    %c0_i32_0 = arith.constant 0 : i32
    %c0_i32_1 = arith.constant 0 : i32
    return %c0_i32, %c0_i32_0 : i32, i32
  }
}

</mosaic_0001>

<sc_bundles>
// kernel: kernel.6.cloned.1.call-start
scs
__scs_entry_jumppad:
0x0: {  	(pc) =	sbr.rel $0x88, $3  }
0x1: {  	(tag) =	ssettag $0x0;
	lr =	simm.s32 $0x1  }
0x2: {  	[smem:$0x3F9B] =	sst lr;
	_ =	strace $0xD0000000  }
0x3: {  	_ = 	snop  }
0x4: {  	_ = 	snop  }
0x5: {  	_ = 	snop  }
0x6: {  	_ = 	snop  }
0x7: {  	_ = 	snop  }
__scs_overlays_trampoline_lowered:
0x8: {  	[smem:$0x3FAA] =	sst s0  }
0x9: {  	[smem:$0x3FAB] =	sst s1  }
0xa: {  	[smem:$0x3FAC] =	sst s2  }
0xb: {  	[smem:$0x3FAD] =	sst s3  }
0xc: {  	[smem:$0x3FAE] =	sst s4  }
0xd: {  	[smem:$0x3FAF] =	sst s5  }
0xe: {  	[smem:$0x3FB0] =	sst s6  }
0xf: {  	[smem:$0x3FB1] =	sst s7  }
0x10: {  	[smem:$0x3FB2] =	sst s8  }
0x11: {  	[smem:$0x3FB3] =	sst s9;
	s0 =	simm.s32 @!p0 $0x0  }
0x12: {  	s1 =	sld [smem:$0x3F99];
	s0 =	simm.s32 @p0 $0x1  }
0x13: {  	[smem:$0x3FB4] =	sst s0;
	s0 =	simm.s32 @!p1 $0x0  }
0x14: {  	s2 =	sld [smem:$0x3F98];
	s0 =	simm.s32 @p1 $0x1  }
0x15: {  	[smem:$0x3FB5] =	sst s0;
	s0 =	simm.s32 @!p2 $0x0  }
0x16: {  	s3 =	sld [smem:$0x3FDB];
	s0 =	simm.s32 @p2 $0x1  }
0x17: {  	s4 =	simm.s32 $0x1BF5;
	[smem:$0x3FB7] =	sst s0  }
0x18: {  	s0 =	sld [smem:$0x3F9A];
	_ =	swait.ge [sflag:s4], $0x0  }
0x19: {  	s7 =	sld [smem:$0x3F9B]  }
0x1a: {  	s8 =	sadd.s32 $0xFFFFE003, lr  }
0x1b: {  	s9 =	sadd.s32 $0xFFFFFEF7, lr;
	s5 =	simm.s32 $0xFFFFFFFF;
	p2 =	slt.u32 s8, $0xFFFFF086  }
0x1c: {  	p1 =	slt.u32 s9, $0xF7A;
	s5 =	simm.s32 @!p2 $0x0  }
0x1d: {  	s5 =	simm.s32 @p1 $0x1;
	p0 =	seq.s32 s7, s2  }
0x1e: {  	s7 =	smul.u32 @!p0 $0xF7A, s2;
	p2 =	seq.s32 @!p0 s5, $0x0  }
0x1f: {  	s9 =	smul.u32 $0xF7A, s1;
	s8 =	simm.s32 @!p0 $0x1BF5;
	p2 =	por !p2, p0  }
0x20: {  	[sflag:s8] =	ssyncset.s32 @!p0 $0xFFFFF086;
	s6 =	sadd.s32 @!p0 s3, s7;
	s7 =	simm.s32 @!p0 $0x108  }
0x21: {  	s3 =	sadd.s32 s3, s9;
	s6 =	sadd.s32 @!p0 $0x88, s6;
	s7 =	simm.s32 @p2 $0x1082  }
0x22: {  	[simem:s7], [sflag:s8] =	dma.local @!p0 [hbm:s6], $0xF7A  }
0x23: {  	s9 =	sor.u32 $0xD0000000, s2;
	s6 =	simm.s32 $0x108;
	_ =	swait.ge @!p0 [sflag:s8], $0x0  }
0x24: {  	s3 =	sadd.s32 $0x88, s3;
	s6 =	simm.s32 @!p1 $0x1082;
	[sflag:s4] =	ssyncset.s32 $0xFFFFF086  }
0x25: {  	[simem:s6], [sflag:s4] =	dma.local [hbm:s3], $0xF7A  }
0x26: {  	[smem:$0x3F9B] =	sst s1;
	(tag) =	ssettag s2;
	_ =	strace s9  }
0x27: {  	s1 =	sld [smem:$0x3FAB]  }
0x28: {  	s2 =	sld [smem:$0x3FAC]  }
0x29: {  	s4 =	sld [smem:$0x3FAE]  }
0x2a: {  	p0 =	seq.s32 s5, $0x0;
	s5 =	sld [smem:$0x3FAF]  }
0x2b: {  	s6 =	sld [smem:$0x3FB0]  }
0x2c: {  	s7 =	sld [smem:$0x3FB1]  }
0x2d: {  	s3 =	simm.s32 $0x108;
	s8 =	sld [smem:$0x3FB2]  }
0x2e: {  	s3 =	simm.s32 @!p0 $0x1082;
	s9 =	sld [smem:$0x3FB3]  }
0x2f: {  	lr =	sadd.s32 s0, s3;
	s0 =	sld [smem:$0x3FAA]  }
0x30: {  	s3 =	sld [smem:$0x3FAD]  }
0x31: {  	[smem:$0x3FB6] =	sst s10  }
0x32: {  	s10 =	sld [smem:$0x3FB4];
	_ =	sdelay $0x3  }
0x33: {  	p0 =	seq.s32 s10, $0x1;
	s10 =	sld [smem:$0x3FB6];
	_ =	sdelay $0x3  }
0x34: {  	[smem:$0x3FB6] =	sst s10  }
0x35: {  	s10 =	sld [smem:$0x3FB5];
	_ =	sdelay $0x3  }
0x36: {  	p1 =	seq.s32 s10, $0x1;
	s10 =	sld [smem:$0x3FB6];
	_ =	sdelay $0x3  }
0x37: {  	[smem:$0x3FB6] =	sst s10  }
0x38: {  	s10 =	sld [smem:$0x3FB7]  }
0x39: {  	_ = 	snop;
	(pc) =	sbr.ind lr, $3  }
0x3a: {  	_ = 	snop  }
0x3b: {  	_ = 	snop  }
0x3c: {  	p2 =	seq.s32 s10, $0x1;
	s10 =	sld [smem:$0x3FB6]  }
0x3d: {  	_ =	shalt  }
0x3e: {  	_ =	shalt  }
0x3f: {  	_ =	shalt  }
0x40: {  	_ =	shalt  }
0x41: {  	_ =	shalt  }
0x42: {  	_ =	shalt  }
0x43: {  	_ =	shalt  }
0x44: {  	_ =	shalt  }
0x45: {  	_ =	shalt  }
0x46: {  	_ =	shalt  }
0x47: {  	_ =	shalt  }
0x48: {  	_ =	shalt  }
0x49: {  	_ =	shalt  }
0x4a: {  	_ =	shalt  }
0x4b: {  	_ =	shalt  }
0x4c: {  	_ =	shalt  }
0x4d: {  	_ =	shalt  }
0x4e: {  	_ =	shalt  }
0x4f: {  	_ =	shalt  }
0x50: {  	_ =	shalt  }
0x51: {  	_ =	shalt  }
0x52: {  	_ =	shalt  }
0x53: {  	_ =	shalt  }
0x54: {  	_ =	shalt  }
0x55: {  	_ =	shalt  }
0x56: {  	_ =	shalt  }
0x57: {  	_ =	shalt  }
0x58: {  	_ =	shalt  }
0x59: {  	_ =	shalt  }
0x5a: {  	_ =	shalt  }
0x5b: {  	_ =	shalt  }
0x5c: {  	_ =	shalt  }
0x5d: {  	_ =	shalt  }
0x5e: {  	_ =	shalt  }
0x5f: {  	_ =	shalt  }
0x60: {  	_ =	shalt  }
0x61: {  	_ =	shalt  }
0x62: {  	_ =	shalt  }
0x63: {  	_ =	shalt  }
0x64: {  	_ =	shalt  }
0x65: {  	_ =	shalt  }
0x66: {  	_ =	shalt  }
0x67: {  	_ =	shalt  }
0x68: {  	_ =	shalt  }
0x69: {  	_ =	shalt  }
0x6a: {  	_ =	shalt  }
0x6b: {  	_ =	shalt  }
0x6c: {  	_ =	shalt  }
0x6d: {  	_ =	shalt  }
0x6e: {  	_ =	shalt  }
0x6f: {  	_ =	shalt  }
0x70: {  	_ =	shalt  }
0x71: {  	_ =	shalt  }
0x72: {  	_ =	shalt  }
0x73: {  	_ =	shalt  }
0x74: {  	_ =	shalt  }
0x75: {  	_ =	shalt  }
0x76: {  	_ =	shalt  }
0x77: {  	_ =	shalt  }
0x78: {  	_ =	shalt  }
0x79: {  	_ =	shalt  }
0x7a: {  	_ =	shalt  }
0x7b: {  	_ =	shalt  }
0x7c: {  	_ =	shalt  }
0x7d: {  	_ =	shalt  }
0x7e: {  	_ =	shalt  }
0x7f: {  	_ =	shalt  }
0x80: {  	_ =	shalt  }
0x81: {  	_ =	shalt  }
0x82: {  	_ =	shalt  }
0x83: {  	_ =	shalt  }
0x84: {  	_ =	shalt  }
0x85: {  	_ =	shalt  }
0x86: {  	_ =	shalt  }
0x87: {  	_ =	shalt  }
.Lfunc_end0:
.L_simem_size_0:
called_computation_lowered:
.L_overlay_start_0:
0x88: {  	s2 =	sld [smem:$0x3FD9]  }
0x89: {  	s3 =	sld [smem:$0x3FFE];
	_ =	sdelay $0x1  }
0x8a: {  	s1 =	srdreg.scid  }
0x8b: {  	s0 =	sand.u32 $0x1, s1  }
0x8c: {  	s17 =	sshll.u32 s0, $0xA;
	s2 =	sadd.s32 s3, s2  }
0x8d: {  	s2 =	sadd.s32 s2, s17  }
0x8e: {  	[smem:$0x3FC2] =	sst s2  }
0x8f: {  	_ = 	snop  }
0x90: {  	s2 =	sld [smem:$0x3FC9]  }
0x91: {  	s18 =	sld [smem:$0x3FC8]  }
0x92: {  	s4 =	sld [smem:$0x3FC7];
	(tm) =	ssettm $0x1  }
0x93: {  	s5 =	sld [smem:$0x3FFB];
	_ =	sdelay $0x3  }
0x94: {  	_ =	strace s5  }
0x95: {  	s5 =	sld [smem:$0x3FFC];
	_ =	sdelay $0x3  }
0x96: {  	_ =	strace s5  }
0x97: {  	s5 =	sld [smem:$0x3FFD];
	_ =	sdelay $0x3  }
0x98: {  	_ =	strace s5  }
0x99: {  	_ =	strace $0x8FFFFFFF  }
0x9a: {  	s19 =	sld [smem:$0x3FDB];
	_ =	sdelay $0x1  }
0x9b: {  	s6 =	simm.s32 $_scs_section_size  }
0x9c: {  	s7 =	simm.s32 $_size__tile_overlayer_lowered;
	s8 =	simm.s32 $_tile_overlayer_lowered  }
0x9d: {  	s22 =	simm.s32 $0x1BFF;
	s21 =	sshll.u32 s8, $0x1;
	s5 =	sadd.s32 s6, s19  }
0x9e: {  	s9 =	simm.s32 $0x0;
	s20 =	sshll.u32 s7, $0x1;
	s7 =	sadd.s32 s21, s5  }
0x9f: {  	[timem:s9], [sflag:s22] =	dma.local [hbm:s7], s20  }
0xa0: {  	_ =	swait.ge [sflag:s22], s20  }
0xa1: {  	s6 =	ssub.s32 $0x0, s20;
	[sflag:s22] =	ssyncset.done $0x0  }
0xa2: {  	[sflag:s22] =	ssyncadd.s32 s6;
	_ =	sdelay $0x1  }
0xa3: {  	s23 =	simm.s32 $0x1B8B  }
0xa4: {  	_ =	swait.ge [sflag:s23], $0x1  }
0xa5: {  	[sflag:s23] =	ssyncset.done $0x0  }
0xa6: {  	s25 =	simm.s32 $0x1B8E;
	s24 =	sld [smem:$0x3FFE];
	[sflag:s23] =	ssyncadd.s32 $0xFFFFFFFF  }
0xa7: {  	s26 =	simm.s32 $execute0_lowered;
	[smem:$0x3FD2] =	sst s25  }
0xa8: {  	s7 =	sshll.u32 s26, $0x1;
	_ =	strace $0x80000046;
	[dreg:$0x1] =	wrdreg $0xFFFFFFFF  }
0xa9: {  	s28 =	simm.s32 $_size_execute0_lowered;
	s5 =	sadd.s32 s5, s7;
	[dreg:$0x0] =	wrdreg $0x0  }
0xaa: {  	s7 =	sshll.u32 s28, $0x1;
	[dreg:$0x2] =	wrdreg s5  }
0xab: {  	[dreg:$0x3] =	wrdreg s7  }
0xac: {  	[dreg:$0x4] =	wrdreg $0xC0  }
0xad: {  	_ =	task [dreg:s9], $0x5FFFF  }
0xae: {  	[dreg:$0x1] =	wrdreg $0xFFFFFFFF  }
0xaf: {  	[dreg:$0x0] =	wrdreg $0x60  }
0xb0: {  	[dreg:$0x2] =	wrdreg s2  }
0xb1: {  	[dreg:$0x3] =	wrdreg s24  }
0xb2: {  	[dreg:$0x4] =	wrdreg s4  }
0xb3: {  	[dreg:$0x5] =	wrdreg s18  }
0xb4: {  	[dreg:$0x6] =	wrdreg $0x9  }
0xb5: {  	_ =	task.clear_ibuf [dreg:s9], $0x7FFFF;
	_ =	strace $0x90000046  }
0xb6: {  	s29 =	simm.s32 $0x9;
	_ =	strace $0x80000048  }
0xb7: {  	_ =	swait.ge [sflag:s29], $0x1  }
0xb8: {  	[sflag:s29] =	ssyncadd.s32 $0xFFFFFFFF  }
0xb9: {  	_ =	strace $0x90000048  }
0xba: {  	_ =	sfence  }
0xbb: {  	s30 =	sld [smem:$0x0];
	_ =	sdelay $0x2  }
0xbc: {  	s31 =	sshll.u32 s1, $0xD;
	s1 =	sshrl.u32 s1, $0x2  }
0xbd: {  	s3 =	sand.u32 $0x4000, s31;
	s1 =	sadd.s32 s1, s30  }
0xbe: {  	s0 =	sor.u32 s3, s0;
	s1 =	sshll.u32 s1, $0x11  }
0xbf: {  	s0 =	sor.u32 s1, s0  }
0xc0: {  	s0 =	sadd.s32 $0x8F2B, s0  }
0xc1: {  	[sflag:s0] =	ssyncadd.remote.s32 $0x1  }
0xc2: {  	_ =	sfence.sel $0xFFFF  }
0xc3: {  	[dreg:$0x0] =	wrdreg $0xFFFFFFFF;
	(pc) =	sbr.abs _section_cstart, $3  }
0xc4: {  	[dreg:$0x1] =	wrdreg $0xFFFFFFFF  }
0xc5: {  	_ =	task.clear_ibuf [dreg:s9], $0x2FFFF;
	_ =	strace $0x9FFFFFFF  }
0xc6: {  	(tm) =	ssettm $0x7FFFFFFF  }
0xc7: {  	_ =	shalt  }
tec
execute0_lowered:
.L_overlay_start_1:
0x0: {  	(tag) =	ssettag $0x1  }
0x1: {  	s3 =	rddreg [dreg:$0x0]  }
0x2: {  	s0 =	rddreg [dreg:$0x1]  }
0x3: {  	s1 =	rddreg [dreg:$0x2]  }
0x4: {  	s2 =	rddreg [dreg:$0x3]  }
0x5: {  	[dreg:$0x5] =	wrdreg s1  }
0x6: {  	s24 =	simm.s32 $0x0;
	[dreg:$0x6] =	wrdreg s2  }
0x7: {  	s6 =	simm.s32 $0x1080;
	[smem:$0x7FF] =	sst s24  }
0x8: {  	s7 =	simm.s32 $0x100;
	_ =	strace $0x80000047;
	[dreg:$0xc] =	wrdreg s6  }
0x9: {  	s8 =	simm.s32 $0x1100;
	[dreg:$0xd] =	wrdreg s7  }
0xa: {  	s9 =	simm.s32 $0x180;
	[dreg:$0xe] =	wrdreg s8  }
0xb: {  	s10 =	simm.s32 $0x1180;
	[dreg:$0xf] =	wrdreg s9  }
0xc: {  	s11 =	simm.s32 $0x200;
	[dreg:$0x10] =	wrdreg s10  }
0xd: {  	s12 =	simm.s32 $0x1200;
	[dreg:$0x11] =	wrdreg s11  }
0xe: {  	s13 =	simm.s32 $0x280;
	[dreg:$0x12] =	wrdreg s12  }
0xf: {  	s14 =	simm.s32 $0x1280;
	[dreg:$0x13] =	wrdreg s13  }
0x10: {  	s15 =	simm.s32 $0x300;
	[dreg:$0x14] =	wrdreg s14  }
0x11: {  	s16 =	simm.s32 $0x1300;
	[dreg:$0x15] =	wrdreg s15  }
0x12: {  	s17 =	simm.s32 $0x380;
	[dreg:$0x16] =	wrdreg s16  }
0x13: {  	s18 =	simm.s32 $0x1380;
	[dreg:$0x17] =	wrdreg s17  }
0x14: {  	s19 =	simm.s32 $0x400;
	[dreg:$0x18] =	wrdreg s18  }
0x15: {  	s20 =	simm.s32 $0x1400;
	[dreg:$0x19] =	wrdreg s19  }
0x16: {  	s21 =	simm.s32 $0x480;
	[dreg:$0x1a] =	wrdreg s20  }
0x17: {  	s22 =	simm.s32 $0x1480;
	[dreg:$0x1b] =	wrdreg s21  }
0x18: {  	s23 =	simm.s32 $0x500;
	[dreg:$0x1c] =	wrdreg s22  }
0x19: {  	s25 =	simm.s32 $0x1500;
	[dreg:$0x1d] =	wrdreg s23  }
0x1a: {  	s28 =	srdreg.scid;
	s26 =	simm.s32 $0x580;
	[dreg:$0x1e] =	wrdreg s25  }
0x1b: {  	s1 =	sand.u32 $0x1, s28;
	s28 =	simm.s32 $0x1580;
	[dreg:$0x1f] =	wrdreg s26  }
0x1c: {  	[smem:$0x7F2] =	sst s28;
	s6 =	simm.s32 $0x1700  }
0x1d: {  	s7 =	simm.s32 $0x780;
	[smem:$0x7EF] =	sst s6  }
0x1e: {  	s8 =	simm.s32 $0x1780;
	[smem:$0x7F6] =	sst s7  }
0x1f: {  	s9 =	simm.s32 $0x800;
	[smem:$0x7EE] =	sst s8  }
0x20: {  	s10 =	simm.s32 $0x1800;
	[smem:$0x7F7] =	sst s9  }
0x21: {  	s11 =	simm.s32 $0x880;
	[smem:$0x7ED] =	sst s10  }
0x22: {  	s12 =	simm.s32 $0x1880;
	[smem:$0x7F8] =	sst s11  }
0x23: {  	s13 =	simm.s32 $0x900;
	[smem:$0x7EC] =	sst s12  }
0x24: {  	s14 =	simm.s32 $0x1900;
	[smem:$0x7F9] =	sst s13  }
0x25: {  	s15 =	simm.s32 $0x980;
	[smem:$0x7EB] =	sst s14  }
0x26: {  	s16 =	simm.s32 $0x1980;
	[smem:$0x7FA] =	sst s15  }
0x27: {  	s17 =	simm.s32 $0xA00;
	[smem:$0x7EA] =	sst s16  }
0x28: {  	s18 =	simm.s32 $0x1A00;
	[smem:$0x7FB] =	sst s17  }
0x29: {  	s4 =	stileid.u32;
	s19 =	simm.s32 $0xA80;
	[smem:$0x7E9] =	sst s18  }
0x2a: {  	s4 =	sshll.u32 s4, $0x1;
	s20 =	simm.s32 $0x1A80;
	[smem:$0x7FC] =	sst s19  }
0x2b: {  	s4 =	sor.u32 s1, s4;
	s22 =	simm.s32 $0xB00;
	[smem:$0x7E8] =	sst s20  }
0x2c: {  	s5 =	sshll.u32 s4, $0x9;
	s4 =	sshll.u32 s4, $0x4;
	[smem:$0x7FD] =	sst s22  }
0x2d: {  	s5 =	sadd.s32 s5, s0;
	s0 =	sadd.s32 s4, s0;
	s4 =	simm.s32 $0x1680  }
0x2e: {  	s29 =	sadd.s32 $0x1600, s5;
	[smem:$0x7F0] =	sst s4  }
0x2f: {  	s31 =	sadd.s32 $0x1400, s0;
	[dreg:$0x7] =	wrdreg s29  }
0x30: {  	s2 =	sadd.s32 $0x5A00, s5;
	[dreg:$0x8] =	wrdreg s31  }
0x31: {  	s5 =	sadd.s32 $0x5600, s0;
	[dreg:$0x9] =	wrdreg s2  }
0x32: {  	s0 =	sadd.s32 $0x5800, s0;
	[dreg:$0xa] =	wrdreg s5  }
0x33: {  	[dreg:$0xb] =	wrdreg s0;
	s29 =	simm.s32 $0x600  }
0x34: {  	s31 =	simm.s32 $0x1600;
	[smem:$0x7F3] =	sst s29  }
0x35: {  	s2 =	simm.s32 $0x680;
	[smem:$0x7F1] =	sst s31  }
0x36: {  	s5 =	simm.s32 $0x700;
	[smem:$0x7F4] =	sst s2  }
0x37: {  	[smem:$0x7F5] =	sst s5  }
0x38: {  	s4 =	simm.s32 $0x2;
	s21 =	rddreg [dreg:$0x7]  }
0x39: {  	[tilespmem:s24], [sflag:$0x2] =	stream.linear.gather [hbm4b:s21+s24], $0x1000, $0x38;
	[tilespmem:$0x2180] =	vst v63  }
0x3a: {  	_ =	swait.ge [sflag:s4], $0x1000  }
0x3b: {  	[sflag:s4] =	ssyncset.done $0x0  }
0x3c: {  	s2 =	simm.s32 $0x2000;
	s23 =	rddreg [dreg:$0x8];
	[sflag:s4] =	ssyncadd.s32 $0xFFFFF000  }
0x3d: {  	[tilespmem:s2], [sflag:$0x2] =	stream.linear.gather [hbm4b:s23+s24], $0x80, $0x38;
	[tilespmem:$0x2180] =	vst v63  }
0x3e: {  	_ =	swait.ge [sflag:s4], $0x80  }
0x3f: {  	s0 =	sld [smem:$0x7E8]  }
0x40: {  	s8 =	sld [smem:$0x7E9]  }
0x41: {  	s9 =	sld [smem:$0x7EA]  }
0x42: {  	s10 =	sld [smem:$0x7EB]  }
0x43: {  	s11 =	sld [smem:$0x7EC]  }
0x44: {  	s12 =	sld [smem:$0x7ED]  }
0x45: {  	s13 =	sld [smem:$0x7EE]  }
0x46: {  	s14 =	sld [smem:$0x7EF]  }
0x47: {  	s15 =	sld [smem:$0x7F0]  }
0x48: {  	s16 =	sld [smem:$0x7F1]  }
0x49: {  	s17 =	sld [smem:$0x7F2]  }
0x4a: {  	s18 =	rddreg [dreg:$0x1e]  }
0x4b: {  	s19 =	rddreg [dreg:$0x1c]  }
0x4c: {  	s20 =	rddreg [dreg:$0xd]  }
0x4d: {  	s6 =	rddreg [dreg:$0xc]  }
0x4e: {  	s22 =	rddreg [dreg:$0xe]  }
0x4f: {  	s25 =	rddreg [dreg:$0xf]  }
0x50: {  	s26 =	rddreg [dreg:$0x12]  }
0x51: {  	s28 =	rddreg [dreg:$0x11]  }
0x52: {  	s7 =	simm.s32 $0x80;
	[sflag:s4] =	ssyncset.done $0x0;
	s29 =	rddreg [dreg:$0x14]  }
0x53: {  	s23 =	simm.s32 $0x1000;
	s31 =	rddreg [dreg:$0x13];
	[sflag:s4] =	ssyncadd.s32 $0xFFFFFF80  }
0x54: {  	[tilespmem:s23], [sflag:$0x1] =	stream.indirect.gather [hbm4b:s3+s7], $0x1, s24, s7, $0xb8;
	[tilespmem:$0x2180] =	vst v63  }
0x55: {  	s5 =	rddreg [dreg:$0x16]  }
0x56: {  	[tilespmem:s6], [sflag:$0x1] =	stream.indirect.gather [hbm4b:s3+s7], $0x1, s7, s7, $0xb8;
	[tilespmem:$0x2180] =	vst v63  }
0x57: {  	s21 =	rddreg [dreg:$0x15]  }
0x58: {  	[tilespmem:s22], [sflag:$0x1] =	stream.indirect.gather [hbm4b:s3+s7], $0x1, s20, s7, $0xb8;
	[tilespmem:$0x2180] =	vst v63  }
0x59: {  	s24 =	rddreg [dreg:$0x10]  }
0x5a: {  	[tilespmem:s24], [sflag:$0x1] =	stream.indirect.gather [hbm4b:s3+s7], $0x1, s25, s7, $0xb8;
	[tilespmem:$0x2180] =	vst v63  }
0x5b: {  	s23 =	rddreg [dreg:$0x18]  }
0x5c: {  	[tilespmem:s26], [sflag:$0x1] =	stream.indirect.gather [hbm4b:s3+s7], $0x1, s28, s7, $0xb8;
	[tilespmem:$0x2180] =	vst v63  }
0x5d: {  	s24 =	rddreg [dreg:$0x17]  }
0x5e: {  	[tilespmem:s29], [sflag:$0x1] =	stream.indirect.gather [hbm4b:s3+s7], $0x1, s31, s7, $0xb8;
	[tilespmem:$0x2180] =	vst v63  }
0x5f: {  	s25 =	rddreg [dreg:$0x1a]  }
0x60: {  	[tilespmem:s5], [sflag:$0x1] =	stream.indirect.gather [hbm4b:s3+s7], $0x1, s21, s7, $0xb8;
	[tilespmem:$0x2180] =	vst v63  }
0x61: {  	s26 =	rddreg [dreg:$0x19]  }
0x62: {  	[tilespmem:s23], [sflag:$0x1] =	stream.indirect.gather [hbm4b:s3+s7], $0x1, s24, s7, $0xb8;
	[tilespmem:$0x2180] =	vst v63  }
0x63: {  	s28 =	rddreg [dreg:$0x1b]  }
0x64: {  	[tilespmem:s25], [sflag:$0x1] =	stream.indirect.gather [hbm4b:s3+s7], $0x1, s26, s7, $0xb8;
	[tilespmem:$0x2180] =	vst v63  }
0x65: {  	s29 =	rddreg [dreg:$0x1d]  }
0x66: {  	[tilespmem:s19], [sflag:$0x1] =	stream.indirect.gather [hbm4b:s3+s7], $0x1, s28, s7, $0xb8;
	[tilespmem:$0x2180] =	vst v63  }
0x67: {  	s31 =	rddreg [dreg:$0x1f]  }
0x68: {  	[tilespmem:s18], [sflag:$0x1] =	stream.indirect.gather [hbm4b:s3+s7], $0x1, s29, s7, $0xb8;
	[tilespmem:$0x2180] =	vst v63  }
0x69: {  	s5 =	sld [smem:$0x7F3]  }
0x6a: {  	[tilespmem:s17], [sflag:$0x1] =	stream.indirect.gather [hbm4b:s3+s7], $0x1, s31, s7, $0xb8;
	[tilespmem:$0x2180] =	vst v63  }
0x6b: {  	s6 =	sld [smem:$0x7F4]  }
0x6c: {  	[tilespmem:s16], [sflag:$0x1] =	stream.indirect.gather [hbm4b:s3+s7], $0x1, s5, s7, $0xb8;
	[tilespmem:$0x2180] =	vst v63  }
0x6d: {  	s19 =	sld [smem:$0x7F5]  }
0x6e: {  	[tilespmem:s15], [sflag:$0x1] =	stream.indirect.gather [hbm4b:s3+s7], $0x1, s6, s7, $0xb8;
	[tilespmem:$0x2180] =	vst v63  }
0x6f: {  	s20 =	sld [smem:$0x7F6]  }
0x70: {  	[tilespmem:s14], [sflag:$0x1] =	stream.indirect.gather [hbm4b:s3+s7], $0x1, s19, s7, $0xb8;
	[tilespmem:$0x2180] =	vst v63  }
0x71: {  	s21 =	sld [smem:$0x7F7]  }
0x72: {  	[tilespmem:s13], [sflag:$0x1] =	stream.indirect.gather [hbm4b:s3+s7], $0x1, s20, s7, $0xb8;
	[tilespmem:$0x2180] =	vst v63  }
0x73: {  	s22 =	sld [smem:$0x7F8]  }
0x74: {  	[tilespmem:s12], [sflag:$0x1] =	stream.indirect.gather [hbm4b:s3+s7], $0x1, s21, s7, $0xb8;
	[tilespmem:$0x2180] =	vst v63  }
0x75: {  	s23 =	sld [smem:$0x7F9]  }
0x76: {  	[tilespmem:s11], [sflag:$0x1] =	stream.indirect.gather [hbm4b:s3+s7], $0x1, s22, s7, $0xb8;
	[tilespmem:$0x2180] =	vst v63  }
0x77: {  	s24 =	sld [smem:$0x7FA]  }
0x78: {  	[tilespmem:s10], [sflag:$0x1] =	stream.indirect.gather [hbm4b:s3+s7], $0x1, s23, s7, $0xb8;
	[tilespmem:$0x2180] =	vst v63  }
0x79: {  	s25 =	sld [smem:$0x7FB]  }
0x7a: {  	[tilespmem:s9], [sflag:$0x1] =	stream.indirect.gather [hbm4b:s3+s7], $0x1, s24, s7, $0xb8;
	[tilespmem:$0x2180] =	vst v63  }
0x7b: {  	s26 =	sld [smem:$0x7FC]  }
0x7c: {  	[tilespmem:s8], [sflag:$0x1] =	stream.indirect.gather [hbm4b:s3+s7], $0x1, s25, s7, $0xb8;
	[tilespmem:$0x2180] =	vst v63  }
0x7d: {  	s28 =	sld [smem:$0x7FD]  }
0x7e: {  	[tilespmem:s0], [sflag:$0x1] =	stream.indirect.gather [hbm4b:s3+s7], $0x1, s26, s7, $0xb8;
	[tilespmem:$0x2180] =	vst v63  }
0x7f: {  	s29 =	simm.s32 $0x1B00  }
0x80: {  	[tilespmem:s29], [sflag:$0x1] =	stream.indirect.gather [hbm4b:s3+s7], $0x1, s28, s7, $0xb8;
	[tilespmem:$0x2180] =	vst v63  }
0x81: {  	s31 =	simm.s32 $0xB80;
	s5 =	simm.s32 $0x1B80  }
0x82: {  	[tilespmem:s5], [sflag:$0x1] =	stream.indirect.gather [hbm4b:s3+s7], $0x1, s31, s7, $0xb8;
	[tilespmem:$0x2180] =	vst v63  }
0x83: {  	s9 =	simm.s32 $0x1C00;
	s8 =	simm.s32 $0xC00  }
0x84: {  	[tilespmem:s9], [sflag:$0x1] =	stream.indirect.gather [hbm4b:s3+s7], $0x1, s8, s7, $0xb8;
	[tilespmem:$0x2180] =	vst v63  }
0x85: {  	s11 =	simm.s32 $0x1C80;
	s10 =	simm.s32 $0xC80  }
0x86: {  	[tilespmem:s11], [sflag:$0x1] =	stream.indirect.gather [hbm4b:s3+s7], $0x1, s10, s7, $0xb8;
	[tilespmem:$0x2180] =	vst v63  }
0x87: {  	s13 =	simm.s32 $0x1D00;
	s12 =	simm.s32 $0xD00  }
0x88: {  	[tilespmem:s13], [sflag:$0x1] =	stream.indirect.gather [hbm4b:s3+s7], $0x1, s12, s7, $0xb8;
	[tilespmem:$0x2180] =	vst v63  }
0x89: {  	s15 =	simm.s32 $0x1D80;
	s14 =	simm.s32 $0xD80  }
0x8a: {  	[tilespmem:s15], [sflag:$0x1] =	stream.indirect.gather [hbm4b:s3+s7], $0x1, s14, s7, $0xb8;
	[tilespmem:$0x2180] =	vst v63  }
0x8b: {  	s17 =	simm.s32 $0x1E00;
	s16 =	simm.s32 $0xE00  }
0x8c: {  	[tilespmem:s17], [sflag:$0x1] =	stream.indirect.gather [hbm4b:s3+s7], $0x1, s16, s7, $0xb8;
	[tilespmem:$0x2180] =	vst v63  }
0x8d: {  	s18 =	simm.s32 $0xE80;
	s19 =	simm.s32 $0x1E80  }
0x8e: {  	[tilespmem:s19], [sflag:$0x1] =	stream.indirect.gather [hbm4b:s3+s7], $0x1, s18, s7, $0xb8;
	[tilespmem:$0x2180] =	vst v63  }
0x8f: {  	s20 =	simm.s32 $0xF00;
	s21 =	simm.s32 $0x1F00  }
0x90: {  	[tilespmem:s21], [sflag:$0x1] =	stream.indirect.gather [hbm4b:s3+s7], $0x1, s20, s7, $0xb8;
	[tilespmem:$0x2180] =	vst v63  }
0x91: {  	s22 =	simm.s32 $0xF80;
	s23 =	simm.s32 $0x1F80  }
0x92: {  	[tilespmem:s23], [sflag:$0x1] =	stream.indirect.gather [hbm4b:s3+s7], $0x1, s22, s7, $0xb8;
	[tilespmem:$0x2180] =	vst v63  }
0x93: {  	s24 =	rddreg [dreg:$0x5];
	s25 =	simm.s32 $0x40;
	s26 =	simm.s32 $0x2080  }
0x94: {  	[tilespmem:s26], [sflag:$0x1] =	stream.indirect.gather [hbm4b:s24+s25], $0x1, s2, s25, $0xb8;
	[tilespmem:$0x2180] =	vst v63  }
0x95: {  	s30 =	simm.s32 $0x1;
	s28 =	rddreg [dreg:$0x6];
	s29 =	simm.s32 $0x2100  }
0x96: {  	[tilespmem:s29], [sflag:$0x1] =	stream.indirect.gather [hbm4b:s28+s25], $0x1, s2, s25, $0xb8;
	[tilespmem:$0x2180] =	vst v63  }
0x97: {  	_ =	swait.ge [sflag:s30], $0x80  }
0x98: {  	[sflag:s30] =	ssyncset.done $0x0  }
0x99: {  	[sflag:s30] =	ssyncadd.s32 $0xFFFFFF80  }
0x9a: {  	_ =	swait.ge [sflag:s30], $0x80  }
0x9b: {  	[sflag:s30] =	ssyncset.done $0x0  }
0x9c: {  	[sflag:s30] =	ssyncadd.s32 $0xFFFFFF80  }
0x9d: {  	_ =	swait.ge [sflag:s30], $0x80  }
0x9e: {  	[sflag:s30] =	ssyncset.done $0x0  }
0x9f: {  	[sflag:s30] =	ssyncadd.s32 $0xFFFFFF80  }
0xa0: {  	_ =	swait.ge [sflag:s30], $0x80  }
0xa1: {  	[sflag:s30] =	ssyncset.done $0x0  }
0xa2: {  	[sflag:s30] =	ssyncadd.s32 $0xFFFFFF80  }
0xa3: {  	_ =	swait.ge [sflag:s30], $0x80  }
0xa4: {  	[sflag:s30] =	ssyncset.done $0x0  }
0xa5: {  	[sflag:s30] =	ssyncadd.s32 $0xFFFFFF80  }
0xa6: {  	_ =	swait.ge [sflag:s30], $0x80  }
0xa7: {  	[sflag:s30] =	ssyncset.done $0x0  }
0xa8: {  	[sflag:s30] =	ssyncadd.s32 $0xFFFFFF80  }
0xa9: {  	_ =	swait.ge [sflag:s30], $0x80  }
0xaa: {  	[sflag:s30] =	ssyncset.done $0x0  }
0xab: {  	[sflag:s30] =	ssyncadd.s32 $0xFFFFFF80  }
0xac: {  	_ =	swait.ge [sflag:s30], $0x80  }
0xad: {  	[sflag:s30] =	ssyncset.done $0x0  }
0xae: {  	[sflag:s30] =	ssyncadd.s32 $0xFFFFFF80  }
0xaf: {  	_ =	swait.ge [sflag:s30], $0x80  }
0xb0: {  	[sflag:s30] =	ssyncset.done $0x0  }
0xb1: {  	[sflag:s30] =	ssyncadd.s32 $0xFFFFFF80  }
0xb2: {  	_ =	swait.ge [sflag:s30], $0x80  }
0xb3: {  	[sflag:s30] =	ssyncset.done $0x0  }
0xb4: {  	[sflag:s30] =	ssyncadd.s32 $0xFFFFFF80  }
0xb5: {  	_ =	swait.ge [sflag:s30], $0x80  }
0xb6: {  	[sflag:s30] =	ssyncset.done $0x0  }
0xb7: {  	[sflag:s30] =	ssyncadd.s32 $0xFFFFFF80  }
0xb8: {  	_ =	swait.ge [sflag:s30], $0x80  }
0xb9: {  	[sflag:s30] =	ssyncset.done $0x0  }
0xba: {  	[sflag:s30] =	ssyncadd.s32 $0xFFFFFF80  }
0xbb: {  	_ =	swait.ge [sflag:s30], $0x80  }
0xbc: {  	[sflag:s30] =	ssyncset.done $0x0  }
0xbd: {  	[sflag:s30] =	ssyncadd.s32 $0xFFFFFF80  }
0xbe: {  	_ =	swait.ge [sflag:s30], $0x80  }
0xbf: {  	[sflag:s30] =	ssyncset.done $0x0  }
0xc0: {  	[sflag:s30] =	ssyncadd.s32 $0xFFFFFF80  }
0xc1: {  	_ =	swait.ge [sflag:s30], $0x80  }
0xc2: {  	[sflag:s30] =	ssyncset.done $0x0  }
0xc3: {  	[sflag:s30] =	ssyncadd.s32 $0xFFFFFF80  }
0xc4: {  	_ =	swait.ge [sflag:s30], $0x80  }
0xc5: {  	[sflag:s30] =	ssyncset.done $0x0  }
0xc6: {  	[sflag:s30] =	ssyncadd.s32 $0xFFFFFF80  }
0xc7: {  	_ =	swait.ge [sflag:s30], $0x80  }
0xc8: {  	[sflag:s30] =	ssyncset.done $0x0  }
0xc9: {  	[sflag:s30] =	ssyncadd.s32 $0xFFFFFF80  }
0xca: {  	_ =	swait.ge [sflag:s30], $0x80  }
0xcb: {  	[sflag:s30] =	ssyncset.done $0x0  }
0xcc: {  	[sflag:s30] =	ssyncadd.s32 $0xFFFFFF80  }
0xcd: {  	_ =	swait.ge [sflag:s30], $0x80  }
0xce: {  	[sflag:s30] =	ssyncset.done $0x0  }
0xcf: {  	[sflag:s30] =	ssyncadd.s32 $0xFFFFFF80  }
0xd0: {  	_ =	swait.ge [sflag:s30], $0x80  }
0xd1: {  	[sflag:s30] =	ssyncset.done $0x0  }
0xd2: {  	[sflag:s30] =	ssyncadd.s32 $0xFFFFFF80  }
0xd3: {  	_ =	swait.ge [sflag:s30], $0x80  }
0xd4: {  	[sflag:s30] =	ssyncset.done $0x0  }
0xd5: {  	[sflag:s30] =	ssyncadd.s32 $0xFFFFFF80  }
0xd6: {  	_ =	swait.ge [sflag:s30], $0x80  }
0xd7: {  	[sflag:s30] =	ssyncset.done $0x0  }
0xd8: {  	[sflag:s30] =	ssyncadd.s32 $0xFFFFFF80  }
0xd9: {  	_ =	swait.ge [sflag:s30], $0x80  }
0xda: {  	[sflag:s30] =	ssyncset.done $0x0  }
0xdb: {  	[sflag:s30] =	ssyncadd.s32 $0xFFFFFF80  }
0xdc: {  	_ =	swait.ge [sflag:s30], $0x80  }
0xdd: {  	[sflag:s30] =	ssyncset.done $0x0  }
0xde: {  	[sflag:s30] =	ssyncadd.s32 $0xFFFFFF80  }
0xdf: {  	_ =	swait.ge [sflag:s30], $0x80  }
0xe0: {  	[sflag:s30] =	ssyncset.done $0x0  }
0xe1: {  	[sflag:s30] =	ssyncadd.s32 $0xFFFFFF80  }
0xe2: {  	_ =	swait.ge [sflag:s30], $0x80  }
0xe3: {  	[sflag:s30] =	ssyncset.done $0x0  }
0xe4: {  	[sflag:s30] =	ssyncadd.s32 $0xFFFFFF80  }
0xe5: {  	_ =	swait.ge [sflag:s30], $0x80  }
0xe6: {  	[sflag:s30] =	ssyncset.done $0x0  }
0xe7: {  	[sflag:s30] =	ssyncadd.s32 $0xFFFFFF80  }
0xe8: {  	_ =	swait.ge [sflag:s30], $0x80  }
0xe9: {  	[sflag:s30] =	ssyncset.done $0x0  }
0xea: {  	[sflag:s30] =	ssyncadd.s32 $0xFFFFFF80  }
0xeb: {  	_ =	swait.ge [sflag:s30], $0x80  }
0xec: {  	[sflag:s30] =	ssyncset.done $0x0  }
0xed: {  	s31 =	ssub.s32 $0x2, s1;
	[sflag:s30] =	ssyncadd.s32 $0xFFFFFF80  }
0xee: {  	s1 =	sshrl.u32 s31, $0x1;
	_ =	swait.ge [sflag:s30], $0x80  }
0xef: {  	s0 =	ssub.s32 s31, s1;
	[sflag:s30] =	ssyncset.done $0x0  }
0xf0: {  	s0 =	smax.u32 s0, $0x1;
	[sflag:s30] =	ssyncadd.s32 $0xFFFFFF80  }
0xf1: {  	p0 =	sne.s32 s0, $0x1;
	_ =	swait.ge [sflag:s30], $0x80  }
.Ltmp0:
0xf2: {  	[sflag:s30] =	ssyncset.done $0x0;
	(pc) =	sbr.rel @!p0 .LBB2_3-.Ltmp0, $4  }
0xf3: {  	[sflag:s30] =	ssyncadd.s32 $0xFFFFFF80  }
0xf4: {  	_ =	swait.ge [sflag:s30], $0x80  }
0xf5: {  	s9 =	simm.s32 $0x2100;
	[sflag:s30] =	ssyncset.done $0x0  }
0xf6: {  	s10 =	simm.s32 $0x2080;
	s1 =	sadd.s32 $0xFFFFFFFF, s0;
	[sflag:s30] =	ssyncadd.s32 $0xFFFFFF80  }
0xf7: {  	s21 =	simm.s32 $0x0  }
0xf8: {  	s5 =	simm.s32 $0x2080;
	s31 =	simm.s32 $0x2100;
	s2 =	simm.s32 $0x2000  }
.LBB2_2:
0xf9: {  	_ =	swait.ge [sflag:s30], $0x40  }
0xfa: {  	[sflag:s30] =	ssyncset.done $0x0  }
0xfb: {  	[sflag:s30] =	ssyncadd.s32 $0xFFFFFFC0  }
0xfc: {  	_ =	swait.ge [sflag:s30], $0x40  }
0xfd: {  	[sflag:s30] =	ssyncset.done $0x0  }
0xfe: {  	s19 =	simm.s32 $0x1000;
	s0 =	rddreg [dreg:$0x9];
	[sflag:s30] =	ssyncadd.s32 $0xFFFFFFC0  }
0xff: {  	[hbm4b:s0+s21] =	stream.linear.scatter [tilespmem:s19], [sflag:$0x2], $0x1000, $0x38;
	[tilespmem:$0x2180] =	vst v63  }
0x100: {  	_ =	swait.ge [sflag:s4], $0x1000  }
0x101: {  	[sflag:s4] =	ssyncset.done $0x0  }
0x102: {  	s23 =	rddreg [dreg:$0xa];
	[sflag:s4] =	ssyncadd.s32 $0xFFFFF000  }
0x103: {  	[hbm4b:s23+s21] =	stream.linear.scatter [tilespmem:s5], [sflag:$0x2], $0x80, $0x38;
	[tilespmem:$0x2180] =	vst v63  }
0x104: {  	_ =	swait.ge [sflag:s4], $0x80  }
0x105: {  	[sflag:s4] =	ssyncset.done $0x0  }
0x106: {  	s24 =	rddreg [dreg:$0xb];
	[sflag:s4] =	ssyncadd.s32 $0xFFFFFF80  }
0x107: {  	[hbm4b:s24+s21] =	stream.linear.scatter [tilespmem:s31], [sflag:$0x2], $0x80, $0x38;
	[tilespmem:$0x2180] =	vst v63  }
0x108: {  	_ =	swait.ge [sflag:s4], $0x80  }
0x109: {  	[sflag:s4] =	ssyncset.done $0x0  }
0x10a: {  	s25 =	rddreg [dreg:$0x7];
	[sflag:s4] =	ssyncadd.s32 $0xFFFFFF80  }
0x10b: {  	[tilespmem:s21], [sflag:$0x2] =	stream.linear.gather [hbm4b:s25+s21], $0x1000, $0x38;
	[tilespmem:$0x2180] =	vst v63  }
0x10c: {  	_ =	swait.ge [sflag:s4], $0x1000  }
0x10d: {  	[sflag:s4] =	ssyncset.done $0x0  }
0x10e: {  	s26 =	rddreg [dreg:$0x8];
	[sflag:s4] =	ssyncadd.s32 $0xFFFFF000  }
0x10f: {  	[tilespmem:s2], [sflag:$0x2] =	stream.linear.gather [hbm4b:s26+s21], $0x80, $0x38;
	[tilespmem:$0x2180] =	vst v63  }
0x110: {  	_ =	swait.ge [sflag:s4], $0x80  }
0x111: {  	s0 =	sld [smem:$0x7E8]  }
0x112: {  	s8 =	sld [smem:$0x7E9]  }
0x113: {  	s9 =	sld [smem:$0x7EA]  }
0x114: {  	s10 =	sld [smem:$0x7EB]  }
0x115: {  	s11 =	sld [smem:$0x7EC]  }
0x116: {  	s12 =	sld [smem:$0x7ED]  }
0x117: {  	s13 =	sld [smem:$0x7EE]  }
0x118: {  	s14 =	sld [smem:$0x7EF]  }
0x119: {  	s15 =	sld [smem:$0x7F0]  }
0x11a: {  	s16 =	sld [smem:$0x7F1]  }
0x11b: {  	s17 =	sld [smem:$0x7F2]  }
0x11c: {  	s18 =	rddreg [dreg:$0x1e]  }
0x11d: {  	s20 =	rddreg [dreg:$0x1c]  }
0x11e: {  	s22 =	rddreg [dreg:$0x1a]  }
0x11f: {  	s23 =	rddreg [dreg:$0x18]  }
0x120: {  	s24 =	rddreg [dreg:$0x16]  }
0x121: {  	s25 =	rddreg [dreg:$0x14]  }
0x122: {  	s26 =	rddreg [dreg:$0x12]  }
0x123: {  	s28 =	rddreg [dreg:$0xd]  }
0x124: {  	[sflag:s4] =	ssyncset.done $0x0;
	s29 =	rddreg [dreg:$0xc]  }
0x125: {  	s6 =	rddreg [dreg:$0xe];
	[sflag:s4] =	ssyncadd.s32 $0xFFFFFF80  }
0x126: {  	[tilespmem:s19], [sflag:$0x1] =	stream.indirect.gather [hbm4b:s3+s7], $0x1, s21, s7, $0xb8;
	[tilespmem:$0x2180] =	vst v63  }
0x127: {  	s19 =	rddreg [dreg:$0x10]  }
0x128: {  	[tilespmem:s29], [sflag:$0x1] =	stream.indirect.gather [hbm4b:s3+s7], $0x1, s7, s7, $0xb8;
	[tilespmem:$0x2180] =	vst v63  }
0x129: {  	s29 =	rddreg [dreg:$0xf]  }
0x12a: {  	[tilespmem:s6], [sflag:$0x1] =	stream.indirect.gather [hbm4b:s3+s7], $0x1, s28, s7, $0xb8;
	[tilespmem:$0x2180] =	vst v63  }
0x12b: {  	s28 =	rddreg [dreg:$0x11]  }
0x12c: {  	[tilespmem:s19], [sflag:$0x1] =	stream.indirect.gather [hbm4b:s3+s7], $0x1, s29, s7, $0xb8;
	[tilespmem:$0x2180] =	vst v63  }
0x12d: {  	s29 =	rddreg [dreg:$0x13]  }
0x12e: {  	[tilespmem:s26], [sflag:$0x1] =	stream.indirect.gather [hbm4b:s3+s7], $0x1, s28, s7, $0xb8;
	[tilespmem:$0x2180] =	vst v63  }
0x12f: {  	s26 =	rddreg [dreg:$0x15]  }
0x130: {  	[tilespmem:s25], [sflag:$0x1] =	stream.indirect.gather [hbm4b:s3+s7], $0x1, s29, s7, $0xb8;
	[tilespmem:$0x2180] =	vst v63  }
0x131: {  	s28 =	rddreg [dreg:$0x17]  }
0x132: {  	[tilespmem:s24], [sflag:$0x1] =	stream.indirect.gather [hbm4b:s3+s7], $0x1, s26, s7, $0xb8;
	[tilespmem:$0x2180] =	vst v63  }
0x133: {  	s29 =	rddreg [dreg:$0x19]  }
0x134: {  	[tilespmem:s23], [sflag:$0x1] =	stream.indirect.gather [hbm4b:s3+s7], $0x1, s28, s7, $0xb8;
	[tilespmem:$0x2180] =	vst v63  }
0x135: {  	s25 =	rddreg [dreg:$0x1d]  }
0x136: {  	[tilespmem:s22], [sflag:$0x1] =	stream.indirect.gather [hbm4b:s3+s7], $0x1, s29, s7, $0xb8;
	[tilespmem:$0x2180] =	vst v63  }
0x137: {  	s24 =	rddreg [dreg:$0x1b]  }
0x138: {  	[tilespmem:s20], [sflag:$0x1] =	stream.indirect.gather [hbm4b:s3+s7], $0x1, s24, s7, $0xb8;
	[tilespmem:$0x2180] =	vst v63  }
0x139: {  	s26 =	rddreg [dreg:$0x1f]  }
0x13a: {  	[tilespmem:s18], [sflag:$0x1] =	stream.indirect.gather [hbm4b:s3+s7], $0x1, s25, s7, $0xb8;
	[tilespmem:$0x2180] =	vst v63  }
0x13b: {  	s28 =	sld [smem:$0x7F3]  }
0x13c: {  	[tilespmem:s17], [sflag:$0x1] =	stream.indirect.gather [hbm4b:s3+s7], $0x1, s26, s7, $0xb8;
	[tilespmem:$0x2180] =	vst v63  }
0x13d: {  	s29 =	sld [smem:$0x7F4]  }
0x13e: {  	[tilespmem:s16], [sflag:$0x1] =	stream.indirect.gather [hbm4b:s3+s7], $0x1, s28, s7, $0xb8;
	[tilespmem:$0x2180] =	vst v63  }
0x13f: {  	s18 =	sld [smem:$0x7F5]  }
0x140: {  	[tilespmem:s15], [sflag:$0x1] =	stream.indirect.gather [hbm4b:s3+s7], $0x1, s29, s7, $0xb8;
	[tilespmem:$0x2180] =	vst v63  }
0x141: {  	s19 =	sld [smem:$0x7F6]  }
0x142: {  	[tilespmem:s14], [sflag:$0x1] =	stream.indirect.gather [hbm4b:s3+s7], $0x1, s18, s7, $0xb8;
	[tilespmem:$0x2180] =	vst v63  }
0x143: {  	s20 =	sld [smem:$0x7F7]  }
0x144: {  	[tilespmem:s13], [sflag:$0x1] =	stream.indirect.gather [hbm4b:s3+s7], $0x1, s19, s7, $0xb8;
	[tilespmem:$0x2180] =	vst v63  }
0x145: {  	s22 =	sld [smem:$0x7F8]  }
0x146: {  	[tilespmem:s12], [sflag:$0x1] =	stream.indirect.gather [hbm4b:s3+s7], $0x1, s20, s7, $0xb8;
	[tilespmem:$0x2180] =	vst v63  }
0x147: {  	s23 =	sld [smem:$0x7F9]  }
0x148: {  	[tilespmem:s11], [sflag:$0x1] =	stream.indirect.gather [hbm4b:s3+s7], $0x1, s22, s7, $0xb8;
	[tilespmem:$0x2180] =	vst v63  }
0x149: {  	s24 =	sld [smem:$0x7FA]  }
0x14a: {  	[tilespmem:s10], [sflag:$0x1] =	stream.indirect.gather [hbm4b:s3+s7], $0x1, s23, s7, $0xb8;
	[tilespmem:$0x2180] =	vst v63  }
0x14b: {  	s25 =	sld [smem:$0x7FB]  }
0x14c: {  	[tilespmem:s9], [sflag:$0x1] =	stream.indirect.gather [hbm4b:s3+s7], $0x1, s24, s7, $0xb8;
	[tilespmem:$0x2180] =	vst v63  }
0x14d: {  	s26 =	sld [smem:$0x7FC]  }
0x14e: {  	[tilespmem:s8], [sflag:$0x1] =	stream.indirect.gather [hbm4b:s3+s7], $0x1, s25, s7, $0xb8;
	[tilespmem:$0x2180] =	vst v63  }
0x14f: {  	s28 =	sld [smem:$0x7FD]  }
0x150: {  	[tilespmem:s0], [sflag:$0x1] =	stream.indirect.gather [hbm4b:s3+s7], $0x1, s26, s7, $0xb8;
	[tilespmem:$0x2180] =	vst v63  }
0x151: {  	s29 =	simm.s32 $0x1B00  }
0x152: {  	[tilespmem:s29], [sflag:$0x1] =	stream.indirect.gather [hbm4b:s3+s7], $0x1, s28, s7, $0xb8;
	[tilespmem:$0x2180] =	vst v63  }
0x153: {  	s6 =	simm.s32 $0xB80;
	s8 =	simm.s32 $0x1B80  }
0x154: {  	[tilespmem:s8], [sflag:$0x1] =	stream.indirect.gather [hbm4b:s3+s7], $0x1, s6, s7, $0xb8;
	[tilespmem:$0x2180] =	vst v63  }
0x155: {  	s10 =	simm.s32 $0x1C00;
	s9 =	simm.s32 $0xC00  }
0x156: {  	[tilespmem:s10], [sflag:$0x1] =	stream.indirect.gather [hbm4b:s3+s7], $0x1, s9, s7, $0xb8;
	[tilespmem:$0x2180] =	vst v63  }
0x157: {  	s12 =	simm.s32 $0x1C80;
	s11 =	simm.s32 $0xC80  }
0x158: {  	[tilespmem:s12], [sflag:$0x1] =	stream.indirect.gather [hbm4b:s3+s7], $0x1, s11, s7, $0xb8;
	[tilespmem:$0x2180] =	vst v63  }
0x159: {  	s14 =	simm.s32 $0x1D00;
	s13 =	simm.s32 $0xD00  }
0x15a: {  	[tilespmem:s14], [sflag:$0x1] =	stream.indirect.gather [hbm4b:s3+s7], $0x1, s13, s7, $0xb8;
	[tilespmem:$0x2180] =	vst v63  }
0x15b: {  	s16 =	simm.s32 $0x1D80;
	s15 =	simm.s32 $0xD80  }
0x15c: {  	[tilespmem:s16], [sflag:$0x1] =	stream.indirect.gather [hbm4b:s3+s7], $0x1, s15, s7, $0xb8;
	[tilespmem:$0x2180] =	vst v63  }
0x15d: {  	s17 =	simm.s32 $0xE00;
	s18 =	simm.s32 $0x1E00  }
0x15e: {  	[tilespmem:s18], [sflag:$0x1] =	stream.indirect.gather [hbm4b:s3+s7], $0x1, s17, s7, $0xb8;
	[tilespmem:$0x2180] =	vst v63  }
0x15f: {  	s19 =	simm.s32 $0xE80;
	s20 =	simm.s32 $0x1E80  }
0x160: {  	[tilespmem:s20], [sflag:$0x1] =	stream.indirect.gather [hbm4b:s3+s7], $0x1, s19, s7, $0xb8;
	[tilespmem:$0x2180] =	vst v63  }
0x161: {  	s23 =	simm.s32 $0xF00;
	s24 =	simm.s32 $0x1F00  }
0x162: {  	[tilespmem:s24], [sflag:$0x1] =	stream.indirect.gather [hbm4b:s3+s7], $0x1, s23, s7, $0xb8;
	[tilespmem:$0x2180] =	vst v63  }
0x163: {  	s26 =	simm.s32 $0xF80;
	s28 =	simm.s32 $0x1F80  }
0x164: {  	[tilespmem:s28], [sflag:$0x1] =	stream.indirect.gather [hbm4b:s3+s7], $0x1, s26, s7, $0xb8;
	[tilespmem:$0x2180] =	vst v63  }
0x165: {  	s22 =	rddreg [dreg:$0x5];
	s29 =	simm.s32 $0x40  }
0x166: {  	[tilespmem:s5], [sflag:$0x1] =	stream.indirect.gather [hbm4b:s22+s29], $0x1, s2, s29, $0xb8;
	[tilespmem:$0x2180] =	vst v63  }
0x167: {  	s25 =	rddreg [dreg:$0x6]  }
0x168: {  	[tilespmem:s31], [sflag:$0x1] =	stream.indirect.gather [hbm4b:s25+s29], $0x1, s2, s29, $0xb8;
	[tilespmem:$0x2180] =	vst v63  }
0x169: {  	_ =	swait.ge [sflag:s30], $0x80  }
0x16a: {  	[sflag:s30] =	ssyncset.done $0x0  }
0x16b: {  	[sflag:s30] =	ssyncadd.s32 $0xFFFFFF80  }
0x16c: {  	_ =	swait.ge [sflag:s30], $0x80  }
0x16d: {  	[sflag:s30] =	ssyncset.done $0x0  }
0x16e: {  	[sflag:s30] =	ssyncadd.s32 $0xFFFFFF80  }
0x16f: {  	_ =	swait.ge [sflag:s30], $0x80  }
0x170: {  	[sflag:s30] =	ssyncset.done $0x0  }
0x171: {  	[sflag:s30] =	ssyncadd.s32 $0xFFFFFF80  }
0x172: {  	_ =	swait.ge [sflag:s30], $0x80  }
0x173: {  	[sflag:s30] =	ssyncset.done $0x0  }
0x174: {  	[sflag:s30] =	ssyncadd.s32 $0xFFFFFF80  }
0x175: {  	_ =	swait.ge [sflag:s30], $0x80  }
0x176: {  	[sflag:s30] =	ssyncset.done $0x0  }
0x177: {  	[sflag:s30] =	ssyncadd.s32 $0xFFFFFF80  }
0x178: {  	_ =	swait.ge [sflag:s30], $0x80  }
0x179: {  	[sflag:s30] =	ssyncset.done $0x0  }
0x17a: {  	[sflag:s30] =	ssyncadd.s32 $0xFFFFFF80  }
0x17b: {  	_ =	swait.ge [sflag:s30], $0x80  }
0x17c: {  	[sflag:s30] =	ssyncset.done $0x0  }
0x17d: {  	[sflag:s30] =	ssyncadd.s32 $0xFFFFFF80  }
0x17e: {  	_ =	swait.ge [sflag:s30], $0x80  }
0x17f: {  	[sflag:s30] =	ssyncset.done $0x0  }
0x180: {  	[sflag:s30] =	ssyncadd.s32 $0xFFFFFF80  }
0x181: {  	_ =	swait.ge [sflag:s30], $0x80  }
0x182: {  	[sflag:s30] =	ssyncset.done $0x0  }
0x183: {  	[sflag:s30] =	ssyncadd.s32 $0xFFFFFF80  }
0x184: {  	_ =	swait.ge [sflag:s30], $0x80  }
0x185: {  	[sflag:s30] =	ssyncset.done $0x0  }
0x186: {  	[sflag:s30] =	ssyncadd.s32 $0xFFFFFF80  }
0x187: {  	_ =	swait.ge [sflag:s30], $0x80  }
0x188: {  	[sflag:s30] =	ssyncset.done $0x0  }
0x189: {  	[sflag:s30] =	ssyncadd.s32 $0xFFFFFF80  }
0x18a: {  	_ =	swait.ge [sflag:s30], $0x80  }
0x18b: {  	[sflag:s30] =	ssyncset.done $0x0  }
0x18c: {  	[sflag:s30] =	ssyncadd.s32 $0xFFFFFF80  }
0x18d: {  	_ =	swait.ge [sflag:s30], $0x80  }
0x18e: {  	[sflag:s30] =	ssyncset.done $0x0  }
0x18f: {  	[sflag:s30] =	ssyncadd.s32 $0xFFFFFF80  }
0x190: {  	_ =	swait.ge [sflag:s30], $0x80  }
0x191: {  	[sflag:s30] =	ssyncset.done $0x0  }
0x192: {  	[sflag:s30] =	ssyncadd.s32 $0xFFFFFF80  }
0x193: {  	_ =	swait.ge [sflag:s30], $0x80  }
0x194: {  	[sflag:s30] =	ssyncset.done $0x0  }
0x195: {  	[sflag:s30] =	ssyncadd.s32 $0xFFFFFF80  }
0x196: {  	_ =	swait.ge [sflag:s30], $0x80  }
0x197: {  	[sflag:s30] =	ssyncset.done $0x0  }
0x198: {  	[sflag:s30] =	ssyncadd.s32 $0xFFFFFF80  }
0x199: {  	_ =	swait.ge [sflag:s30], $0x80  }
0x19a: {  	[sflag:s30] =	ssyncset.done $0x0  }
0x19b: {  	[sflag:s30] =	ssyncadd.s32 $0xFFFFFF80  }
0x19c: {  	_ =	swait.ge [sflag:s30], $0x80  }
0x19d: {  	[sflag:s30] =	ssyncset.done $0x0  }
0x19e: {  	[sflag:s30] =	ssyncadd.s32 $0xFFFFFF80  }
0x19f: {  	_ =	swait.ge [sflag:s30], $0x80  }
0x1a0: {  	[sflag:s30] =	ssyncset.done $0x0  }
0x1a1: {  	[sflag:s30] =	ssyncadd.s32 $0xFFFFFF80  }
0x1a2: {  	_ =	swait.ge [sflag:s30], $0x80  }
0x1a3: {  	[sflag:s30] =	ssyncset.done $0x0  }
0x1a4: {  	[sflag:s30] =	ssyncadd.s32 $0xFFFFFF80  }
0x1a5: {  	_ =	swait.ge [sflag:s30], $0x80  }
0x1a6: {  	[sflag:s30] =	ssyncset.done $0x0  }
0x1a7: {  	[sflag:s30] =	ssyncadd.s32 $0xFFFFFF80  }
0x1a8: {  	_ =	swait.ge [sflag:s30], $0x80  }
0x1a9: {  	[sflag:s30] =	ssyncset.done $0x0  }
0x1aa: {  	[sflag:s30] =	ssyncadd.s32 $0xFFFFFF80  }
0x1ab: {  	_ =	swait.ge [sflag:s30], $0x80  }
0x1ac: {  	[sflag:s30] =	ssyncset.done $0x0  }
0x1ad: {  	[sflag:s30] =	ssyncadd.s32 $0xFFFFFF80  }
0x1ae: {  	_ =	swait.ge [sflag:s30], $0x80  }
0x1af: {  	[sflag:s30] =	ssyncset.done $0x0  }
0x1b0: {  	[sflag:s30] =	ssyncadd.s32 $0xFFFFFF80  }
0x1b1: {  	_ =	swait.ge [sflag:s30], $0x80  }
0x1b2: {  	[sflag:s30] =	ssyncset.done $0x0  }
0x1b3: {  	[sflag:s30] =	ssyncadd.s32 $0xFFFFFF80  }
0x1b4: {  	_ =	swait.ge [sflag:s30], $0x80  }
0x1b5: {  	[sflag:s30] =	ssyncset.done $0x0  }
0x1b6: {  	[sflag:s30] =	ssyncadd.s32 $0xFFFFFF80  }
0x1b7: {  	_ =	swait.ge [sflag:s30], $0x80  }
0x1b8: {  	[sflag:s30] =	ssyncset.done $0x0  }
0x1b9: {  	[sflag:s30] =	ssyncadd.s32 $0xFFFFFF80  }
0x1ba: {  	_ =	swait.ge [sflag:s30], $0x80  }
0x1bb: {  	[sflag:s30] =	ssyncset.done $0x0  }
0x1bc: {  	[sflag:s30] =	ssyncadd.s32 $0xFFFFFF80  }
0x1bd: {  	_ =	swait.ge [sflag:s30], $0x80  }
0x1be: {  	[sflag:s30] =	ssyncset.done $0x0  }
0x1bf: {  	[sflag:s30] =	ssyncadd.s32 $0xFFFFFF80  }
0x1c0: {  	_ =	swait.ge [sflag:s30], $0x80  }
0x1c1: {  	[sflag:s30] =	ssyncset.done $0x0  }
0x1c2: {  	[sflag:s30] =	ssyncadd.s32 $0xFFFFFF80  }
0x1c3: {  	p0 =	sne.s32 s1, $0x1;
	_ =	swait.ge [sflag:s30], $0x80  }
.Ltmp1:
0x1c4: {  	[sflag:s30] =	ssyncset.done $0x0;
	(pc) =	sbr.rel @p0 .LBB2_2-.Ltmp1, $4  }
0x1c5: {  	[sflag:s30] =	ssyncadd.s32 $0xFFFFFF80  }
0x1c6: {  	_ =	swait.ge [sflag:s30], $0x80  }
0x1c7: {  	s1 =	sadd.s32 $0xFFFFFFFF, s1;
	[sflag:s30] =	ssyncset.done $0x0  }
0x1c8: {  	s10 =	simm.s32 $0x2080;
	s9 =	simm.s32 $0x2100;
	[sflag:s30] =	ssyncadd.s32 $0xFFFFFF80  }
.LBB2_3:
0x1c9: {  	_ =	swait.ge [sflag:s30], $0x40  }
0x1ca: {  	[sflag:s30] =	ssyncset.done $0x0  }
0x1cb: {  	[sflag:s30] =	ssyncadd.s32 $0xFFFFFFC0  }
0x1cc: {  	_ =	swait.ge [sflag:s30], $0x40  }
0x1cd: {  	s2 =	simm.s32 $0x0;
	[sflag:s30] =	ssyncset.done $0x0  }
0x1ce: {  	s1 =	simm.s32 $0x1000;
	s0 =	rddreg [dreg:$0x9];
	[sflag:s30] =	ssyncadd.s32 $0xFFFFFFC0  }
0x1cf: {  	[hbm4b:s0+s2] =	stream.linear.scatter [tilespmem:s1], [sflag:$0x2], $0x1000, $0x38;
	[tilespmem:$0x2180] =	vst v63  }
0x1d0: {  	_ =	swait.ge [sflag:s4], $0x1000  }
0x1d1: {  	[sflag:s4] =	ssyncset.done $0x0  }
0x1d2: {  	s29 =	rddreg [dreg:$0xa];
	[sflag:s4] =	ssyncadd.s32 $0xFFFFF000  }
0x1d3: {  	[hbm4b:s29+s2] =	stream.linear.scatter [tilespmem:s10], [sflag:$0x2], $0x80, $0x38;
	[tilespmem:$0x2180] =	vst v63  }
0x1d4: {  	_ =	swait.ge [sflag:s4], $0x80  }
0x1d5: {  	[sflag:s4] =	ssyncset.done $0x0  }
0x1d6: {  	s30 =	rddreg [dreg:$0xb];
	[sflag:s4] =	ssyncadd.s32 $0xFFFFFF80  }
0x1d7: {  	[hbm4b:s30+s2] =	stream.linear.scatter [tilespmem:s9], [sflag:$0x2], $0x80, $0x38;
	[tilespmem:$0x2180] =	vst v63  }
0x1d8: {  	_ =	swait.ge [sflag:s4], $0x80  }
0x1d9: {  	[sflag:s4] =	ssyncset.done $0x0  }
0x1da: {  	[sflag:s4] =	ssyncadd.s32 $0xFFFFFF80  }
0x1db: {  	_ =	sfence.sel $0x180000  }
0x1dc: {  	[bflag:$0x0] =	sbarrier.arrive $0xFFFF  }
0x1dd: {  	_ =	strace $0x90000047  }
0x1de: {  	s31 =	stileid.u32;
	[bflag:$0x2] =	sbarrier.arrive $0xFFFF  }
0x1df: {  	p0 =	sne.s32 s31, $0x0;
	s0 =	rddreg [dreg:$0x4]  }
0x1e0: {  	s0 =	sadd.s32 @!p0 $0x100000, s0  }
0x1e1: {  	[sflag:s0] =	ssyncadd.tile.s32 @!p0 $0x1;
	_ =	shalt  }
.Lfunc_end2:
_tile_overlayer_lowered:
.L_overlay_start_2:
0x1e2: {  	(tag) =	ssettag $0x2  }
0x1e3: {  	s0 =	rddreg [dreg:$0x0];
	s2 =	stileid.u32  }
0x1e4: {  	s1 =	rddreg [dreg:$0x1];
	p0 =	sne.s32 s2, $0x0  }
0x1e5: {  	s3 =	rddreg [dreg:$0x2];
	[bflag:$0x3] =	sbarrier.arrive $0xFFFF;
	s2 =	simm.s32 @!p0 $0x1C02  }
0x1e6: {  	[timem:s3], [sflag:s2] =	dma.local @!p0 [hbm:s0], s1  }
0x1e7: {  	s0 =	simm.s32 @!p0 $0x2  }
0x1e8: {  	_ =	swait.ge @!p0 [sflag:s0], s1  }
0x1e9: {  	s1 =	ssub.s32 @!p0 $0x0, s1;
	[sflag:s0] =	ssyncset.done @!p0 $0x0  }
0x1ea: {  	[sflag:s0] =	ssyncadd.s32 @!p0 s1  }
0x1eb: {  	[bflag:$0x3] =	sbarrier.arrive $0xFFFF  }
0x1ec: {  	_ =	shalt  }

// kernel: kernel.9.cloned.1.call-start
scs
__scs_entry_jumppad:
0x0: {  	(pc) =	sbr.rel $0x88, $3  }
0x1: {  	(tag) =	ssettag $0x0;
	lr =	simm.s32 $0x1  }
0x2: {  	[smem:$0x3F9B] =	sst lr;
	_ =	strace $0xD0000000  }
0x3: {  	_ = 	snop  }
0x4: {  	_ = 	snop  }
0x5: {  	_ = 	snop  }
0x6: {  	_ = 	snop  }
0x7: {  	_ = 	snop  }
__scs_overlays_trampoline_lowered:
0x8: {  	[smem:$0x3FAA] =	sst s0  }
0x9: {  	[smem:$0x3FAB] =	sst s1  }
0xa: {  	[smem:$0x3FAC] =	sst s2  }
0xb: {  	[smem:$0x3FAD] =	sst s3  }
0xc: {  	[smem:$0x3FAE] =	sst s4  }
0xd: {  	[smem:$0x3FAF] =	sst s5  }
0xe: {  	[smem:$0x3FB0] =	sst s6  }
0xf: {  	[smem:$0x3FB1] =	sst s7  }
0x10: {  	[smem:$0x3FB2] =	sst s8  }
0x11: {  	[smem:$0x3FB3] =	sst s9;
	s0 =	simm.s32 @!p0 $0x0  }
0x12: {  	s1 =	sld [smem:$0x3F99];
	s0 =	simm.s32 @p0 $0x1  }
0x13: {  	[smem:$0x3FB4] =	sst s0;
	s0 =	simm.s32 @!p1 $0x0  }
0x14: {  	s2 =	sld [smem:$0x3F98];
	s0 =	simm.s32 @p1 $0x1  }
0x15: {  	[smem:$0x3FB5] =	sst s0;
	s0 =	simm.s32 @!p2 $0x0  }
0x16: {  	s3 =	sld [smem:$0x3FDB];
	s0 =	simm.s32 @p2 $0x1  }
0x17: {  	s4 =	simm.s32 $0x1BF5;
	[smem:$0x3FB7] =	sst s0  }
0x18: {  	s0 =	sld [smem:$0x3F9A];
	_ =	swait.ge [sflag:s4], $0x0  }
0x19: {  	s7 =	sld [smem:$0x3F9B]  }
0x1a: {  	s8 =	sadd.s32 $0xFFFFE003, lr  }
0x1b: {  	s9 =	sadd.s32 $0xFFFFFEF7, lr;
	s5 =	simm.s32 $0xFFFFFFFF;
	p2 =	slt.u32 s8, $0xFFFFF086  }
0x1c: {  	p1 =	slt.u32 s9, $0xF7A;
	s5 =	simm.s32 @!p2 $0x0  }
0x1d: {  	s5 =	simm.s32 @p1 $0x1;
	p0 =	seq.s32 s7, s2  }
0x1e: {  	s7 =	smul.u32 @!p0 $0xF7A, s2;
	p2 =	seq.s32 @!p0 s5, $0x0  }
0x1f: {  	s9 =	smul.u32 $0xF7A, s1;
	s8 =	simm.s32 @!p0 $0x1BF5;
	p2 =	por !p2, p0  }
0x20: {  	[sflag:s8] =	ssyncset.s32 @!p0 $0xFFFFF086;
	s6 =	sadd.s32 @!p0 s3, s7;
	s7 =	simm.s32 @!p0 $0x108  }
0x21: {  	s3 =	sadd.s32 s3, s9;
	s6 =	sadd.s32 @!p0 $0x88, s6;
	s7 =	simm.s32 @p2 $0x1082  }
0x22: {  	[simem:s7], [sflag:s8] =	dma.local @!p0 [hbm:s6], $0xF7A  }
0x23: {  	s9 =	sor.u32 $0xD0000000, s2;
	s6 =	simm.s32 $0x108;
	_ =	swait.ge @!p0 [sflag:s8], $0x0  }
0x24: {  	s3 =	sadd.s32 $0x88, s3;
	s6 =	simm.s32 @!p1 $0x1082;
	[sflag:s4] =	ssyncset.s32 $0xFFFFF086  }
0x25: {  	[simem:s6], [sflag:s4] =	dma.local [hbm:s3], $0xF7A  }
0x26: {  	[smem:$0x3F9B] =	sst s1;
	(tag) =	ssettag s2;
	_ =	strace s9  }
0x27: {  	s1 =	sld [smem:$0x3FAB]  }
0x28: {  	s2 =	sld [smem:$0x3FAC]  }
0x29: {  	s4 =	sld [smem:$0x3FAE]  }
0x2a: {  	p0 =	seq.s32 s5, $0x0;
	s5 =	sld [smem:$0x3FAF]  }
0x2b: {  	s6 =	sld [smem:$0x3FB0]  }
0x2c: {  	s7 =	sld [smem:$0x3FB1]  }
0x2d: {  	s3 =	simm.s32 $0x108;
	s8 =	sld [smem:$0x3FB2]  }
0x2e: {  	s3 =	simm.s32 @!p0 $0x1082;
	s9 =	sld [smem:$0x3FB3]  }
0x2f: {  	lr =	sadd.s32 s0, s3;
	s0 =	sld [smem:$0x3FAA]  }
0x30: {  	s3 =	sld [smem:$0x3FAD]  }
0x31: {  	[smem:$0x3FB6] =	sst s10  }
0x32: {  	s10 =	sld [smem:$0x3FB4];
	_ =	sdelay $0x3  }
0x33: {  	p0 =	seq.s32 s10, $0x1;
	s10 =	sld [smem:$0x3FB6];
	_ =	sdelay $0x3  }
0x34: {  	[smem:$0x3FB6] =	sst s10  }
0x35: {  	s10 =	sld [smem:$0x3FB5];
	_ =	sdelay $0x3  }
0x36: {  	p1 =	seq.s32 s10, $0x1;
	s10 =	sld [smem:$0x3FB6];
	_ =	sdelay $0x3  }
0x37: {  	[smem:$0x3FB6] =	sst s10  }
0x38: {  	s10 =	sld [smem:$0x3FB7]  }
0x39: {  	_ = 	snop;
	(pc) =	sbr.ind lr, $3  }
0x3a: {  	_ = 	snop  }
0x3b: {  	_ = 	snop  }
0x3c: {  	p2 =	seq.s32 s10, $0x1;
	s10 =	sld [smem:$0x3FB6]  }
0x3d: {  	_ =	shalt  }
0x3e: {  	_ =	shalt  }
0x3f: {  	_ =	shalt  }
0x40: {  	_ =	shalt  }
0x41: {  	_ =	shalt  }
0x42: {  	_ =	shalt  }
0x43: {  	_ =	shalt  }
0x44: {  	_ =	shalt  }
0x45: {  	_ =	shalt  }
0x46: {  	_ =	shalt  }
0x47: {  	_ =	shalt  }
0x48: {  	_ =	shalt  }
0x49: {  	_ =	shalt  }
0x4a: {  	_ =	shalt  }
0x4b: {  	_ =	shalt  }
0x4c: {  	_ =	shalt  }
0x4d: {  	_ =	shalt  }
0x4e: {  	_ =	shalt  }
0x4f: {  	_ =	shalt  }
0x50: {  	_ =	shalt  }
0x51: {  	_ =	shalt  }
0x52: {  	_ =	shalt  }
0x53: {  	_ =	shalt  }
0x54: {  	_ =	shalt  }
0x55: {  	_ =	shalt  }
0x56: {  	_ =	shalt  }
0x57: {  	_ =	shalt  }
0x58: {  	_ =	shalt  }
0x59: {  	_ =	shalt  }
0x5a: {  	_ =	shalt  }
0x5b: {  	_ =	shalt  }
0x5c: {  	_ =	shalt  }
0x5d: {  	_ =	shalt  }
0x5e: {  	_ =	shalt  }
0x5f: {  	_ =	shalt  }
0x60: {  	_ =	shalt  }
0x61: {  	_ =	shalt  }
0x62: {  	_ =	shalt  }
0x63: {  	_ =	shalt  }
0x64: {  	_ =	shalt  }
0x65: {  	_ =	shalt  }
0x66: {  	_ =	shalt  }
0x67: {  	_ =	shalt  }
0x68: {  	_ =	shalt  }
0x69: {  	_ =	shalt  }
0x6a: {  	_ =	shalt  }
0x6b: {  	_ =	shalt  }
0x6c: {  	_ =	shalt  }
0x6d: {  	_ =	shalt  }
0x6e: {  	_ =	shalt  }
0x6f: {  	_ =	shalt  }
0x70: {  	_ =	shalt  }
0x71: {  	_ =	shalt  }
0x72: {  	_ =	shalt  }
0x73: {  	_ =	shalt  }
0x74: {  	_ =	shalt  }
0x75: {  	_ =	shalt  }
0x76: {  	_ =	shalt  }
0x77: {  	_ =	shalt  }
0x78: {  	_ =	shalt  }
0x79: {  	_ =	shalt  }
0x7a: {  	_ =	shalt  }
0x7b: {  	_ =	shalt  }
0x7c: {  	_ =	shalt  }
0x7d: {  	_ =	shalt  }
0x7e: {  	_ =	shalt  }
0x7f: {  	_ =	shalt  }
0x80: {  	_ =	shalt  }
0x81: {  	_ =	shalt  }
0x82: {  	_ =	shalt  }
0x83: {  	_ =	shalt  }
0x84: {  	_ =	shalt  }
0x85: {  	_ =	shalt  }
0x86: {  	_ =	shalt  }
0x87: {  	_ =	shalt  }
.Lfunc_end0:
.L_simem_size_0:
called_computation.1_lowered:
.L_overlay_start_0:
0x88: {  	s2 =	sld [smem:$0x3FD9]  }
0x89: {  	s3 =	sld [smem:$0x3FFE];
	_ =	sdelay $0x1  }
0x8a: {  	s1 =	srdreg.scid  }
0x8b: {  	s0 =	sand.u32 $0x1, s1  }
0x8c: {  	s16 =	sshll.u32 s0, $0xA;
	s2 =	sadd.s32 s3, s2  }
0x8d: {  	s2 =	sadd.s32 s2, s16  }
0x8e: {  	[smem:$0x3FC2] =	sst s2  }
0x8f: {  	_ = 	snop  }
0x90: {  	(tm) =	ssettm $0x1  }
0x91: {  	s17 =	sld [smem:$0x3FFB];
	_ =	sdelay $0x3  }
0x92: {  	_ =	strace s17  }
0x93: {  	s2 =	sld [smem:$0x3FFC];
	_ =	sdelay $0x3  }
0x94: {  	_ =	strace s2  }
0x95: {  	s2 =	sld [smem:$0x3FFD];
	_ =	sdelay $0x3  }
0x96: {  	_ =	strace s2  }
0x97: {  	_ =	strace $0x8FFFFFFF  }
0x98: {  	s18 =	sld [smem:$0x3FDB];
	_ =	sdelay $0x1  }
0x99: {  	s19 =	simm.s32 $_scs_section_size  }
0x9a: {  	s4 =	simm.s32 $_size__tile_overlayer_lowered;
	s5 =	simm.s32 $_tile_overlayer_lowered  }
0x9b: {  	s22 =	simm.s32 $0x1BFF;
	s21 =	sshll.u32 s5, $0x1;
	s2 =	sadd.s32 s19, s18  }
0x9c: {  	s6 =	simm.s32 $0x0;
	s20 =	sshll.u32 s4, $0x1;
	s4 =	sadd.s32 s21, s2  }
0x9d: {  	[timem:s6], [sflag:s22] =	dma.local [hbm:s4], s20  }
0x9e: {  	_ =	swait.ge [sflag:s22], s20  }
0x9f: {  	s3 =	ssub.s32 $0x0, s20;
	[sflag:s22] =	ssyncset.done $0x0  }
0xa0: {  	[sflag:s22] =	ssyncadd.s32 s3;
	_ =	sdelay $0x1  }
0xa1: {  	s23 =	simm.s32 $0x1B8B  }
0xa2: {  	_ =	swait.ge [sflag:s23], $0x1  }
0xa3: {  	[sflag:s23] =	ssyncset.done $0x0  }
0xa4: {  	s25 =	simm.s32 $0x1B8E;
	s24 =	sld [smem:$0x3FFE];
	[sflag:s23] =	ssyncadd.s32 $0xFFFFFFFF  }
0xa5: {  	s26 =	simm.s32 $execute0_lowered;
	[smem:$0x3FD2] =	sst s25  }
0xa6: {  	s4 =	sshll.u32 s26, $0x1;
	_ =	strace $0x80000049;
	[dreg:$0x1] =	wrdreg $0xFFFFFFFF  }
0xa7: {  	s28 =	simm.s32 $_size_execute0_lowered;
	s2 =	sadd.s32 s2, s4;
	[dreg:$0x0] =	wrdreg $0x0  }
0xa8: {  	s4 =	sshll.u32 s28, $0x1;
	[dreg:$0x2] =	wrdreg s2  }
0xa9: {  	[dreg:$0x3] =	wrdreg s4  }
0xaa: {  	[dreg:$0x4] =	wrdreg $0xC0  }
0xab: {  	_ =	task [dreg:s6], $0x5FFFF  }
0xac: {  	[dreg:$0x1] =	wrdreg $0xFFFFFFFF  }
0xad: {  	[dreg:$0x0] =	wrdreg $0x60  }
0xae: {  	[dreg:$0x2] =	wrdreg s24  }
0xaf: {  	[dreg:$0x3] =	wrdreg $0x9  }
0xb0: {  	_ =	task.clear_ibuf [dreg:s6], $0x4FFFF;
	_ =	strace $0x90000049  }
0xb1: {  	s29 =	simm.s32 $0x9;
	_ =	strace $0x8000004B  }
0xb2: {  	_ =	swait.ge [sflag:s29], $0x1  }
0xb3: {  	[sflag:s29] =	ssyncadd.s32 $0xFFFFFFFF  }
0xb4: {  	_ =	strace $0x9000004B  }
0xb5: {  	_ =	sfence  }
0xb6: {  	s30 =	sld [smem:$0x0];
	_ =	sdelay $0x2  }
0xb7: {  	s31 =	sshll.u32 s1, $0xD;
	s1 =	sshrl.u32 s1, $0x2  }
0xb8: {  	s3 =	sand.u32 $0x4000, s31;
	s1 =	sadd.s32 s1, s30  }
0xb9: {  	s0 =	sor.u32 s3, s0;
	s1 =	sshll.u32 s1, $0x11  }
0xba: {  	s0 =	sor.u32 s1, s0  }
0xbb: {  	s0 =	sadd.s32 $0x8F2B, s0  }
0xbc: {  	[sflag:s0] =	ssyncadd.remote.s32 $0x1  }
0xbd: {  	_ =	sfence.sel $0xFFFF  }
0xbe: {  	[dreg:$0x0] =	wrdreg $0xFFFFFFFF;
	(pc) =	sbr.abs _section_cstart, $3  }
0xbf: {  	[dreg:$0x1] =	wrdreg $0xFFFFFFFF  }
0xc0: {  	_ =	task.clear_ibuf [dreg:s6], $0x2FFFF;
	_ =	strace $0x9FFFFFFF  }
0xc1: {  	(tm) =	ssettm $0x7FFFFFFF  }
tec
execute0_lowered:
.L_overlay_start_1:
0x0: {  	(tag) =	ssettag $0x1  }
0x1: {  	s0 =	srdreg.scid  }
0x2: {  	s9 =	sand.u32 $0x1, s0  }
0x3: {  	s0 =	stileid.u32;
	s1 =	smul.u32 $0x1E00, s9  }
0x4: {  	s2 =	smul.u32 $0x1E0, s0;
	_ =	sdelay $0x1  }
0x5: {  	s3 =	sadd.s32 s2, s1  }
0x6: {  	s7 =	rddreg [dreg:$0x0];
	s2 =	simm.s32 $0x0;
	s6 =	sshll.u32 s3, $0x4  }
0x7: {  	s4 =	simm.s32 $0x2;
	[smem:$0x7FF] =	sst s2;
	s3 =	sadd.s32 s6, s7  }
0x8: {  	s1 =	rddreg [dreg:$0x1];
	_ =	strace $0x8000004A;
	s3 =	sadd.s32 $0x9A00, s3  }
0x9: {  	[tilespmem:s2], [sflag:$0x2] =	stream.linear.gather [hbm4b:s3+s2], $0xF000, $0x38;
	[tilespmem:$0x13080] =	vst v63  }
0xa: {  	_ =	swait.ge [sflag:s4], $0xF000  }
0xb: {  	s5 =	sadd.s32 $0x45A00, s7;
	[sflag:s4] =	ssyncset.done $0x0  }
0xc: {  	s6 =	sadd.s32 s5, s6;
	[sflag:s4] =	ssyncadd.s32 $0xFFFF1000  }
0xd: {  	[hbm4b:s6+s2] =	stream.linear.scatter [tilespmem:s2], [sflag:$0x2], $0xF000, $0x38;
	[tilespmem:$0x13080] =	vst v63  }
0xe: {  	s8 =	sshll.u32 s0, $0xB;
	s10 =	sshll.u32 s0, $0x4;
	_ =	swait.ge [sflag:s4], $0xF000  }
0xf: {  	s11 =	ssub.s32 $0x2, s9;
	s9 =	sshll.u32 s9, $0x8;
	[sflag:s4] =	ssyncset.done $0x0  }
0x10: {  	s8 =	sadd.s32 s8, s7;
	s10 =	sadd.s32 s10, s7;
	[sflag:s4] =	ssyncadd.s32 $0xFFFF1000  }
0x11: {  	s7 =	sadd.s32 $0x1400, s8;
	s8 =	simm.s32 $0xF000;
	[bflag:$0x0] =	sbarrier.arrive $0xFFFF  }
0x12: {  	[tilespmem:s8], [sflag:$0x2] =	stream.linear.gather [hbm4b:s7+s2], $0x4000, $0x38;
	[tilespmem:$0x13080] =	vst v63  }
0x13: {  	s12 =	sshrl.u32 s11, $0x1;
	s9 =	sadd.s32 s9, s10;
	_ =	swait.ge [sflag:s4], $0x4000  }
0x14: {  	s10 =	simm.s32 $0x13000;
	s11 =	ssub.s32 s11, s12;
	[sflag:s4] =	ssyncset.done $0x0  }
0x15: {  	s9 =	sadd.s32 $0x9400, s9;
	s13 =	smax.u32 s11, $0x1;
	[sflag:s4] =	ssyncadd.s32 $0xFFFFC000  }
0x16: {  	[tilespmem:s10], [sflag:$0x2] =	stream.linear.gather [hbm4b:s9+s2], $0x80, $0x38;
	[tilespmem:$0x13080] =	vst v63  }
0x17: {  	p0 =	sne.s32 s13, $0x1;
	_ =	swait.ge [sflag:s4], $0x80  }
.Ltmp0:
0x18: {  	[sflag:s4] =	ssyncset.done $0x0;
	(pc) =	sbr.rel @!p0 .LBB2_2-.Ltmp0, $4  }
0x19: {  	s12 =	simm.s32 $0x80;
	s11 =	simm.s32 $0x1;
	[sflag:s4] =	ssyncadd.s32 $0xFFFFFF80  }
0x1a: {  	[hbm4b:s5+s12] =	stream.indirect.scatter [tilespmem:s8], [sflag:$0x1], $0x80, s10, s12, $0xb8;
	[tilespmem:$0x13080] =	vst v63  }
0x1b: {  	_ =	swait.ge [sflag:s11], $0x4000  }
0x1c: {  	s13 =	sadd.s32 $0xFFFFFFFF, s13;
	[sflag:s11] =	ssyncset.done $0x0  }
.LBB2_1:
0x1d: {  	p0 =	sne.s32 s13, $0x1;
	s13 =	sadd.s32 $0xFFFFFFFF, s13;
	[sflag:s11] =	ssyncadd.s32 $0xFFFFC000  }
0x1e: {  	[tilespmem:s2], [sflag:$0x2] =	stream.linear.gather [hbm4b:s3+s2], $0xF000, $0x38;
	[tilespmem:$0x13080] =	vst v63  }
0x1f: {  	_ =	swait.ge [sflag:s4], $0xF000  }
0x20: {  	[sflag:s4] =	ssyncset.done $0x0  }
0x21: {  	[sflag:s4] =	ssyncadd.s32 $0xFFFF1000  }
0x22: {  	[hbm4b:s6+s2] =	stream.linear.scatter [tilespmem:s2], [sflag:$0x2], $0xF000, $0x38;
	[tilespmem:$0x13080] =	vst v63  }
0x23: {  	_ =	swait.ge [sflag:s4], $0xF000  }
0x24: {  	[sflag:s4] =	ssyncset.done $0x0  }
0x25: {  	[sflag:s4] =	ssyncadd.s32 $0xFFFF1000  }
0x26: {  	[bflag:$0x0] =	sbarrier.arrive $0xFFFF  }
0x27: {  	[tilespmem:s8], [sflag:$0x2] =	stream.linear.gather [hbm4b:s7+s2], $0x4000, $0x38;
	[tilespmem:$0x13080] =	vst v63  }
0x28: {  	_ =	swait.ge [sflag:s4], $0x4000  }
0x29: {  	[sflag:s4] =	ssyncset.done $0x0  }
0x2a: {  	[sflag:s4] =	ssyncadd.s32 $0xFFFFC000  }
0x2b: {  	[tilespmem:s10], [sflag:$0x2] =	stream.linear.gather [hbm4b:s9+s2], $0x80, $0x38;
	[tilespmem:$0x13080] =	vst v63  }
0x2c: {  	_ =	swait.ge [sflag:s4], $0x80  }
.Ltmp1:
0x2d: {  	[sflag:s4] =	ssyncset.done $0x0;
	(pc) =	sbr.rel @p0 .LBB2_1-.Ltmp1, $4  }
0x2e: {  	[sflag:s4] =	ssyncadd.s32 $0xFFFFFF80  }
0x2f: {  	[hbm4b:s5+s12] =	stream.indirect.scatter [tilespmem:s8], [sflag:$0x1], $0x80, s10, s12, $0xb8;
	[tilespmem:$0x13080] =	vst v63  }
0x30: {  	_ =	swait.ge [sflag:s11], $0x4000  }
0x31: {  	[sflag:s11] =	ssyncset.done $0x0  }
.LBB2_2:
0x32: {  	[sflag:s11] =	ssyncadd.s32 $0xFFFFC000  }
0x33: {  	_ =	sfence.sel $0x180000  }
0x34: {  	[bflag:$0x0] =	sbarrier.arrive $0xFFFF  }
0x35: {  	p0 =	sne.s32 s0, $0x0;
	_ =	strace $0x9000004A  }
0x36: {  	s0 =	sadd.s32 @!p0 $0x100000, s1;
	[bflag:$0x2] =	sbarrier.arrive $0xFFFF  }
0x37: {  	[sflag:s0] =	ssyncadd.tile.s32 @!p0 $0x1;
	_ =	shalt  }
.Lfunc_end2:
_tile_overlayer_lowered:
.L_overlay_start_2:
0x38: {  	(tag) =	ssettag $0x2  }
0x39: {  	s0 =	rddreg [dreg:$0x0];
	s2 =	stileid.u32  }
0x3a: {  	s1 =	rddreg [dreg:$0x1];
	p0 =	sne.s32 s2, $0x0  }
0x3b: {  	s3 =	rddreg [dreg:$0x2];
	[bflag:$0x3] =	sbarrier.arrive $0xFFFF;
	s2 =	simm.s32 @!p0 $0x1C02  }
0x3c: {  	[timem:s3], [sflag:s2] =	dma.local @!p0 [hbm:s0], s1  }
0x3d: {  	s0 =	simm.s32 @!p0 $0x2  }
0x3e: {  	_ =	swait.ge @!p0 [sflag:s0], s1  }
0x3f: {  	s1 =	ssub.s32 @!p0 $0x0, s1;
	[sflag:s0] =	ssyncset.done @!p0 $0x0  }
0x40: {  	[sflag:s0] =	ssyncadd.s32 @!p0 s1  }
0x41: {  	[bflag:$0x3] =	sbarrier.arrive $0xFFFF  }
0x42: {  	_ =	shalt  }

</sc_bundles>
